<compile_context>
chip_gen: v7x
topology: tpu7x:2x2x1
jax: 0.10.2.dev20260603
libtpu: 0.0.44.dev20260713+nightly
codegen_flags: <defaults>
</compile_context>

<pallas_src>
import functools

import jax
import jax.numpy as jnp
from jax import lax
from jax.experimental import pallas as pl
from jax.experimental.pallas import tpu as pltpu
from jax.experimental.pallas import tpu_sc as plsc

NC = 2
NS = 16
L = 16
NW = NC * NS

CHUNK = 80
UNROLL = 8
OBLK = 25


def _body(epw, nchunk, d, nv, z_hbm, src_hbm, dst_hbm, out_hbm,
          zsh, sidx0, didx0, sidx1, didx1,
          srows0, drows0, srows1, drows1, outv,
          sem_i0, sem_i1, sem_s0, sem_d0, sem_s1, sem_d1):
    cid = lax.axis_index("c")
    sid = lax.axis_index("s")
    wid = sid * NC + cid
    base = wid * epw
    lanes = lax.iota(jnp.int32, 16)

    bufs = ((sidx0, didx0, sem_i0, srows0, drows0, sem_s0, sem_d0),
            (sidx1, didx1, sem_i1, srows1, drows1, sem_s1, sem_d1))

    def idx_start(c, b):
        sidx, didx, sem_i = bufs[b][:3]
        off = base + c * CHUNK
        pltpu.async_copy(src_hbm.at[pl.ds(off, CHUNK)], sidx, sem_i)
        pltpu.async_copy(dst_hbm.at[pl.ds(off, CHUNK)], didx, sem_i)

    def idx_wait(b):
        sidx, didx, sem_i = bufs[b][:3]
        pltpu.make_async_copy(src_hbm.at[pl.ds(0, CHUNK)], sidx, sem_i).wait()
        pltpu.make_async_copy(dst_hbm.at[pl.ds(0, CHUNK)], didx, sem_i).wait()

    def rows_start(b):
        sidx, didx, _, srows, drows, sem_s, sem_d = bufs[b]
        pltpu.async_copy(zsh.at[sidx], srows, sem_s)
        pltpu.async_copy(z_hbm.at[didx], drows, sem_d)

    def rows_wait(b):
        sidx, didx, _, srows, drows, sem_s, sem_d = bufs[b]
        pltpu.make_async_copy(zsh.at[sidx], srows, sem_s).wait()
        pltpu.make_async_copy(z_hbm.at[didx], drows, sem_d).wait()

    def compute(c, b):
        srows, drows = bufs[b][3:5]
        ob = lax.rem(c, OBLK)
        obase = ob * CHUNK
        zero = jnp.zeros((L,), jnp.float32)
        for g in range(CHUNK // L):
            rows = lanes + g * L

            def feat_body(k8, accs):
                out = []
                for j in range(UNROLL):
                    col = (lanes + (k8 * UNROLL + j)) & (d - 1)
                    s = plsc.load_gather(srows, [rows, col])
                    t = plsc.load_gather(drows, [rows, col])
                    out.append(accs[j] + s * t)
                return tuple(out)

            accs = lax.fori_loop(0, d // UNROLL, feat_body,
                                 (zero,) * UNROLL)
            acc = accs[0]
            for j in range(1, UNROLL):
                acc = acc + accs[j]
            outv[pl.ds(obase + g * L, L)] = acc
        @pl.when(ob == OBLK - 1)
        def _():
            pltpu.sync_copy(outv,
                            out_hbm.at[pl.ds(base + (c - (OBLK - 1)) * CHUNK,
                                             OBLK * CHUNK)])

    idx_start(0, 0)
    idx_start(1, 1)

    npt = (nv // NS) & ~7
    pltpu.sync_copy(z_hbm.at[pl.ds(sid * npt, npt)],
                    zsh.at[pl.ds(sid * npt, npt)])
    tail = nv - npt * NS
    if tail:
        @pl.when(sid == 0)
        def _():
            pltpu.sync_copy(z_hbm.at[pl.ds(npt * NS, tail)],
                            zsh.at[pl.ds(npt * NS, tail)])
    plsc.subcore_barrier()

    idx_wait(0)
    rows_start(0)

    def step(c, p, last):
        if not last:
            idx_wait(p ^ 1)
            rows_start(p ^ 1)
        rows_wait(p)
        if not last:
            @pl.when(c + 2 < nchunk)
            def _():
                idx_start(c + 2, p)
        compute(c, p)

    def pair_body(i, carry):
        c0 = i * 2
        step(c0, 0, False)
        step(c0 + 1, 1, False)
        return carry

    lax.fori_loop(0, (nchunk - 1) // 2, pair_body, 0)
    step(nchunk - 1, 0, True)


def kernel(z, edge_index):
    e = edge_index.shape[1]
    d = z.shape[1]
    nv = z.shape[0]
    epw = e // NW
    nchunk = epw // CHUNK
    ei = edge_index.astype(jnp.int32)
    src = ei[0]
    dst = ei[1]

    mesh = plsc.VectorSubcoreMesh(core_axis_name="c", subcore_axis_name="s")
    run = pl.kernel(
        functools.partial(_body, epw, nchunk, d, nv),
        out_type=jax.ShapeDtypeStruct((e,), jnp.float32),
        mesh=mesh,
        compiler_params=pltpu.CompilerParams(needs_layout_passes=False),
        scratch_types=[
            pltpu.VMEM_SHARED((nv, d), jnp.float32),
            pltpu.VMEM((CHUNK,), jnp.int32),
            pltpu.VMEM((CHUNK,), jnp.int32),
            pltpu.VMEM((CHUNK,), jnp.int32),
            pltpu.VMEM((CHUNK,), jnp.int32),
            pltpu.VMEM((CHUNK, d), jnp.float32),
            pltpu.VMEM((CHUNK, d), jnp.float32),
            pltpu.VMEM((CHUNK, d), jnp.float32),
            pltpu.VMEM((CHUNK, d), jnp.float32),
            pltpu.VMEM((OBLK * CHUNK,), jnp.float32),
            pltpu.SemaphoreType.DMA,
            pltpu.SemaphoreType.DMA,
            pltpu.SemaphoreType.DMA,
            pltpu.SemaphoreType.DMA,
            pltpu.SemaphoreType.DMA,
            pltpu.SemaphoreType.DMA,
        ],
    )
    return run(z, src, dst)

# --- scband reference (transcript-rebuilt; emitter-appended) ---
"""Pipeline reference for scband-weighted-decoder-33157147525371 (READ-ONLY COPY).

The authoritative reference and input builder live on the scoring server;
editing this copy changes nothing except your own understanding.
"""

import jax, jax.numpy as jnp
import numpy as np


def setup_inputs(seed: int = 0) -> dict:
    key = jax.random.key(seed)
    k1, k2 = jax.random.split(key, 2)
    z = jax.random.normal(k1, (10000, 128), dtype=jnp.float32)
    edge_index = jax.random.randint(k2, (2, 320000), 0, 10000, dtype=jnp.int64)
    return {"z": z, "edge_index": edge_index}


def reference(z, edge_index):
    # value = (z[edge_index[0]] * z[edge_index[1]]).sum(dim=1)
    src = jnp.take(z, edge_index[0], axis=0)
    dst = jnp.take(z, edge_index[1], axis=0)
    value = (src * dst).sum(axis=1)
    return value

if __name__ == "__main__":
    import jax
    _d = setup_inputs()
    print(jax.jit(kernel)(*tuple(_d.values())))

</pallas_src>

<mosaic_0001>
#map = affine_map<(d0, d1) -> (0, 0)>
#map1 = affine_map<(d0, d1) -> (0)>
module attributes {stable_mosaic.version = 14 : i64} {
  func.func @_body(%arg0: i32, %arg1: i32, %arg2: memref<10000x128xf32, #tpu.memory_space<hbm>>, %arg3: memref<320000xi32, #tpu.memory_space<hbm>>, %arg4: memref<320000xi32, #tpu.memory_space<hbm>>, %arg5: memref<320000xf32, #tpu.memory_space<hbm>>, %arg6: memref<10000x128xf32, #tpu.memory_space<vmem_shared>>, %arg7: memref<80xi32, #tpu.memory_space<vmem>>, %arg8: memref<80xi32, #tpu.memory_space<vmem>>, %arg9: memref<80xi32, #tpu.memory_space<vmem>>, %arg10: memref<80xi32, #tpu.memory_space<vmem>>, %arg11: memref<80x128xf32, #tpu.memory_space<vmem>>, %arg12: memref<80x128xf32, #tpu.memory_space<vmem>>, %arg13: memref<80x128xf32, #tpu.memory_space<vmem>>, %arg14: memref<80x128xf32, #tpu.memory_space<vmem>>, %arg15: memref<2000xf32, #tpu.memory_space<vmem>>, %arg16: memref<!tpu.dma_semaphore, #tpu.memory_space<semaphore_mem>>, %arg17: memref<!tpu.dma_semaphore, #tpu.memory_space<semaphore_mem>>, %arg18: memref<!tpu.dma_semaphore, #tpu.memory_space<semaphore_mem>>, %arg19: memref<!tpu.dma_semaphore, #tpu.memory_space<semaphore_mem>>, %arg20: memref<!tpu.dma_semaphore, #tpu.memory_space<semaphore_mem>>, %arg21: memref<!tpu.dma_semaphore, #tpu.memory_space<semaphore_mem>>) attributes {dimension_semantics = [#tpu.dimension_semantics<core_parallel>, #tpu.dimension_semantics<subcore_parallel>], iteration_bounds = array<i64: 2, 16>, scalar_prefetch = 0 : i64, scratch_operands = 16 : i64, tpu.core_type = #tpu.core_type<sc_vector_subcore>, window_params = [{transform_indices = #map}, {transform_indices = #map1}, {transform_indices = #map1}, {transform_indices = #map1}]} {
    %mul3A = arith.constant 2 : i32
    %mul3A_0 = arith.muli %arg1, %mul3A : i32
    %add3A = arith.addi %mul3A_0, %arg0 : i32
    %mul3A_1 = arith.constant 10000 : i32
    %mul3A_2 = arith.muli %add3A, %mul3A_1 : i32
    %iota3A = tpu.iota {dimensions = array<i32: 0>} : vector<16xi32>
    %add3A_3 = arith.constant 0 : i32
    %add3A_4 = arith.addi %mul3A_2, %add3A_3 : i32
    %dma_start3A = tpu.memref_slice %arg3[%add3A_4] : memref<320000xi32, #tpu.memory_space<hbm>> -> memref<80xi32, #tpu.memory_space<hbm>>
    %dma_start3A_5 = tpu.memref_slice %arg3[%add3A_4] : memref<320000xi32, #tpu.memory_space<hbm>> -> memref<80xi32, #tpu.memory_space<hbm>>
    tpu.enqueue_dma source(%dma_start3A_5 : memref<80xi32, #tpu.memory_space<hbm>>) target(%arg7 : memref<80xi32, #tpu.memory_space<vmem>>) target_semaphore(%arg16 : memref<!tpu.dma_semaphore, #tpu.memory_space<semaphore_mem>>)
    %dma_start3A_6 = tpu.memref_slice %arg4[%add3A_4] : memref<320000xi32, #tpu.memory_space<hbm>> -> memref<80xi32, #tpu.memory_space<hbm>>
    %dma_start3A_7 = tpu.memref_slice %arg4[%add3A_4] : memref<320000xi32, #tpu.memory_space<hbm>> -> memref<80xi32, #tpu.memory_space<hbm>>
    tpu.enqueue_dma source(%dma_start3A_7 : memref<80xi32, #tpu.memory_space<hbm>>) target(%arg8 : memref<80xi32, #tpu.memory_space<vmem>>) target_semaphore(%arg16 : memref<!tpu.dma_semaphore, #tpu.memory_space<semaphore_mem>>)
    %add3A_8 = arith.constant 80 : i32
    %add3A_9 = arith.addi %mul3A_2, %add3A_8 : i32
    %dma_start3A_10 = tpu.memref_slice %arg3[%add3A_9] : memref<320000xi32, #tpu.memory_space<hbm>> -> memref<80xi32, #tpu.memory_space<hbm>>
    %dma_start3A_11 = tpu.memref_slice %arg3[%add3A_9] : memref<320000xi32, #tpu.memory_space<hbm>> -> memref<80xi32, #tpu.memory_space<hbm>>
    tpu.enqueue_dma source(%dma_start3A_11 : memref<80xi32, #tpu.memory_space<hbm>>) target(%arg9 : memref<80xi32, #tpu.memory_space<vmem>>) target_semaphore(%arg17 : memref<!tpu.dma_semaphore, #tpu.memory_space<semaphore_mem>>)
    %dma_start3A_12 = tpu.memref_slice %arg4[%add3A_9] : memref<320000xi32, #tpu.memory_space<hbm>> -> memref<80xi32, #tpu.memory_space<hbm>>
    %dma_start3A_13 = tpu.memref_slice %arg4[%add3A_9] : memref<320000xi32, #tpu.memory_space<hbm>> -> memref<80xi32, #tpu.memory_space<hbm>>
    tpu.enqueue_dma source(%dma_start3A_13 : memref<80xi32, #tpu.memory_space<hbm>>) target(%arg10 : memref<80xi32, #tpu.memory_space<vmem>>) target_semaphore(%arg17 : memref<!tpu.dma_semaphore, #tpu.memory_space<semaphore_mem>>)
    %mul3A_14 = arith.constant 624 : i32
    %mul3A_15 = arith.muli %arg1, %mul3A_14 : i32
    %mul3A_16 = arith.constant 624 : i32
    %mul3A_17 = arith.muli %arg1, %mul3A_16 : i32
    "tpu.region"() ({
      %run_scoped3A = tpu.sem_alloc : memref<!tpu.dma_semaphore, #tpu.memory_space<semaphore_mem>>
      %dma_start3A_153 = arith.constant 0 : i32
      %dma_start3A_154 = tpu.memref_slice %arg6[%mul3A_17, %dma_start3A_153] : memref<10000x128xf32, #tpu.memory_space<vmem_shared>> -> memref<624x128xf32, #tpu.memory_space<vmem_shared>>
      %dma_start3A_155 = arith.constant 0 : i32
      %dma_start3A_156 = tpu.memref_slice %arg2[%mul3A_15, %dma_start3A_155] : memref<10000x128xf32, #tpu.memory_space<hbm>> -> memref<624x128xf32, #tpu.memory_space<hbm>>
      tpu.enqueue_dma source(%dma_start3A_156 : memref<624x128xf32, #tpu.memory_space<hbm>>) target(%dma_start3A_154 : memref<624x128xf32, #tpu.memory_space<vmem_shared>>) target_semaphore(%run_scoped3A : memref<!tpu.dma_semaphore, #tpu.memory_space<semaphore_mem>>)
      %dma_wait3A_157 = arith.constant 0 : i32
      %dma_wait3A_158 = tpu.memref_slice %arg6[%mul3A_17, %dma_wait3A_157] : memref<10000x128xf32, #tpu.memory_space<vmem_shared>> -> memref<624x128xf32, #tpu.memory_space<vmem_shared>>
      %dma_wait3A_159 = arith.constant 0 : i32
      %dma_wait3A_160 = tpu.memref_slice %arg2[%mul3A_15, %dma_wait3A_159] : memref<10000x128xf32, #tpu.memory_space<hbm>> -> memref<624x128xf32, #tpu.memory_space<hbm>>
      tpu.wait_dma2 semaphore(%run_scoped3A : memref<!tpu.dma_semaphore, #tpu.memory_space<semaphore_mem>>) src(%dma_wait3A_160 : memref<624x128xf32, #tpu.memory_space<hbm>>) dst(%dma_wait3A_158 : memref<624x128xf32, #tpu.memory_space<vmem_shared>>)
      tpu.yield
    }) : () -> ()
    %eq3A = arith.constant 0 : i32
    %eq3A_18 = arith.cmpi eq, %arg1, %eq3A : i32
    %convert_element_type3A = arith.extui %eq3A_18 : i1 to i32
    %cond3A = arith.constant 0 : i32
    %cond3A_19 = arith.cmpi ne, %convert_element_type3A, %cond3A : i32
    scf.if %cond3A_19 {
      "tpu.region"() ({
        %run_scoped3A = tpu.sem_alloc : memref<!tpu.dma_semaphore, #tpu.memory_space<semaphore_mem>>
        %dma_start3A_153 = arith.constant 9984 : i32
        %dma_start3A_154 = arith.constant 0 : i32
        %dma_start3A_155 = tpu.memref_slice %arg6[%dma_start3A_153, %dma_start3A_154] : memref<10000x128xf32, #tpu.memory_space<vmem_shared>> -> memref<16x128xf32, #tpu.memory_space<vmem_shared>>
        %dma_start3A_156 = arith.constant 9984 : i32
        %dma_start3A_157 = arith.constant 0 : i32
        %dma_start3A_158 = tpu.memref_slice %arg2[%dma_start3A_156, %dma_start3A_157] : memref<10000x128xf32, #tpu.memory_space<hbm>> -> memref<16x128xf32, #tpu.memory_space<hbm>>
        tpu.enqueue_dma source(%dma_start3A_158 : memref<16x128xf32, #tpu.memory_space<hbm>>) target(%dma_start3A_155 : memref<16x128xf32, #tpu.memory_space<vmem_shared>>) target_semaphore(%run_scoped3A : memref<!tpu.dma_semaphore, #tpu.memory_space<semaphore_mem>>)
        %dma_wait3A_159 = arith.constant 9984 : i32
        %dma_wait3A_160 = arith.constant 0 : i32
        %dma_wait3A_161 = tpu.memref_slice %arg6[%dma_wait3A_159, %dma_wait3A_160] : memref<10000x128xf32, #tpu.memory_space<vmem_shared>> -> memref<16x128xf32, #tpu.memory_space<vmem_shared>>
        %dma_wait3A_162 = arith.constant 9984 : i32
        %dma_wait3A_163 = arith.constant 0 : i32
        %dma_wait3A_164 = tpu.memref_slice %arg2[%dma_wait3A_162, %dma_wait3A_163] : memref<10000x128xf32, #tpu.memory_space<hbm>> -> memref<16x128xf32, #tpu.memory_space<hbm>>
        tpu.wait_dma2 semaphore(%run_scoped3A : memref<!tpu.dma_semaphore, #tpu.memory_space<semaphore_mem>>) src(%dma_wait3A_164 : memref<16x128xf32, #tpu.memory_space<hbm>>) dst(%dma_wait3A_161 : memref<16x128xf32, #tpu.memory_space<vmem_shared>>)
        tpu.yield
      }) : () -> ()
    } else {
    }
    %barrier3A = arith.constant 0 : index
    tpu.barrier barrier_id(%barrier3A)
    %dma_wait3A = arith.constant 0 : i32
    %dma_wait3A_20 = tpu.memref_slice %arg3[%dma_wait3A] : memref<320000xi32, #tpu.memory_space<hbm>> -> memref<80xi32, #tpu.memory_space<hbm>>
    %dma_wait3A_21 = arith.constant 0 : i32
    %dma_wait3A_22 = tpu.memref_slice %arg3[%dma_wait3A_21] : memref<320000xi32, #tpu.memory_space<hbm>> -> memref<80xi32, #tpu.memory_space<hbm>>
    tpu.wait_dma2 semaphore(%arg16 : memref<!tpu.dma_semaphore, #tpu.memory_space<semaphore_mem>>) src(%dma_wait3A_22 : memref<80xi32, #tpu.memory_space<hbm>>) dst(%arg7 : memref<80xi32, #tpu.memory_space<vmem>>)
    %dma_wait3A_23 = arith.constant 0 : i32
    %dma_wait3A_24 = tpu.memref_slice %arg4[%dma_wait3A_23] : memref<320000xi32, #tpu.memory_space<hbm>> -> memref<80xi32, #tpu.memory_space<hbm>>
    %dma_wait3A_25 = arith.constant 0 : i32
    %dma_wait3A_26 = tpu.memref_slice %arg4[%dma_wait3A_25] : memref<320000xi32, #tpu.memory_space<hbm>> -> memref<80xi32, #tpu.memory_space<hbm>>
    tpu.wait_dma2 semaphore(%arg16 : memref<!tpu.dma_semaphore, #tpu.memory_space<semaphore_mem>>) src(%dma_wait3A_26 : memref<80xi32, #tpu.memory_space<hbm>>) dst(%arg8 : memref<80xi32, #tpu.memory_space<vmem>>)
    %dma_start3A_27 = arith.constant 0 : i32
    %dma_start3A_28 = arith.constant 0 : i32
    %dma_start3A_29 = tpu.memref_slice %arg6[%dma_start3A_27, %dma_start3A_28] : memref<10000x128xf32, #tpu.memory_space<vmem_shared>> -> memref<10000x128xf32, #tpu.memory_space<vmem_shared>>
    tpu.enqueue_indirect_dma source(%dma_start3A_29 : memref<10000x128xf32, #tpu.memory_space<vmem_shared>>) target(%arg11 : memref<80x128xf32, #tpu.memory_space<vmem>>) offsets(%arg7 : memref<80xi32, #tpu.memory_space<vmem>>) semaphore(%arg18 : memref<!tpu.dma_semaphore, #tpu.memory_space<semaphore_mem>>)
    %dma_start3A_30 = arith.constant 0 : i32
    %dma_start3A_31 = arith.constant 0 : i32
    %dma_start3A_32 = tpu.memref_slice %arg2[%dma_start3A_30, %dma_start3A_31] : memref<10000x128xf32, #tpu.memory_space<hbm>> -> memref<10000x128xf32, #tpu.memory_space<hbm>>
    tpu.enqueue_indirect_dma source(%dma_start3A_32 : memref<10000x128xf32, #tpu.memory_space<hbm>>) target(%arg12 : memref<80x128xf32, #tpu.memory_space<vmem>>) offsets(%arg8 : memref<80xi32, #tpu.memory_space<vmem>>) semaphore(%arg19 : memref<!tpu.dma_semaphore, #tpu.memory_space<semaphore_mem>>)
    %scan3A = arith.constant 0 : i32
    %scan3A_33 = arith.constant 0 : i32
    %scan3A_34 = arith.constant 62 : i32
    %scan3A_35 = arith.addi %scan3A_33, %scan3A_34 : i32
    %scan3A_36 = arith.constant 1 : i32
    scf.for %scan3A_153 = %scan3A_33 to %scan3A_35 step %scan3A_36  : i32 {
      %mul3A_154 = arith.constant 2 : i32
      %mul3A_155 = arith.muli %scan3A_153, %mul3A_154 : i32
      %dma_wait3A_156 = arith.constant 0 : i32
      %dma_wait3A_157 = tpu.memref_slice %arg3[%dma_wait3A_156] : memref<320000xi32, #tpu.memory_space<hbm>> -> memref<80xi32, #tpu.memory_space<hbm>>
      %dma_wait3A_158 = arith.constant 0 : i32
      %dma_wait3A_159 = tpu.memref_slice %arg3[%dma_wait3A_158] : memref<320000xi32, #tpu.memory_space<hbm>> -> memref<80xi32, #tpu.memory_space<hbm>>
      tpu.wait_dma2 semaphore(%arg17 : memref<!tpu.dma_semaphore, #tpu.memory_space<semaphore_mem>>) src(%dma_wait3A_159 : memref<80xi32, #tpu.memory_space<hbm>>) dst(%arg9 : memref<80xi32, #tpu.memory_space<vmem>>)
      %dma_wait3A_160 = arith.constant 0 : i32
      %dma_wait3A_161 = tpu.memref_slice %arg4[%dma_wait3A_160] : memref<320000xi32, #tpu.memory_space<hbm>> -> memref<80xi32, #tpu.memory_space<hbm>>
      %dma_wait3A_162 = arith.constant 0 : i32
      %dma_wait3A_163 = tpu.memref_slice %arg4[%dma_wait3A_162] : memref<320000xi32, #tpu.memory_space<hbm>> -> memref<80xi32, #tpu.memory_space<hbm>>
      tpu.wait_dma2 semaphore(%arg17 : memref<!tpu.dma_semaphore, #tpu.memory_space<semaphore_mem>>) src(%dma_wait3A_163 : memref<80xi32, #tpu.memory_space<hbm>>) dst(%arg10 : memref<80xi32, #tpu.memory_space<vmem>>)
      %dma_start3A_164 = arith.constant 0 : i32
      %dma_start3A_165 = arith.constant 0 : i32
      %dma_start3A_166 = tpu.memref_slice %arg6[%dma_start3A_164, %dma_start3A_165] : memref<10000x128xf32, #tpu.memory_space<vmem_shared>> -> memref<10000x128xf32, #tpu.memory_space<vmem_shared>>
      tpu.enqueue_indirect_dma source(%dma_start3A_166 : memref<10000x128xf32, #tpu.memory_space<vmem_shared>>) target(%arg13 : memref<80x128xf32, #tpu.memory_space<vmem>>) offsets(%arg9 : memref<80xi32, #tpu.memory_space<vmem>>) semaphore(%arg20 : memref<!tpu.dma_semaphore, #tpu.memory_space<semaphore_mem>>)
      %dma_start3A_167 = arith.constant 0 : i32
      %dma_start3A_168 = arith.constant 0 : i32
      %dma_start3A_169 = tpu.memref_slice %arg2[%dma_start3A_167, %dma_start3A_168] : memref<10000x128xf32, #tpu.memory_space<hbm>> -> memref<10000x128xf32, #tpu.memory_space<hbm>>
      tpu.enqueue_indirect_dma source(%dma_start3A_169 : memref<10000x128xf32, #tpu.memory_space<hbm>>) target(%arg14 : memref<80x128xf32, #tpu.memory_space<vmem>>) offsets(%arg10 : memref<80xi32, #tpu.memory_space<vmem>>) semaphore(%arg21 : memref<!tpu.dma_semaphore, #tpu.memory_space<semaphore_mem>>)
      %dma_wait3A_170 = arith.constant 0 : i32
      %dma_wait3A_171 = arith.constant 0 : i32
      %dma_wait3A_172 = tpu.memref_slice %arg6[%dma_wait3A_170, %dma_wait3A_171] : memref<10000x128xf32, #tpu.memory_space<vmem_shared>> -> memref<10000x128xf32, #tpu.memory_space<vmem_shared>>
      tpu.wait_indirect_dma semaphore(%arg18 : memref<!tpu.dma_semaphore, #tpu.memory_space<semaphore_mem>>) src(%dma_wait3A_172 : memref<10000x128xf32, #tpu.memory_space<vmem_shared>>) dst(%arg11 : memref<80x128xf32, #tpu.memory_space<vmem>>)
      %dma_wait3A_173 = arith.constant 0 : i32
      %dma_wait3A_174 = arith.constant 0 : i32
      %dma_wait3A_175 = tpu.memref_slice %arg2[%dma_wait3A_173, %dma_wait3A_174] : memref<10000x128xf32, #tpu.memory_space<hbm>> -> memref<10000x128xf32, #tpu.memory_space<hbm>>
      tpu.wait_indirect_dma semaphore(%arg19 : memref<!tpu.dma_semaphore, #tpu.memory_space<semaphore_mem>>) src(%dma_wait3A_175 : memref<10000x128xf32, #tpu.memory_space<hbm>>) dst(%arg12 : memref<80x128xf32, #tpu.memory_space<vmem>>)
      %add3A_176 = arith.constant 2 : i32
      %add3A_177 = arith.addi %mul3A_155, %add3A_176 : i32
      %lt3A = arith.constant 125 : i32
      %lt3A_178 = arith.cmpi slt, %add3A_177, %lt3A : i32
      %convert_element_type3A_179 = arith.extui %lt3A_178 : i1 to i32
      %cond3A_180 = arith.constant 0 : i32
      %cond3A_181 = arith.cmpi ne, %convert_element_type3A_179, %cond3A_180 : i32
      scf.if %cond3A_181 {
        %add3A_433 = arith.constant 2 : i32
        %add3A_434 = arith.addi %mul3A_155, %add3A_433 : i32
        %mul3A_435 = arith.constant 80 : i32
        %mul3A_436 = arith.muli %add3A_434, %mul3A_435 : i32
        %add3A_437 = arith.addi %mul3A_2, %mul3A_436 : i32
        %dma_start3A_438 = tpu.memref_slice %arg3[%add3A_437] : memref<320000xi32, #tpu.memory_space<hbm>> -> memref<80xi32, #tpu.memory_space<hbm>>
        %dma_start3A_439 = tpu.memref_slice %arg3[%add3A_437] : memref<320000xi32, #tpu.memory_space<hbm>> -> memref<80xi32, #tpu.memory_space<hbm>>
        tpu.enqueue_dma source(%dma_start3A_439 : memref<80xi32, #tpu.memory_space<hbm>>) target(%arg7 : memref<80xi32, #tpu.memory_space<vmem>>) target_semaphore(%arg16 : memref<!tpu.dma_semaphore, #tpu.memory_space<semaphore_mem>>)
        %dma_start3A_440 = tpu.memref_slice %arg4[%add3A_437] : memref<320000xi32, #tpu.memory_space<hbm>> -> memref<80xi32, #tpu.memory_space<hbm>>
        %dma_start3A_441 = tpu.memref_slice %arg4[%add3A_437] : memref<320000xi32, #tpu.memory_space<hbm>> -> memref<80xi32, #tpu.memory_space<hbm>>
        tpu.enqueue_dma source(%dma_start3A_441 : memref<80xi32, #tpu.memory_space<hbm>>) target(%arg8 : memref<80xi32, #tpu.memory_space<vmem>>) target_semaphore(%arg16 : memref<!tpu.dma_semaphore, #tpu.memory_space<semaphore_mem>>)
      } else {
      }
      %rem3A_182 = arith.constant 25 : i32
      %rem3A_183 = arith.remsi %mul3A_155, %rem3A_182 : i32
      %mul3A_184 = arith.constant 80 : i32
      %mul3A_185 = arith.muli %rem3A_183, %mul3A_184 : i32
      %broadcast_in_dim3A_186 = arith.constant 0.000000e+00 : f32
      %broadcast_in_dim3A_187 = vector.broadcast %broadcast_in_dim3A_186 : f32 to vector<16xf32>
      %add3A_188 = arith.constant 0 : i32
      %add3A_189 = vector.broadcast %add3A_188 : i32 to vector<16xi32>
      %add3A_190 = arith.addi %iota3A, %add3A_189 : vector<16xi32>
      %scan3A_191 = arith.constant 0 : i32
      %scan3A_192 = arith.constant 16 : i32
      %scan3A_193 = arith.addi %scan3A_191, %scan3A_192 : i32
      %scan3A_194 = arith.constant 1 : i32
      %scan3A_195:8 = scf.for %scan3A_433 = %scan3A_191 to %scan3A_193 step %scan3A_194 iter_args(%scan3A_434 = %broadcast_in_dim3A_187, %scan3A_435 = %broadcast_in_dim3A_187, %scan3A_436 = %broadcast_in_dim3A_187, %scan3A_437 = %broadcast_in_dim3A_187, %scan3A_438 = %broadcast_in_dim3A_187, %scan3A_439 = %broadcast_in_dim3A_187, %scan3A_440 = %broadcast_in_dim3A_187, %scan3A_441 = %broadcast_in_dim3A_187) -> (vector<16xf32>, vector<16xf32>, vector<16xf32>, vector<16xf32>, vector<16xf32>, vector<16xf32>, vector<16xf32>, vector<16xf32>)  : i32 {
        %mul3A_442 = arith.constant 8 : i32
        %mul3A_443 = arith.muli %scan3A_433, %mul3A_442 : i32
        %add3A_444 = arith.constant 0 : i32
        %add3A_445 = arith.addi %mul3A_443, %add3A_444 : i32
        %add3A_446 = vector.broadcast %add3A_445 : i32 to vector<16xi32>
        %add3A_447 = arith.addi %iota3A, %add3A_446 : vector<16xi32>
        %and3A = arith.constant 127 : i32
        %and3A_448 = vector.broadcast %and3A : i32 to vector<16xi32>
        %and3A_449 = arith.andi %add3A_447, %and3A_448 : vector<16xi32>
        %gather3A = tpu.vector_load_idx %arg11[%add3A_190, %and3A_449] : memref<80x128xf32, #tpu.memory_space<vmem>>[vector<16xi32>, vector<16xi32>], vector<16xf32>,
        %gather3A_450 = tpu.vector_load_idx %arg12[%add3A_190, %and3A_449] : memref<80x128xf32, #tpu.memory_space<vmem>>[vector<16xi32>, vector<16xi32>], vector<16xf32>,
        %mul3A_451 = arith.mulf %gather3A, %gather3A_450 : vector<16xf32>
        %add3A_452 = arith.addf %scan3A_434, %mul3A_451 : vector<16xf32>
        %mul3A_453 = arith.constant 8 : i32
        %mul3A_454 = arith.muli %scan3A_433, %mul3A_453 : i32
        %add3A_455 = arith.constant 1 : i32
        %add3A_456 = arith.addi %mul3A_454, %add3A_455 : i32
        %add3A_457 = vector.broadcast %add3A_456 : i32 to vector<16xi32>
        %add3A_458 = arith.addi %iota3A, %add3A_457 : vector<16xi32>
        %and3A_459 = arith.constant 127 : i32
        %and3A_460 = vector.broadcast %and3A_459 : i32 to vector<16xi32>
        %and3A_461 = arith.andi %add3A_458, %and3A_460 : vector<16xi32>
        %gather3A_462 = tpu.vector_load_idx %arg11[%add3A_190, %and3A_461] : memref<80x128xf32, #tpu.memory_space<vmem>>[vector<16xi32>, vector<16xi32>], vector<16xf32>,
        %gather3A_463 = tpu.vector_load_idx %arg12[%add3A_190, %and3A_461] : memref<80x128xf32, #tpu.memory_space<vmem>>[vector<16xi32>, vector<16xi32>], vector<16xf32>,
        %mul3A_464 = arith.mulf %gather3A_462, %gather3A_463 : vector<16xf32>
        %add3A_465 = arith.addf %scan3A_435, %mul3A_464 : vector<16xf32>
        %mul3A_466 = arith.constant 8 : i32
        %mul3A_467 = arith.muli %scan3A_433, %mul3A_466 : i32
        %add3A_468 = arith.constant 2 : i32
        %add3A_469 = arith.addi %mul3A_467, %add3A_468 : i32
        %add3A_470 = vector.broadcast %add3A_469 : i32 to vector<16xi32>
        %add3A_471 = arith.addi %iota3A, %add3A_470 : vector<16xi32>
        %and3A_472 = arith.constant 127 : i32
        %and3A_473 = vector.broadcast %and3A_472 : i32 to vector<16xi32>
        %and3A_474 = arith.andi %add3A_471, %and3A_473 : vector<16xi32>
        %gather3A_475 = tpu.vector_load_idx %arg11[%add3A_190, %and3A_474] : memref<80x128xf32, #tpu.memory_space<vmem>>[vector<16xi32>, vector<16xi32>], vector<16xf32>,
        %gather3A_476 = tpu.vector_load_idx %arg12[%add3A_190, %and3A_474] : memref<80x128xf32, #tpu.memory_space<vmem>>[vector<16xi32>, vector<16xi32>], vector<16xf32>,
        %mul3A_477 = arith.mulf %gather3A_475, %gather3A_476 : vector<16xf32>
        %add3A_478 = arith.addf %scan3A_436, %mul3A_477 : vector<16xf32>
        %mul3A_479 = arith.constant 8 : i32
        %mul3A_480 = arith.muli %scan3A_433, %mul3A_479 : i32
        %add3A_481 = arith.constant 3 : i32
        %add3A_482 = arith.addi %mul3A_480, %add3A_481 : i32
        %add3A_483 = vector.broadcast %add3A_482 : i32 to vector<16xi32>
        %add3A_484 = arith.addi %iota3A, %add3A_483 : vector<16xi32>
        %and3A_485 = arith.constant 127 : i32
        %and3A_486 = vector.broadcast %and3A_485 : i32 to vector<16xi32>
        %and3A_487 = arith.andi %add3A_484, %and3A_486 : vector<16xi32>
        %gather3A_488 = tpu.vector_load_idx %arg11[%add3A_190, %and3A_487] : memref<80x128xf32, #tpu.memory_space<vmem>>[vector<16xi32>, vector<16xi32>], vector<16xf32>,
        %gather3A_489 = tpu.vector_load_idx %arg12[%add3A_190, %and3A_487] : memref<80x128xf32, #tpu.memory_space<vmem>>[vector<16xi32>, vector<16xi32>], vector<16xf32>,
        %mul3A_490 = arith.mulf %gather3A_488, %gather3A_489 : vector<16xf32>
        %add3A_491 = arith.addf %scan3A_437, %mul3A_490 : vector<16xf32>
        %mul3A_492 = arith.constant 8 : i32
        %mul3A_493 = arith.muli %scan3A_433, %mul3A_492 : i32
        %add3A_494 = arith.constant 4 : i32
        %add3A_495 = arith.addi %mul3A_493, %add3A_494 : i32
        %add3A_496 = vector.broadcast %add3A_495 : i32 to vector<16xi32>
        %add3A_497 = arith.addi %iota3A, %add3A_496 : vector<16xi32>
        %and3A_498 = arith.constant 127 : i32
        %and3A_499 = vector.broadcast %and3A_498 : i32 to vector<16xi32>
        %and3A_500 = arith.andi %add3A_497, %and3A_499 : vector<16xi32>
        %gather3A_501 = tpu.vector_load_idx %arg11[%add3A_190, %and3A_500] : memref<80x128xf32, #tpu.memory_space<vmem>>[vector<16xi32>, vector<16xi32>], vector<16xf32>,
        %gather3A_502 = tpu.vector_load_idx %arg12[%add3A_190, %and3A_500] : memref<80x128xf32, #tpu.memory_space<vmem>>[vector<16xi32>, vector<16xi32>], vector<16xf32>,
        %mul3A_503 = arith.mulf %gather3A_501, %gather3A_502 : vector<16xf32>
        %add3A_504 = arith.addf %scan3A_438, %mul3A_503 : vector<16xf32>
        %mul3A_505 = arith.constant 8 : i32
        %mul3A_506 = arith.muli %scan3A_433, %mul3A_505 : i32
        %add3A_507 = arith.constant 5 : i32
        %add3A_508 = arith.addi %mul3A_506, %add3A_507 : i32
        %add3A_509 = vector.broadcast %add3A_508 : i32 to vector<16xi32>
        %add3A_510 = arith.addi %iota3A, %add3A_509 : vector<16xi32>
        %and3A_511 = arith.constant 127 : i32
        %and3A_512 = vector.broadcast %and3A_511 : i32 to vector<16xi32>
        %and3A_513 = arith.andi %add3A_510, %and3A_512 : vector<16xi32>
        %gather3A_514 = tpu.vector_load_idx %arg11[%add3A_190, %and3A_513] : memref<80x128xf32, #tpu.memory_space<vmem>>[vector<16xi32>, vector<16xi32>], vector<16xf32>,
        %gather3A_515 = tpu.vector_load_idx %arg12[%add3A_190, %and3A_513] : memref<80x128xf32, #tpu.memory_space<vmem>>[vector<16xi32>, vector<16xi32>], vector<16xf32>,
        %mul3A_516 = arith.mulf %gather3A_514, %gather3A_515 : vector<16xf32>
        %add3A_517 = arith.addf %scan3A_439, %mul3A_516 : vector<16xf32>
        %mul3A_518 = arith.constant 8 : i32
        %mul3A_519 = arith.muli %scan3A_433, %mul3A_518 : i32
        %add3A_520 = arith.constant 6 : i32
        %add3A_521 = arith.addi %mul3A_519, %add3A_520 : i32
        %add3A_522 = vector.broadcast %add3A_521 : i32 to vector<16xi32>
        %add3A_523 = arith.addi %iota3A, %add3A_522 : vector<16xi32>
        %and3A_524 = arith.constant 127 : i32
        %and3A_525 = vector.broadcast %and3A_524 : i32 to vector<16xi32>
        %and3A_526 = arith.andi %add3A_523, %and3A_525 : vector<16xi32>
        %gather3A_527 = tpu.vector_load_idx %arg11[%add3A_190, %and3A_526] : memref<80x128xf32, #tpu.memory_space<vmem>>[vector<16xi32>, vector<16xi32>], vector<16xf32>,
        %gather3A_528 = tpu.vector_load_idx %arg12[%add3A_190, %and3A_526] : memref<80x128xf32, #tpu.memory_space<vmem>>[vector<16xi32>, vector<16xi32>], vector<16xf32>,
        %mul3A_529 = arith.mulf %gather3A_527, %gather3A_528 : vector<16xf32>
        %add3A_530 = arith.addf %scan3A_440, %mul3A_529 : vector<16xf32>
        %mul3A_531 = arith.constant 8 : i32
        %mul3A_532 = arith.muli %scan3A_433, %mul3A_531 : i32
        %add3A_533 = arith.constant 7 : i32
        %add3A_534 = arith.addi %mul3A_532, %add3A_533 : i32
        %add3A_535 = vector.broadcast %add3A_534 : i32 to vector<16xi32>
        %add3A_536 = arith.addi %iota3A, %add3A_535 : vector<16xi32>
        %and3A_537 = arith.constant 127 : i32
        %and3A_538 = vector.broadcast %and3A_537 : i32 to vector<16xi32>
        %and3A_539 = arith.andi %add3A_536, %and3A_538 : vector<16xi32>
        %gather3A_540 = tpu.vector_load_idx %arg11[%add3A_190, %and3A_539] : memref<80x128xf32, #tpu.memory_space<vmem>>[vector<16xi32>, vector<16xi32>], vector<16xf32>,
        %gather3A_541 = tpu.vector_load_idx %arg12[%add3A_190, %and3A_539] : memref<80x128xf32, #tpu.memory_space<vmem>>[vector<16xi32>, vector<16xi32>], vector<16xf32>,
        %mul3A_542 = arith.mulf %gather3A_540, %gather3A_541 : vector<16xf32>
        %add3A_543 = arith.addf %scan3A_441, %mul3A_542 : vector<16xf32>
        scf.yield %add3A_452, %add3A_465, %add3A_478, %add3A_491, %add3A_504, %add3A_517, %add3A_530, %add3A_543 : vector<16xf32>, vector<16xf32>, vector<16xf32>, vector<16xf32>, vector<16xf32>, vector<16xf32>, vector<16xf32>, vector<16xf32>
      }
      %scan3A_196 = arith.constant 16 : i32
      %add3A_197 = arith.addf %scan3A_195#0, %scan3A_195#1 : vector<16xf32>
      %add3A_198 = arith.addf %add3A_197, %scan3A_195#2 : vector<16xf32>
      %add3A_199 = arith.addf %add3A_198, %scan3A_195#3 : vector<16xf32>
      %add3A_200 = arith.addf %add3A_199, %scan3A_195#4 : vector<16xf32>
      %add3A_201 = arith.addf %add3A_200, %scan3A_195#5 : vector<16xf32>
      %add3A_202 = arith.addf %add3A_201, %scan3A_195#6 : vector<16xf32>
      %add3A_203 = arith.addf %add3A_202, %scan3A_195#7 : vector<16xf32>
      %add3A_204 = arith.constant 0 : i32
      %add3A_205 = arith.addi %mul3A_185, %add3A_204 : i32
      %swap3A_206 = arith.index_cast %add3A_205 : i32 to index
      %swap3A_207 = tpu.vector_load %arg15[%swap3A_206] {strides = array<i32>} : memref<2000xf32, #tpu.memory_space<vmem>>, vector<16xf32>,
      tpu.vector_store %arg15[%swap3A_206], %add3A_203 {strides = array<i32>} : memref<2000xf32, #tpu.memory_space<vmem>>, vector<16xf32>,
      %add3A_208 = arith.constant 16 : i32
      %add3A_209 = vector.broadcast %add3A_208 : i32 to vector<16xi32>
      %add3A_210 = arith.addi %iota3A, %add3A_209 : vector<16xi32>
      %scan3A_211 = arith.constant 0 : i32
      %scan3A_212 = arith.constant 16 : i32
      %scan3A_213 = arith.addi %scan3A_211, %scan3A_212 : i32
      %scan3A_214 = arith.constant 1 : i32
      %scan3A_215:8 = scf.for %scan3A_433 = %scan3A_211 to %scan3A_213 step %scan3A_214 iter_args(%scan3A_434 = %broadcast_in_dim3A_187, %scan3A_435 = %broadcast_in_dim3A_187, %scan3A_436 = %broadcast_in_dim3A_187, %scan3A_437 = %broadcast_in_dim3A_187, %scan3A_438 = %broadcast_in_dim3A_187, %scan3A_439 = %broadcast_in_dim3A_187, %scan3A_440 = %broadcast_in_dim3A_187, %scan3A_441 = %broadcast_in_dim3A_187) -> (vector<16xf32>, vector<16xf32>, vector<16xf32>, vector<16xf32>, vector<16xf32>, vector<16xf32>, vector<16xf32>, vector<16xf32>)  : i32 {
        %mul3A_442 = arith.constant 8 : i32
        %mul3A_443 = arith.muli %scan3A_433, %mul3A_442 : i32
        %add3A_444 = arith.constant 0 : i32
        %add3A_445 = arith.addi %mul3A_443, %add3A_444 : i32
        %add3A_446 = vector.broadcast %add3A_445 : i32 to vector<16xi32>
        %add3A_447 = arith.addi %iota3A, %add3A_446 : vector<16xi32>
        %and3A = arith.constant 127 : i32
        %and3A_448 = vector.broadcast %and3A : i32 to vector<16xi32>
        %and3A_449 = arith.andi %add3A_447, %and3A_448 : vector<16xi32>
        %gather3A = tpu.vector_load_idx %arg11[%add3A_210, %and3A_449] : memref<80x128xf32, #tpu.memory_space<vmem>>[vector<16xi32>, vector<16xi32>], vector<16xf32>,
        %gather3A_450 = tpu.vector_load_idx %arg12[%add3A_210, %and3A_449] : memref<80x128xf32, #tpu.memory_space<vmem>>[vector<16xi32>, vector<16xi32>], vector<16xf32>,
        %mul3A_451 = arith.mulf %gather3A, %gather3A_450 : vector<16xf32>
        %add3A_452 = arith.addf %scan3A_434, %mul3A_451 : vector<16xf32>
        %mul3A_453 = arith.constant 8 : i32
        %mul3A_454 = arith.muli %scan3A_433, %mul3A_453 : i32
        %add3A_455 = arith.constant 1 : i32
        %add3A_456 = arith.addi %mul3A_454, %add3A_455 : i32
        %add3A_457 = vector.broadcast %add3A_456 : i32 to vector<16xi32>
        %add3A_458 = arith.addi %iota3A, %add3A_457 : vector<16xi32>
        %and3A_459 = arith.constant 127 : i32
        %and3A_460 = vector.broadcast %and3A_459 : i32 to vector<16xi32>
        %and3A_461 = arith.andi %add3A_458, %and3A_460 : vector<16xi32>
        %gather3A_462 = tpu.vector_load_idx %arg11[%add3A_210, %and3A_461] : memref<80x128xf32, #tpu.memory_space<vmem>>[vector<16xi32>, vector<16xi32>], vector<16xf32>,
        %gather3A_463 = tpu.vector_load_idx %arg12[%add3A_210, %and3A_461] : memref<80x128xf32, #tpu.memory_space<vmem>>[vector<16xi32>, vector<16xi32>], vector<16xf32>,
        %mul3A_464 = arith.mulf %gather3A_462, %gather3A_463 : vector<16xf32>
        %add3A_465 = arith.addf %scan3A_435, %mul3A_464 : vector<16xf32>
        %mul3A_466 = arith.constant 8 : i32
        %mul3A_467 = arith.muli %scan3A_433, %mul3A_466 : i32
        %add3A_468 = arith.constant 2 : i32
        %add3A_469 = arith.addi %mul3A_467, %add3A_468 : i32
        %add3A_470 = vector.broadcast %add3A_469 : i32 to vector<16xi32>
        %add3A_471 = arith.addi %iota3A, %add3A_470 : vector<16xi32>
        %and3A_472 = arith.constant 127 : i32
        %and3A_473 = vector.broadcast %and3A_472 : i32 to vector<16xi32>
        %and3A_474 = arith.andi %add3A_471, %and3A_473 : vector<16xi32>
        %gather3A_475 = tpu.vector_load_idx %arg11[%add3A_210, %and3A_474] : memref<80x128xf32, #tpu.memory_space<vmem>>[vector<16xi32>, vector<16xi32>], vector<16xf32>,
        %gather3A_476 = tpu.vector_load_idx %arg12[%add3A_210, %and3A_474] : memref<80x128xf32, #tpu.memory_space<vmem>>[vector<16xi32>, vector<16xi32>], vector<16xf32>,
        %mul3A_477 = arith.mulf %gather3A_475, %gather3A_476 : vector<16xf32>
        %add3A_478 = arith.addf %scan3A_436, %mul3A_477 : vector<16xf32>
        %mul3A_479 = arith.constant 8 : i32
        %mul3A_480 = arith.muli %scan3A_433, %mul3A_479 : i32
        %add3A_481 = arith.constant 3 : i32
        %add3A_482 = arith.addi %mul3A_480, %add3A_481 : i32
        %add3A_483 = vector.broadcast %add3A_482 : i32 to vector<16xi32>
        %add3A_484 = arith.addi %iota3A, %add3A_483 : vector<16xi32>
        %and3A_485 = arith.constant 127 : i32
        %and3A_486 = vector.broadcast %and3A_485 : i32 to vector<16xi32>
        %and3A_487 = arith.andi %add3A_484, %and3A_486 : vector<16xi32>
        %gather3A_488 = tpu.vector_load_idx %arg11[%add3A_210, %and3A_487] : memref<80x128xf32, #tpu.memory_space<vmem>>[vector<16xi32>, vector<16xi32>], vector<16xf32>,
        %gather3A_489 = tpu.vector_load_idx %arg12[%add3A_210, %and3A_487] : memref<80x128xf32, #tpu.memory_space<vmem>>[vector<16xi32>, vector<16xi32>], vector<16xf32>,
        %mul3A_490 = arith.mulf %gather3A_488, %gather3A_489 : vector<16xf32>
        %add3A_491 = arith.addf %scan3A_437, %mul3A_490 : vector<16xf32>
        %mul3A_492 = arith.constant 8 : i32
        %mul3A_493 = arith.muli %scan3A_433, %mul3A_492 : i32
        %add3A_494 = arith.constant 4 : i32
        %add3A_495 = arith.addi %mul3A_493, %add3A_494 : i32
        %add3A_496 = vector.broadcast %add3A_495 : i32 to vector<16xi32>
        %add3A_497 = arith.addi %iota3A, %add3A_496 : vector<16xi32>
        %and3A_498 = arith.constant 127 : i32
        %and3A_499 = vector.broadcast %and3A_498 : i32 to vector<16xi32>
        %and3A_500 = arith.andi %add3A_497, %and3A_499 : vector<16xi32>
        %gather3A_501 = tpu.vector_load_idx %arg11[%add3A_210, %and3A_500] : memref<80x128xf32, #tpu.memory_space<vmem>>[vector<16xi32>, vector<16xi32>], vector<16xf32>,
        %gather3A_502 = tpu.vector_load_idx %arg12[%add3A_210, %and3A_500] : memref<80x128xf32, #tpu.memory_space<vmem>>[vector<16xi32>, vector<16xi32>], vector<16xf32>,
        %mul3A_503 = arith.mulf %gather3A_501, %gather3A_502 : vector<16xf32>
        %add3A_504 = arith.addf %scan3A_438, %mul3A_503 : vector<16xf32>
        %mul3A_505 = arith.constant 8 : i32
        %mul3A_506 = arith.muli %scan3A_433, %mul3A_505 : i32
        %add3A_507 = arith.constant 5 : i32
        %add3A_508 = arith.addi %mul3A_506, %add3A_507 : i32
        %add3A_509 = vector.broadcast %add3A_508 : i32 to vector<16xi32>
        %add3A_510 = arith.addi %iota3A, %add3A_509 : vector<16xi32>
        %and3A_511 = arith.constant 127 : i32
        %and3A_512 = vector.broadcast %and3A_511 : i32 to vector<16xi32>
        %and3A_513 = arith.andi %add3A_510, %and3A_512 : vector<16xi32>
        %gather3A_514 = tpu.vector_load_idx %arg11[%add3A_210, %and3A_513] : memref<80x128xf32, #tpu.memory_space<vmem>>[vector<16xi32>, vector<16xi32>], vector<16xf32>,
        %gather3A_515 = tpu.vector_load_idx %arg12[%add3A_210, %and3A_513] : memref<80x128xf32, #tpu.memory_space<vmem>>[vector<16xi32>, vector<16xi32>], vector<16xf32>,
        %mul3A_516 = arith.mulf %gather3A_514, %gather3A_515 : vector<16xf32>
        %add3A_517 = arith.addf %scan3A_439, %mul3A_516 : vector<16xf32>
        %mul3A_518 = arith.constant 8 : i32
        %mul3A_519 = arith.muli %scan3A_433, %mul3A_518 : i32
        %add3A_520 = arith.constant 6 : i32
        %add3A_521 = arith.addi %mul3A_519, %add3A_520 : i32
        %add3A_522 = vector.broadcast %add3A_521 : i32 to vector<16xi32>
        %add3A_523 = arith.addi %iota3A, %add3A_522 : vector<16xi32>
        %and3A_524 = arith.constant 127 : i32
        %and3A_525 = vector.broadcast %and3A_524 : i32 to vector<16xi32>
        %and3A_526 = arith.andi %add3A_523, %and3A_525 : vector<16xi32>
        %gather3A_527 = tpu.vector_load_idx %arg11[%add3A_210, %and3A_526] : memref<80x128xf32, #tpu.memory_space<vmem>>[vector<16xi32>, vector<16xi32>], vector<16xf32>,
        %gather3A_528 = tpu.vector_load_idx %arg12[%add3A_210, %and3A_526] : memref<80x128xf32, #tpu.memory_space<vmem>>[vector<16xi32>, vector<16xi32>], vector<16xf32>,
        %mul3A_529 = arith.mulf %gather3A_527, %gather3A_528 : vector<16xf32>
        %add3A_530 = arith.addf %scan3A_440, %mul3A_529 : vector<16xf32>
        %mul3A_531 = arith.constant 8 : i32
        %mul3A_532 = arith.muli %scan3A_433, %mul3A_531 : i32
        %add3A_533 = arith.constant 7 : i32
        %add3A_534 = arith.addi %mul3A_532, %add3A_533 : i32
        %add3A_535 = vector.broadcast %add3A_534 : i32 to vector<16xi32>
        %add3A_536 = arith.addi %iota3A, %add3A_535 : vector<16xi32>
        %and3A_537 = arith.constant 127 : i32
        %and3A_538 = vector.broadcast %and3A_537 : i32 to vector<16xi32>
        %and3A_539 = arith.andi %add3A_536, %and3A_538 : vector<16xi32>
        %gather3A_540 = tpu.vector_load_idx %arg11[%add3A_210, %and3A_539] : memref<80x128xf32, #tpu.memory_space<vmem>>[vector<16xi32>, vector<16xi32>], vector<16xf32>,
        %gather3A_541 = tpu.vector_load_idx %arg12[%add3A_210, %and3A_539] : memref<80x128xf32, #tpu.memory_space<vmem>>[vector<16xi32>, vector<16xi32>], vector<16xf32>,
        %mul3A_542 = arith.mulf %gather3A_540, %gather3A_541 : vector<16xf32>
        %add3A_543 = arith.addf %scan3A_441, %mul3A_542 : vector<16xf32>
        scf.yield %add3A_452, %add3A_465, %add3A_478, %add3A_491, %add3A_504, %add3A_517, %add3A_530, %add3A_543 : vector<16xf32>, vector<16xf32>, vector<16xf32>, vector<16xf32>, vector<16xf32>, vector<16xf32>, vector<16xf32>, vector<16xf32>
      }
      %scan3A_216 = arith.constant 16 : i32
      %add3A_217 = arith.addf %scan3A_215#0, %scan3A_215#1 : vector<16xf32>
      %add3A_218 = arith.addf %add3A_217, %scan3A_215#2 : vector<16xf32>
      %add3A_219 = arith.addf %add3A_218, %scan3A_215#3 : vector<16xf32>
      %add3A_220 = arith.addf %add3A_219, %scan3A_215#4 : vector<16xf32>
      %add3A_221 = arith.addf %add3A_220, %scan3A_215#5 : vector<16xf32>
      %add3A_222 = arith.addf %add3A_221, %scan3A_215#6 : vector<16xf32>
      %add3A_223 = arith.addf %add3A_222, %scan3A_215#7 : vector<16xf32>
      %add3A_224 = arith.constant 16 : i32
      %add3A_225 = arith.addi %mul3A_185, %add3A_224 : i32
      %swap3A_226 = arith.index_cast %add3A_225 : i32 to index
      %swap3A_227 = tpu.vector_load %arg15[%swap3A_226] {strides = array<i32>} : memref<2000xf32, #tpu.memory_space<vmem>>, vector<16xf32>,
      tpu.vector_store %arg15[%swap3A_226], %add3A_223 {strides = array<i32>} : memref<2000xf32, #tpu.memory_space<vmem>>, vector<16xf32>,
      %add3A_228 = arith.constant 32 : i32
      %add3A_229 = vector.broadcast %add3A_228 : i32 to vector<16xi32>
      %add3A_230 = arith.addi %iota3A, %add3A_229 : vector<16xi32>
      %scan3A_231 = arith.constant 0 : i32
      %scan3A_232 = arith.constant 16 : i32
      %scan3A_233 = arith.addi %scan3A_231, %scan3A_232 : i32
      %scan3A_234 = arith.constant 1 : i32
      %scan3A_235:8 = scf.for %scan3A_433 = %scan3A_231 to %scan3A_233 step %scan3A_234 iter_args(%scan3A_434 = %broadcast_in_dim3A_187, %scan3A_435 = %broadcast_in_dim3A_187, %scan3A_436 = %broadcast_in_dim3A_187, %scan3A_437 = %broadcast_in_dim3A_187, %scan3A_438 = %broadcast_in_dim3A_187, %scan3A_439 = %broadcast_in_dim3A_187, %scan3A_440 = %broadcast_in_dim3A_187, %scan3A_441 = %broadcast_in_dim3A_187) -> (vector<16xf32>, vector<16xf32>, vector<16xf32>, vector<16xf32>, vector<16xf32>, vector<16xf32>, vector<16xf32>, vector<16xf32>)  : i32 {
        %mul3A_442 = arith.constant 8 : i32
        %mul3A_443 = arith.muli %scan3A_433, %mul3A_442 : i32
        %add3A_444 = arith.constant 0 : i32
        %add3A_445 = arith.addi %mul3A_443, %add3A_444 : i32
        %add3A_446 = vector.broadcast %add3A_445 : i32 to vector<16xi32>
        %add3A_447 = arith.addi %iota3A, %add3A_446 : vector<16xi32>
        %and3A = arith.constant 127 : i32
        %and3A_448 = vector.broadcast %and3A : i32 to vector<16xi32>
        %and3A_449 = arith.andi %add3A_447, %and3A_448 : vector<16xi32>
        %gather3A = tpu.vector_load_idx %arg11[%add3A_230, %and3A_449] : memref<80x128xf32, #tpu.memory_space<vmem>>[vector<16xi32>, vector<16xi32>], vector<16xf32>,
        %gather3A_450 = tpu.vector_load_idx %arg12[%add3A_230, %and3A_449] : memref<80x128xf32, #tpu.memory_space<vmem>>[vector<16xi32>, vector<16xi32>], vector<16xf32>,
        %mul3A_451 = arith.mulf %gather3A, %gather3A_450 : vector<16xf32>
        %add3A_452 = arith.addf %scan3A_434, %mul3A_451 : vector<16xf32>
        %mul3A_453 = arith.constant 8 : i32
        %mul3A_454 = arith.muli %scan3A_433, %mul3A_453 : i32
        %add3A_455 = arith.constant 1 : i32
        %add3A_456 = arith.addi %mul3A_454, %add3A_455 : i32
        %add3A_457 = vector.broadcast %add3A_456 : i32 to vector<16xi32>
        %add3A_458 = arith.addi %iota3A, %add3A_457 : vector<16xi32>
        %and3A_459 = arith.constant 127 : i32
        %and3A_460 = vector.broadcast %and3A_459 : i32 to vector<16xi32>
        %and3A_461 = arith.andi %add3A_458, %and3A_460 : vector<16xi32>
        %gather3A_462 = tpu.vector_load_idx %arg11[%add3A_230, %and3A_461] : memref<80x128xf32, #tpu.memory_space<vmem>>[vector<16xi32>, vector<16xi32>], vector<16xf32>,
        %gather3A_463 = tpu.vector_load_idx %arg12[%add3A_230, %and3A_461] : memref<80x128xf32, #tpu.memory_space<vmem>>[vector<16xi32>, vector<16xi32>], vector<16xf32>,
        %mul3A_464 = arith.mulf %gather3A_462, %gather3A_463 : vector<16xf32>
        %add3A_465 = arith.addf %scan3A_435, %mul3A_464 : vector<16xf32>
        %mul3A_466 = arith.constant 8 : i32
        %mul3A_467 = arith.muli %scan3A_433, %mul3A_466 : i32
        %add3A_468 = arith.constant 2 : i32
        %add3A_469 = arith.addi %mul3A_467, %add3A_468 : i32
        %add3A_470 = vector.broadcast %add3A_469 : i32 to vector<16xi32>
        %add3A_471 = arith.addi %iota3A, %add3A_470 : vector<16xi32>
        %and3A_472 = arith.constant 127 : i32
        %and3A_473 = vector.broadcast %and3A_472 : i32 to vector<16xi32>
        %and3A_474 = arith.andi %add3A_471, %and3A_473 : vector<16xi32>
        %gather3A_475 = tpu.vector_load_idx %arg11[%add3A_230, %and3A_474] : memref<80x128xf32, #tpu.memory_space<vmem>>[vector<16xi32>, vector<16xi32>], vector<16xf32>,
        %gather3A_476 = tpu.vector_load_idx %arg12[%add3A_230, %and3A_474] : memref<80x128xf32, #tpu.memory_space<vmem>>[vector<16xi32>, vector<16xi32>], vector<16xf32>,
        %mul3A_477 = arith.mulf %gather3A_475, %gather3A_476 : vector<16xf32>
        %add3A_478 = arith.addf %scan3A_436, %mul3A_477 : vector<16xf32>
        %mul3A_479 = arith.constant 8 : i32
        %mul3A_480 = arith.muli %scan3A_433, %mul3A_479 : i32
        %add3A_481 = arith.constant 3 : i32
        %add3A_482 = arith.addi %mul3A_480, %add3A_481 : i32
        %add3A_483 = vector.broadcast %add3A_482 : i32 to vector<16xi32>
        %add3A_484 = arith.addi %iota3A, %add3A_483 : vector<16xi32>
        %and3A_485 = arith.constant 127 : i32
        %and3A_486 = vector.broadcast %and3A_485 : i32 to vector<16xi32>
        %and3A_487 = arith.andi %add3A_484, %and3A_486 : vector<16xi32>
        %gather3A_488 = tpu.vector_load_idx %arg11[%add3A_230, %and3A_487] : memref<80x128xf32, #tpu.memory_space<vmem>>[vector<16xi32>, vector<16xi32>], vector<16xf32>,
        %gather3A_489 = tpu.vector_load_idx %arg12[%add3A_230, %and3A_487] : memref<80x128xf32, #tpu.memory_space<vmem>>[vector<16xi32>, vector<16xi32>], vector<16xf32>,
        %mul3A_490 = arith.mulf %gather3A_488, %gather3A_489 : vector<16xf32>
        %add3A_491 = arith.addf %scan3A_437, %mul3A_490 : vector<16xf32>
        %mul3A_492 = arith.constant 8 : i32
        %mul3A_493 = arith.muli %scan3A_433, %mul3A_492 : i32
        %add3A_494 = arith.constant 4 : i32
        %add3A_495 = arith.addi %mul3A_493, %add3A_494 : i32
        %add3A_496 = vector.broadcast %add3A_495 : i32 to vector<16xi32>
        %add3A_497 = arith.addi %iota3A, %add3A_496 : vector<16xi32>
        %and3A_498 = arith.constant 127 : i32
        %and3A_499 = vector.broadcast %and3A_498 : i32 to vector<16xi32>
        %and3A_500 = arith.andi %add3A_497, %and3A_499 : vector<16xi32>
        %gather3A_501 = tpu.vector_load_idx %arg11[%add3A_230, %and3A_500] : memref<80x128xf32, #tpu.memory_space<vmem>>[vector<16xi32>, vector<16xi32>], vector<16xf32>,
        %gather3A_502 = tpu.vector_load_idx %arg12[%add3A_230, %and3A_500] : memref<80x128xf32, #tpu.memory_space<vmem>>[vector<16xi32>, vector<16xi32>], vector<16xf32>,
        %mul3A_503 = arith.mulf %gather3A_501, %gather3A_502 : vector<16xf32>
        %add3A_504 = arith.addf %scan3A_438, %mul3A_503 : vector<16xf32>
        %mul3A_505 = arith.constant 8 : i32
        %mul3A_506 = arith.muli %scan3A_433, %mul3A_505 : i32
        %add3A_507 = arith.constant 5 : i32
        %add3A_508 = arith.addi %mul3A_506, %add3A_507 : i32
        %add3A_509 = vector.broadcast %add3A_508 : i32 to vector<16xi32>
        %add3A_510 = arith.addi %iota3A, %add3A_509 : vector<16xi32>
        %and3A_511 = arith.constant 127 : i32
        %and3A_512 = vector.broadcast %and3A_511 : i32 to vector<16xi32>
        %and3A_513 = arith.andi %add3A_510, %and3A_512 : vector<16xi32>
        %gather3A_514 = tpu.vector_load_idx %arg11[%add3A_230, %and3A_513] : memref<80x128xf32, #tpu.memory_space<vmem>>[vector<16xi32>, vector<16xi32>], vector<16xf32>,
        %gather3A_515 = tpu.vector_load_idx %arg12[%add3A_230, %and3A_513] : memref<80x128xf32, #tpu.memory_space<vmem>>[vector<16xi32>, vector<16xi32>], vector<16xf32>,
        %mul3A_516 = arith.mulf %gather3A_514, %gather3A_515 : vector<16xf32>
        %add3A_517 = arith.addf %scan3A_439, %mul3A_516 : vector<16xf32>
        %mul3A_518 = arith.constant 8 : i32
        %mul3A_519 = arith.muli %scan3A_433, %mul3A_518 : i32
        %add3A_520 = arith.constant 6 : i32
        %add3A_521 = arith.addi %mul3A_519, %add3A_520 : i32
        %add3A_522 = vector.broadcast %add3A_521 : i32 to vector<16xi32>
        %add3A_523 = arith.addi %iota3A, %add3A_522 : vector<16xi32>
        %and3A_524 = arith.constant 127 : i32
        %and3A_525 = vector.broadcast %and3A_524 : i32 to vector<16xi32>
        %and3A_526 = arith.andi %add3A_523, %and3A_525 : vector<16xi32>
        %gather3A_527 = tpu.vector_load_idx %arg11[%add3A_230, %and3A_526] : memref<80x128xf32, #tpu.memory_space<vmem>>[vector<16xi32>, vector<16xi32>], vector<16xf32>,
        %gather3A_528 = tpu.vector_load_idx %arg12[%add3A_230, %and3A_526] : memref<80x128xf32, #tpu.memory_space<vmem>>[vector<16xi32>, vector<16xi32>], vector<16xf32>,
        %mul3A_529 = arith.mulf %gather3A_527, %gather3A_528 : vector<16xf32>
        %add3A_530 = arith.addf %scan3A_440, %mul3A_529 : vector<16xf32>
        %mul3A_531 = arith.constant 8 : i32
        %mul3A_532 = arith.muli %scan3A_433, %mul3A_531 : i32
        %add3A_533 = arith.constant 7 : i32
        %add3A_534 = arith.addi %mul3A_532, %add3A_533 : i32
        %add3A_535 = vector.broadcast %add3A_534 : i32 to vector<16xi32>
        %add3A_536 = arith.addi %iota3A, %add3A_535 : vector<16xi32>
        %and3A_537 = arith.constant 127 : i32
        %and3A_538 = vector.broadcast %and3A_537 : i32 to vector<16xi32>
        %and3A_539 = arith.andi %add3A_536, %and3A_538 : vector<16xi32>
        %gather3A_540 = tpu.vector_load_idx %arg11[%add3A_230, %and3A_539] : memref<80x128xf32, #tpu.memory_space<vmem>>[vector<16xi32>, vector<16xi32>], vector<16xf32>,
        %gather3A_541 = tpu.vector_load_idx %arg12[%add3A_230, %and3A_539] : memref<80x128xf32, #tpu.memory_space<vmem>>[vector<16xi32>, vector<16xi32>], vector<16xf32>,
        %mul3A_542 = arith.mulf %gather3A_540, %gather3A_541 : vector<16xf32>
        %add3A_543 = arith.addf %scan3A_441, %mul3A_542 : vector<16xf32>
        scf.yield %add3A_452, %add3A_465, %add3A_478, %add3A_491, %add3A_504, %add3A_517, %add3A_530, %add3A_543 : vector<16xf32>, vector<16xf32>, vector<16xf32>, vector<16xf32>, vector<16xf32>, vector<16xf32>, vector<16xf32>, vector<16xf32>
      }
      %scan3A_236 = arith.constant 16 : i32
      %add3A_237 = arith.addf %scan3A_235#0, %scan3A_235#1 : vector<16xf32>
      %add3A_238 = arith.addf %add3A_237, %scan3A_235#2 : vector<16xf32>
      %add3A_239 = arith.addf %add3A_238, %scan3A_235#3 : vector<16xf32>
      %add3A_240 = arith.addf %add3A_239, %scan3A_235#4 : vector<16xf32>
      %add3A_241 = arith.addf %add3A_240, %scan3A_235#5 : vector<16xf32>
      %add3A_242 = arith.addf %add3A_241, %scan3A_235#6 : vector<16xf32>
      %add3A_243 = arith.addf %add3A_242, %scan3A_235#7 : vector<16xf32>
      %add3A_244 = arith.constant 32 : i32
      %add3A_245 = arith.addi %mul3A_185, %add3A_244 : i32
      %swap3A_246 = arith.index_cast %add3A_245 : i32 to index
      %swap3A_247 = tpu.vector_load %arg15[%swap3A_246] {strides = array<i32>} : memref<2000xf32, #tpu.memory_space<vmem>>, vector<16xf32>,
      tpu.vector_store %arg15[%swap3A_246], %add3A_243 {strides = array<i32>} : memref<2000xf32, #tpu.memory_space<vmem>>, vector<16xf32>,
      %add3A_248 = arith.constant 48 : i32
      %add3A_249 = vector.broadcast %add3A_248 : i32 to vector<16xi32>
      %add3A_250 = arith.addi %iota3A, %add3A_249 : vector<16xi32>
      %scan3A_251 = arith.constant 0 : i32
      %scan3A_252 = arith.constant 16 : i32
      %scan3A_253 = arith.addi %scan3A_251, %scan3A_252 : i32
      %scan3A_254 = arith.constant 1 : i32
      %scan3A_255:8 = scf.for %scan3A_433 = %scan3A_251 to %scan3A_253 step %scan3A_254 iter_args(%scan3A_434 = %broadcast_in_dim3A_187, %scan3A_435 = %broadcast_in_dim3A_187, %scan3A_436 = %broadcast_in_dim3A_187, %scan3A_437 = %broadcast_in_dim3A_187, %scan3A_438 = %broadcast_in_dim3A_187, %scan3A_439 = %broadcast_in_dim3A_187, %scan3A_440 = %broadcast_in_dim3A_187, %scan3A_441 = %broadcast_in_dim3A_187) -> (vector<16xf32>, vector<16xf32>, vector<16xf32>, vector<16xf32>, vector<16xf32>, vector<16xf32>, vector<16xf32>, vector<16xf32>)  : i32 {
        %mul3A_442 = arith.constant 8 : i32
        %mul3A_443 = arith.muli %scan3A_433, %mul3A_442 : i32
        %add3A_444 = arith.constant 0 : i32
        %add3A_445 = arith.addi %mul3A_443, %add3A_444 : i32
        %add3A_446 = vector.broadcast %add3A_445 : i32 to vector<16xi32>
        %add3A_447 = arith.addi %iota3A, %add3A_446 : vector<16xi32>
        %and3A = arith.constant 127 : i32
        %and3A_448 = vector.broadcast %and3A : i32 to vector<16xi32>
        %and3A_449 = arith.andi %add3A_447, %and3A_448 : vector<16xi32>
        %gather3A = tpu.vector_load_idx %arg11[%add3A_250, %and3A_449] : memref<80x128xf32, #tpu.memory_space<vmem>>[vector<16xi32>, vector<16xi32>], vector<16xf32>,
        %gather3A_450 = tpu.vector_load_idx %arg12[%add3A_250, %and3A_449] : memref<80x128xf32, #tpu.memory_space<vmem>>[vector<16xi32>, vector<16xi32>], vector<16xf32>,
        %mul3A_451 = arith.mulf %gather3A, %gather3A_450 : vector<16xf32>
        %add3A_452 = arith.addf %scan3A_434, %mul3A_451 : vector<16xf32>
        %mul3A_453 = arith.constant 8 : i32
        %mul3A_454 = arith.muli %scan3A_433, %mul3A_453 : i32
        %add3A_455 = arith.constant 1 : i32
        %add3A_456 = arith.addi %mul3A_454, %add3A_455 : i32
        %add3A_457 = vector.broadcast %add3A_456 : i32 to vector<16xi32>
        %add3A_458 = arith.addi %iota3A, %add3A_457 : vector<16xi32>
        %and3A_459 = arith.constant 127 : i32
        %and3A_460 = vector.broadcast %and3A_459 : i32 to vector<16xi32>
        %and3A_461 = arith.andi %add3A_458, %and3A_460 : vector<16xi32>
        %gather3A_462 = tpu.vector_load_idx %arg11[%add3A_250, %and3A_461] : memref<80x128xf32, #tpu.memory_space<vmem>>[vector<16xi32>, vector<16xi32>], vector<16xf32>,
        %gather3A_463 = tpu.vector_load_idx %arg12[%add3A_250, %and3A_461] : memref<80x128xf32, #tpu.memory_space<vmem>>[vector<16xi32>, vector<16xi32>], vector<16xf32>,
        %mul3A_464 = arith.mulf %gather3A_462, %gather3A_463 : vector<16xf32>
        %add3A_465 = arith.addf %scan3A_435, %mul3A_464 : vector<16xf32>
        %mul3A_466 = arith.constant 8 : i32
        %mul3A_467 = arith.muli %scan3A_433, %mul3A_466 : i32
        %add3A_468 = arith.constant 2 : i32
        %add3A_469 = arith.addi %mul3A_467, %add3A_468 : i32
        %add3A_470 = vector.broadcast %add3A_469 : i32 to vector<16xi32>
        %add3A_471 = arith.addi %iota3A, %add3A_470 : vector<16xi32>
        %and3A_472 = arith.constant 127 : i32
        %and3A_473 = vector.broadcast %and3A_472 : i32 to vector<16xi32>
        %and3A_474 = arith.andi %add3A_471, %and3A_473 : vector<16xi32>
        %gather3A_475 = tpu.vector_load_idx %arg11[%add3A_250, %and3A_474] : memref<80x128xf32, #tpu.memory_space<vmem>>[vector<16xi32>, vector<16xi32>], vector<16xf32>,
        %gather3A_476 = tpu.vector_load_idx %arg12[%add3A_250, %and3A_474] : memref<80x128xf32, #tpu.memory_space<vmem>>[vector<16xi32>, vector<16xi32>], vector<16xf32>,
        %mul3A_477 = arith.mulf %gather3A_475, %gather3A_476 : vector<16xf32>
        %add3A_478 = arith.addf %scan3A_436, %mul3A_477 : vector<16xf32>
        %mul3A_479 = arith.constant 8 : i32
        %mul3A_480 = arith.muli %scan3A_433, %mul3A_479 : i32
        %add3A_481 = arith.constant 3 : i32
        %add3A_482 = arith.addi %mul3A_480, %add3A_481 : i32
        %add3A_483 = vector.broadcast %add3A_482 : i32 to vector<16xi32>
        %add3A_484 = arith.addi %iota3A, %add3A_483 : vector<16xi32>
        %and3A_485 = arith.constant 127 : i32
        %and3A_486 = vector.broadcast %and3A_485 : i32 to vector<16xi32>
        %and3A_487 = arith.andi %add3A_484, %and3A_486 : vector<16xi32>
        %gather3A_488 = tpu.vector_load_idx %arg11[%add3A_250, %and3A_487] : memref<80x128xf32, #tpu.memory_space<vmem>>[vector<16xi32>, vector<16xi32>], vector<16xf32>,
        %gather3A_489 = tpu.vector_load_idx %arg12[%add3A_250, %and3A_487] : memref<80x128xf32, #tpu.memory_space<vmem>>[vector<16xi32>, vector<16xi32>], vector<16xf32>,
        %mul3A_490 = arith.mulf %gather3A_488, %gather3A_489 : vector<16xf32>
        %add3A_491 = arith.addf %scan3A_437, %mul3A_490 : vector<16xf32>
        %mul3A_492 = arith.constant 8 : i32
        %mul3A_493 = arith.muli %scan3A_433, %mul3A_492 : i32
        %add3A_494 = arith.constant 4 : i32
        %add3A_495 = arith.addi %mul3A_493, %add3A_494 : i32
        %add3A_496 = vector.broadcast %add3A_495 : i32 to vector<16xi32>
        %add3A_497 = arith.addi %iota3A, %add3A_496 : vector<16xi32>
        %and3A_498 = arith.constant 127 : i32
        %and3A_499 = vector.broadcast %and3A_498 : i32 to vector<16xi32>
        %and3A_500 = arith.andi %add3A_497, %and3A_499 : vector<16xi32>
        %gather3A_501 = tpu.vector_load_idx %arg11[%add3A_250, %and3A_500] : memref<80x128xf32, #tpu.memory_space<vmem>>[vector<16xi32>, vector<16xi32>], vector<16xf32>,
        %gather3A_502 = tpu.vector_load_idx %arg12[%add3A_250, %and3A_500] : memref<80x128xf32, #tpu.memory_space<vmem>>[vector<16xi32>, vector<16xi32>], vector<16xf32>,
        %mul3A_503 = arith.mulf %gather3A_501, %gather3A_502 : vector<16xf32>
        %add3A_504 = arith.addf %scan3A_438, %mul3A_503 : vector<16xf32>
        %mul3A_505 = arith.constant 8 : i32
        %mul3A_506 = arith.muli %scan3A_433, %mul3A_505 : i32
        %add3A_507 = arith.constant 5 : i32
        %add3A_508 = arith.addi %mul3A_506, %add3A_507 : i32
        %add3A_509 = vector.broadcast %add3A_508 : i32 to vector<16xi32>
        %add3A_510 = arith.addi %iota3A, %add3A_509 : vector<16xi32>
        %and3A_511 = arith.constant 127 : i32
        %and3A_512 = vector.broadcast %and3A_511 : i32 to vector<16xi32>
        %and3A_513 = arith.andi %add3A_510, %and3A_512 : vector<16xi32>
        %gather3A_514 = tpu.vector_load_idx %arg11[%add3A_250, %and3A_513] : memref<80x128xf32, #tpu.memory_space<vmem>>[vector<16xi32>, vector<16xi32>], vector<16xf32>,
        %gather3A_515 = tpu.vector_load_idx %arg12[%add3A_250, %and3A_513] : memref<80x128xf32, #tpu.memory_space<vmem>>[vector<16xi32>, vector<16xi32>], vector<16xf32>,
        %mul3A_516 = arith.mulf %gather3A_514, %gather3A_515 : vector<16xf32>
        %add3A_517 = arith.addf %scan3A_439, %mul3A_516 : vector<16xf32>
        %mul3A_518 = arith.constant 8 : i32
        %mul3A_519 = arith.muli %scan3A_433, %mul3A_518 : i32
        %add3A_520 = arith.constant 6 : i32
        %add3A_521 = arith.addi %mul3A_519, %add3A_520 : i32
        %add3A_522 = vector.broadcast %add3A_521 : i32 to vector<16xi32>
        %add3A_523 = arith.addi %iota3A, %add3A_522 : vector<16xi32>
        %and3A_524 = arith.constant 127 : i32
        %and3A_525 = vector.broadcast %and3A_524 : i32 to vector<16xi32>
        %and3A_526 = arith.andi %add3A_523, %and3A_525 : vector<16xi32>
        %gather3A_527 = tpu.vector_load_idx %arg11[%add3A_250, %and3A_526] : memref<80x128xf32, #tpu.memory_space<vmem>>[vector<16xi32>, vector<16xi32>], vector<16xf32>,
        %gather3A_528 = tpu.vector_load_idx %arg12[%add3A_250, %and3A_526] : memref<80x128xf32, #tpu.memory_space<vmem>>[vector<16xi32>, vector<16xi32>], vector<16xf32>,
        %mul3A_529 = arith.mulf %gather3A_527, %gather3A_528 : vector<16xf32>
        %add3A_530 = arith.addf %scan3A_440, %mul3A_529 : vector<16xf32>
        %mul3A_531 = arith.constant 8 : i32
        %mul3A_532 = arith.muli %scan3A_433, %mul3A_531 : i32
        %add3A_533 = arith.constant 7 : i32
        %add3A_534 = arith.addi %mul3A_532, %add3A_533 : i32
        %add3A_535 = vector.broadcast %add3A_534 : i32 to vector<16xi32>
        %add3A_536 = arith.addi %iota3A, %add3A_535 : vector<16xi32>
        %and3A_537 = arith.constant 127 : i32
        %and3A_538 = vector.broadcast %and3A_537 : i32 to vector<16xi32>
        %and3A_539 = arith.andi %add3A_536, %and3A_538 : vector<16xi32>
        %gather3A_540 = tpu.vector_load_idx %arg11[%add3A_250, %and3A_539] : memref<80x128xf32, #tpu.memory_space<vmem>>[vector<16xi32>, vector<16xi32>], vector<16xf32>,
        %gather3A_541 = tpu.vector_load_idx %arg12[%add3A_250, %and3A_539] : memref<80x128xf32, #tpu.memory_space<vmem>>[vector<16xi32>, vector<16xi32>], vector<16xf32>,
        %mul3A_542 = arith.mulf %gather3A_540, %gather3A_541 : vector<16xf32>
        %add3A_543 = arith.addf %scan3A_441, %mul3A_542 : vector<16xf32>
        scf.yield %add3A_452, %add3A_465, %add3A_478, %add3A_491, %add3A_504, %add3A_517, %add3A_530, %add3A_543 : vector<16xf32>, vector<16xf32>, vector<16xf32>, vector<16xf32>, vector<16xf32>, vector<16xf32>, vector<16xf32>, vector<16xf32>
      }
      %scan3A_256 = arith.constant 16 : i32
      %add3A_257 = arith.addf %scan3A_255#0, %scan3A_255#1 : vector<16xf32>
      %add3A_258 = arith.addf %add3A_257, %scan3A_255#2 : vector<16xf32>
      %add3A_259 = arith.addf %add3A_258, %scan3A_255#3 : vector<16xf32>
      %add3A_260 = arith.addf %add3A_259, %scan3A_255#4 : vector<16xf32>
      %add3A_261 = arith.addf %add3A_260, %scan3A_255#5 : vector<16xf32>
      %add3A_262 = arith.addf %add3A_261, %scan3A_255#6 : vector<16xf32>
      %add3A_263 = arith.addf %add3A_262, %scan3A_255#7 : vector<16xf32>
      %add3A_264 = arith.constant 48 : i32
      %add3A_265 = arith.addi %mul3A_185, %add3A_264 : i32
      %swap3A_266 = arith.index_cast %add3A_265 : i32 to index
      %swap3A_267 = tpu.vector_load %arg15[%swap3A_266] {strides = array<i32>} : memref<2000xf32, #tpu.memory_space<vmem>>, vector<16xf32>,
      tpu.vector_store %arg15[%swap3A_266], %add3A_263 {strides = array<i32>} : memref<2000xf32, #tpu.memory_space<vmem>>, vector<16xf32>,
      %add3A_268 = arith.constant 64 : i32
      %add3A_269 = vector.broadcast %add3A_268 : i32 to vector<16xi32>
      %add3A_270 = arith.addi %iota3A, %add3A_269 : vector<16xi32>
      %scan3A_271 = arith.constant 0 : i32
      %scan3A_272 = arith.constant 16 : i32
      %scan3A_273 = arith.addi %scan3A_271, %scan3A_272 : i32
      %scan3A_274 = arith.constant 1 : i32
      %scan3A_275:8 = scf.for %scan3A_433 = %scan3A_271 to %scan3A_273 step %scan3A_274 iter_args(%scan3A_434 = %broadcast_in_dim3A_187, %scan3A_435 = %broadcast_in_dim3A_187, %scan3A_436 = %broadcast_in_dim3A_187, %scan3A_437 = %broadcast_in_dim3A_187, %scan3A_438 = %broadcast_in_dim3A_187, %scan3A_439 = %broadcast_in_dim3A_187, %scan3A_440 = %broadcast_in_dim3A_187, %scan3A_441 = %broadcast_in_dim3A_187) -> (vector<16xf32>, vector<16xf32>, vector<16xf32>, vector<16xf32>, vector<16xf32>, vector<16xf32>, vector<16xf32>, vector<16xf32>)  : i32 {
        %mul3A_442 = arith.constant 8 : i32
        %mul3A_443 = arith.muli %scan3A_433, %mul3A_442 : i32
        %add3A_444 = arith.constant 0 : i32
        %add3A_445 = arith.addi %mul3A_443, %add3A_444 : i32
        %add3A_446 = vector.broadcast %add3A_445 : i32 to vector<16xi32>
        %add3A_447 = arith.addi %iota3A, %add3A_446 : vector<16xi32>
        %and3A = arith.constant 127 : i32
        %and3A_448 = vector.broadcast %and3A : i32 to vector<16xi32>
        %and3A_449 = arith.andi %add3A_447, %and3A_448 : vector<16xi32>
        %gather3A = tpu.vector_load_idx %arg11[%add3A_270, %and3A_449] : memref<80x128xf32, #tpu.memory_space<vmem>>[vector<16xi32>, vector<16xi32>], vector<16xf32>,
        %gather3A_450 = tpu.vector_load_idx %arg12[%add3A_270, %and3A_449] : memref<80x128xf32, #tpu.memory_space<vmem>>[vector<16xi32>, vector<16xi32>], vector<16xf32>,
        %mul3A_451 = arith.mulf %gather3A, %gather3A_450 : vector<16xf32>
        %add3A_452 = arith.addf %scan3A_434, %mul3A_451 : vector<16xf32>
        %mul3A_453 = arith.constant 8 : i32
        %mul3A_454 = arith.muli %scan3A_433, %mul3A_453 : i32
        %add3A_455 = arith.constant 1 : i32
        %add3A_456 = arith.addi %mul3A_454, %add3A_455 : i32
        %add3A_457 = vector.broadcast %add3A_456 : i32 to vector<16xi32>
        %add3A_458 = arith.addi %iota3A, %add3A_457 : vector<16xi32>
        %and3A_459 = arith.constant 127 : i32
        %and3A_460 = vector.broadcast %and3A_459 : i32 to vector<16xi32>
        %and3A_461 = arith.andi %add3A_458, %and3A_460 : vector<16xi32>
        %gather3A_462 = tpu.vector_load_idx %arg11[%add3A_270, %and3A_461] : memref<80x128xf32, #tpu.memory_space<vmem>>[vector<16xi32>, vector<16xi32>], vector<16xf32>,
        %gather3A_463 = tpu.vector_load_idx %arg12[%add3A_270, %and3A_461] : memref<80x128xf32, #tpu.memory_space<vmem>>[vector<16xi32>, vector<16xi32>], vector<16xf32>,
        %mul3A_464 = arith.mulf %gather3A_462, %gather3A_463 : vector<16xf32>
        %add3A_465 = arith.addf %scan3A_435, %mul3A_464 : vector<16xf32>
        %mul3A_466 = arith.constant 8 : i32
        %mul3A_467 = arith.muli %scan3A_433, %mul3A_466 : i32
        %add3A_468 = arith.constant 2 : i32
        %add3A_469 = arith.addi %mul3A_467, %add3A_468 : i32
        %add3A_470 = vector.broadcast %add3A_469 : i32 to vector<16xi32>
        %add3A_471 = arith.addi %iota3A, %add3A_470 : vector<16xi32>
        %and3A_472 = arith.constant 127 : i32
        %and3A_473 = vector.broadcast %and3A_472 : i32 to vector<16xi32>
        %and3A_474 = arith.andi %add3A_471, %and3A_473 : vector<16xi32>
        %gather3A_475 = tpu.vector_load_idx %arg11[%add3A_270, %and3A_474] : memref<80x128xf32, #tpu.memory_space<vmem>>[vector<16xi32>, vector<16xi32>], vector<16xf32>,
        %gather3A_476 = tpu.vector_load_idx %arg12[%add3A_270, %and3A_474] : memref<80x128xf32, #tpu.memory_space<vmem>>[vector<16xi32>, vector<16xi32>], vector<16xf32>,
        %mul3A_477 = arith.mulf %gather3A_475, %gather3A_476 : vector<16xf32>
        %add3A_478 = arith.addf %scan3A_436, %mul3A_477 : vector<16xf32>
        %mul3A_479 = arith.constant 8 : i32
        %mul3A_480 = arith.muli %scan3A_433, %mul3A_479 : i32
        %add3A_481 = arith.constant 3 : i32
        %add3A_482 = arith.addi %mul3A_480, %add3A_481 : i32
        %add3A_483 = vector.broadcast %add3A_482 : i32 to vector<16xi32>
        %add3A_484 = arith.addi %iota3A, %add3A_483 : vector<16xi32>
        %and3A_485 = arith.constant 127 : i32
        %and3A_486 = vector.broadcast %and3A_485 : i32 to vector<16xi32>
        %and3A_487 = arith.andi %add3A_484, %and3A_486 : vector<16xi32>
        %gather3A_488 = tpu.vector_load_idx %arg11[%add3A_270, %and3A_487] : memref<80x128xf32, #tpu.memory_space<vmem>>[vector<16xi32>, vector<16xi32>], vector<16xf32>,
        %gather3A_489 = tpu.vector_load_idx %arg12[%add3A_270, %and3A_487] : memref<80x128xf32, #tpu.memory_space<vmem>>[vector<16xi32>, vector<16xi32>], vector<16xf32>,
        %mul3A_490 = arith.mulf %gather3A_488, %gather3A_489 : vector<16xf32>
        %add3A_491 = arith.addf %scan3A_437, %mul3A_490 : vector<16xf32>
        %mul3A_492 = arith.constant 8 : i32
        %mul3A_493 = arith.muli %scan3A_433, %mul3A_492 : i32
        %add3A_494 = arith.constant 4 : i32
        %add3A_495 = arith.addi %mul3A_493, %add3A_494 : i32
        %add3A_496 = vector.broadcast %add3A_495 : i32 to vector<16xi32>
        %add3A_497 = arith.addi %iota3A, %add3A_496 : vector<16xi32>
        %and3A_498 = arith.constant 127 : i32
        %and3A_499 = vector.broadcast %and3A_498 : i32 to vector<16xi32>
        %and3A_500 = arith.andi %add3A_497, %and3A_499 : vector<16xi32>
        %gather3A_501 = tpu.vector_load_idx %arg11[%add3A_270, %and3A_500] : memref<80x128xf32, #tpu.memory_space<vmem>>[vector<16xi32>, vector<16xi32>], vector<16xf32>,
        %gather3A_502 = tpu.vector_load_idx %arg12[%add3A_270, %and3A_500] : memref<80x128xf32, #tpu.memory_space<vmem>>[vector<16xi32>, vector<16xi32>], vector<16xf32>,
        %mul3A_503 = arith.mulf %gather3A_501, %gather3A_502 : vector<16xf32>
        %add3A_504 = arith.addf %scan3A_438, %mul3A_503 : vector<16xf32>
        %mul3A_505 = arith.constant 8 : i32
        %mul3A_506 = arith.muli %scan3A_433, %mul3A_505 : i32
        %add3A_507 = arith.constant 5 : i32
        %add3A_508 = arith.addi %mul3A_506, %add3A_507 : i32
        %add3A_509 = vector.broadcast %add3A_508 : i32 to vector<16xi32>
        %add3A_510 = arith.addi %iota3A, %add3A_509 : vector<16xi32>
        %and3A_511 = arith.constant 127 : i32
        %and3A_512 = vector.broadcast %and3A_511 : i32 to vector<16xi32>
        %and3A_513 = arith.andi %add3A_510, %and3A_512 : vector<16xi32>
        %gather3A_514 = tpu.vector_load_idx %arg11[%add3A_270, %and3A_513] : memref<80x128xf32, #tpu.memory_space<vmem>>[vector<16xi32>, vector<16xi32>], vector<16xf32>,
        %gather3A_515 = tpu.vector_load_idx %arg12[%add3A_270, %and3A_513] : memref<80x128xf32, #tpu.memory_space<vmem>>[vector<16xi32>, vector<16xi32>], vector<16xf32>,
        %mul3A_516 = arith.mulf %gather3A_514, %gather3A_515 : vector<16xf32>
        %add3A_517 = arith.addf %scan3A_439, %mul3A_516 : vector<16xf32>
        %mul3A_518 = arith.constant 8 : i32
        %mul3A_519 = arith.muli %scan3A_433, %mul3A_518 : i32
        %add3A_520 = arith.constant 6 : i32
        %add3A_521 = arith.addi %mul3A_519, %add3A_520 : i32
        %add3A_522 = vector.broadcast %add3A_521 : i32 to vector<16xi32>
        %add3A_523 = arith.addi %iota3A, %add3A_522 : vector<16xi32>
        %and3A_524 = arith.constant 127 : i32
        %and3A_525 = vector.broadcast %and3A_524 : i32 to vector<16xi32>
        %and3A_526 = arith.andi %add3A_523, %and3A_525 : vector<16xi32>
        %gather3A_527 = tpu.vector_load_idx %arg11[%add3A_270, %and3A_526] : memref<80x128xf32, #tpu.memory_space<vmem>>[vector<16xi32>, vector<16xi32>], vector<16xf32>,
        %gather3A_528 = tpu.vector_load_idx %arg12[%add3A_270, %and3A_526] : memref<80x128xf32, #tpu.memory_space<vmem>>[vector<16xi32>, vector<16xi32>], vector<16xf32>,
        %mul3A_529 = arith.mulf %gather3A_527, %gather3A_528 : vector<16xf32>
        %add3A_530 = arith.addf %scan3A_440, %mul3A_529 : vector<16xf32>
        %mul3A_531 = arith.constant 8 : i32
        %mul3A_532 = arith.muli %scan3A_433, %mul3A_531 : i32
        %add3A_533 = arith.constant 7 : i32
        %add3A_534 = arith.addi %mul3A_532, %add3A_533 : i32
        %add3A_535 = vector.broadcast %add3A_534 : i32 to vector<16xi32>
        %add3A_536 = arith.addi %iota3A, %add3A_535 : vector<16xi32>
        %and3A_537 = arith.constant 127 : i32
        %and3A_538 = vector.broadcast %and3A_537 : i32 to vector<16xi32>
        %and3A_539 = arith.andi %add3A_536, %and3A_538 : vector<16xi32>
        %gather3A_540 = tpu.vector_load_idx %arg11[%add3A_270, %and3A_539] : memref<80x128xf32, #tpu.memory_space<vmem>>[vector<16xi32>, vector<16xi32>], vector<16xf32>,
        %gather3A_541 = tpu.vector_load_idx %arg12[%add3A_270, %and3A_539] : memref<80x128xf32, #tpu.memory_space<vmem>>[vector<16xi32>, vector<16xi32>], vector<16xf32>,
        %mul3A_542 = arith.mulf %gather3A_540, %gather3A_541 : vector<16xf32>
        %add3A_543 = arith.addf %scan3A_441, %mul3A_542 : vector<16xf32>
        scf.yield %add3A_452, %add3A_465, %add3A_478, %add3A_491, %add3A_504, %add3A_517, %add3A_530, %add3A_543 : vector<16xf32>, vector<16xf32>, vector<16xf32>, vector<16xf32>, vector<16xf32>, vector<16xf32>, vector<16xf32>, vector<16xf32>
      }
      %scan3A_276 = arith.constant 16 : i32
      %add3A_277 = arith.addf %scan3A_275#0, %scan3A_275#1 : vector<16xf32>
      %add3A_278 = arith.addf %add3A_277, %scan3A_275#2 : vector<16xf32>
      %add3A_279 = arith.addf %add3A_278, %scan3A_275#3 : vector<16xf32>
      %add3A_280 = arith.addf %add3A_279, %scan3A_275#4 : vector<16xf32>
      %add3A_281 = arith.addf %add3A_280, %scan3A_275#5 : vector<16xf32>
      %add3A_282 = arith.addf %add3A_281, %scan3A_275#6 : vector<16xf32>
      %add3A_283 = arith.addf %add3A_282, %scan3A_275#7 : vector<16xf32>
      %add3A_284 = arith.constant 64 : i32
      %add3A_285 = arith.addi %mul3A_185, %add3A_284 : i32
      %swap3A_286 = arith.index_cast %add3A_285 : i32 to index
      %swap3A_287 = tpu.vector_load %arg15[%swap3A_286] {strides = array<i32>} : memref<2000xf32, #tpu.memory_space<vmem>>, vector<16xf32>,
      tpu.vector_store %arg15[%swap3A_286], %add3A_283 {strides = array<i32>} : memref<2000xf32, #tpu.memory_space<vmem>>, vector<16xf32>,
      %eq3A_288 = arith.constant 24 : i32
      %eq3A_289 = arith.cmpi eq, %rem3A_183, %eq3A_288 : i32
      %convert_element_type3A_290 = arith.extui %eq3A_289 : i1 to i32
      %cond3A_291 = arith.constant 0 : i32
      %cond3A_292 = arith.cmpi ne, %convert_element_type3A_290, %cond3A_291 : i32
      scf.if %cond3A_292 {
        %sub3A = arith.constant 24 : i32
        %sub3A_433 = arith.subi %mul3A_155, %sub3A : i32
        %mul3A_434 = arith.constant 80 : i32
        %mul3A_435 = arith.muli %sub3A_433, %mul3A_434 : i32
        %add3A_436 = arith.addi %mul3A_2, %mul3A_435 : i32
        "tpu.region"() ({
          %run_scoped3A = tpu.sem_alloc : memref<!tpu.dma_semaphore, #tpu.memory_space<semaphore_mem>>
          %dma_start3A_437 = tpu.memref_slice %arg5[%add3A_436] : memref<320000xf32, #tpu.memory_space<hbm>> -> memref<2000xf32, #tpu.memory_space<hbm>>
          %dma_start3A_438 = tpu.memref_slice %arg5[%add3A_436] : memref<320000xf32, #tpu.memory_space<hbm>> -> memref<2000xf32, #tpu.memory_space<hbm>>
          tpu.enqueue_dma source(%arg15 : memref<2000xf32, #tpu.memory_space<vmem>>) target(%dma_start3A_438 : memref<2000xf32, #tpu.memory_space<hbm>>) target_semaphore(%run_scoped3A : memref<!tpu.dma_semaphore, #tpu.memory_space<semaphore_mem>>)
          %dma_wait3A_439 = tpu.memref_slice %arg5[%add3A_436] : memref<320000xf32, #tpu.memory_space<hbm>> -> memref<2000xf32, #tpu.memory_space<hbm>>
          %dma_wait3A_440 = tpu.memref_slice %arg5[%add3A_436] : memref<320000xf32, #tpu.memory_space<hbm>> -> memref<2000xf32, #tpu.memory_space<hbm>>
          tpu.wait_dma2 semaphore(%run_scoped3A : memref<!tpu.dma_semaphore, #tpu.memory_space<semaphore_mem>>) src(%arg15 : memref<2000xf32, #tpu.memory_space<vmem>>) dst(%dma_wait3A_440 : memref<2000xf32, #tpu.memory_space<hbm>>)
          tpu.yield
        }) : () -> ()
      } else {
      }
      %add3A_293 = arith.constant 1 : i32
      %add3A_294 = arith.addi %mul3A_155, %add3A_293 : i32
      %dma_wait3A_295 = arith.constant 0 : i32
      %dma_wait3A_296 = tpu.memref_slice %arg3[%dma_wait3A_295] : memref<320000xi32, #tpu.memory_space<hbm>> -> memref<80xi32, #tpu.memory_space<hbm>>
      %dma_wait3A_297 = arith.constant 0 : i32
      %dma_wait3A_298 = tpu.memref_slice %arg3[%dma_wait3A_297] : memref<320000xi32, #tpu.memory_space<hbm>> -> memref<80xi32, #tpu.memory_space<hbm>>
      tpu.wait_dma2 semaphore(%arg16 : memref<!tpu.dma_semaphore, #tpu.memory_space<semaphore_mem>>) src(%dma_wait3A_298 : memref<80xi32, #tpu.memory_space<hbm>>) dst(%arg7 : memref<80xi32, #tpu.memory_space<vmem>>)
      %dma_wait3A_299 = arith.constant 0 : i32
      %dma_wait3A_300 = tpu.memref_slice %arg4[%dma_wait3A_299] : memref<320000xi32, #tpu.memory_space<hbm>> -> memref<80xi32, #tpu.memory_space<hbm>>
      %dma_wait3A_301 = arith.constant 0 : i32
      %dma_wait3A_302 = tpu.memref_slice %arg4[%dma_wait3A_301] : memref<320000xi32, #tpu.memory_space<hbm>> -> memref<80xi32, #tpu.memory_space<hbm>>
      tpu.wait_dma2 semaphore(%arg16 : memref<!tpu.dma_semaphore, #tpu.memory_space<semaphore_mem>>) src(%dma_wait3A_302 : memref<80xi32, #tpu.memory_space<hbm>>) dst(%arg8 : memref<80xi32, #tpu.memory_space<vmem>>)
      %dma_start3A_303 = arith.constant 0 : i32
      %dma_start3A_304 = arith.constant 0 : i32
      %dma_start3A_305 = tpu.memref_slice %arg6[%dma_start3A_303, %dma_start3A_304] : memref<10000x128xf32, #tpu.memory_space<vmem_shared>> -> memref<10000x128xf32, #tpu.memory_space<vmem_shared>>
      tpu.enqueue_indirect_dma source(%dma_start3A_305 : memref<10000x128xf32, #tpu.memory_space<vmem_shared>>) target(%arg11 : memref<80x128xf32, #tpu.memory_space<vmem>>) offsets(%arg7 : memref<80xi32, #tpu.memory_space<vmem>>) semaphore(%arg18 : memref<!tpu.dma_semaphore, #tpu.memory_space<semaphore_mem>>)
      %dma_start3A_306 = arith.constant 0 : i32
      %dma_start3A_307 = arith.constant 0 : i32
      %dma_start3A_308 = tpu.memref_slice %arg2[%dma_start3A_306, %dma_start3A_307] : memref<10000x128xf32, #tpu.memory_space<hbm>> -> memref<10000x128xf32, #tpu.memory_space<hbm>>
      tpu.enqueue_indirect_dma source(%dma_start3A_308 : memref<10000x128xf32, #tpu.memory_space<hbm>>) target(%arg12 : memref<80x128xf32, #tpu.memory_space<vmem>>) offsets(%arg8 : memref<80xi32, #tpu.memory_space<vmem>>) semaphore(%arg19 : memref<!tpu.dma_semaphore, #tpu.memory_space<semaphore_mem>>)
      %dma_wait3A_309 = arith.constant 0 : i32
      %dma_wait3A_310 = arith.constant 0 : i32
      %dma_wait3A_311 = tpu.memref_slice %arg6[%dma_wait3A_309, %dma_wait3A_310] : memref<10000x128xf32, #tpu.memory_space<vmem_shared>> -> memref<10000x128xf32, #tpu.memory_space<vmem_shared>>
      tpu.wait_indirect_dma semaphore(%arg20 : memref<!tpu.dma_semaphore, #tpu.memory_space<semaphore_mem>>) src(%dma_wait3A_311 : memref<10000x128xf32, #tpu.memory_space<vmem_shared>>) dst(%arg13 : memref<80x128xf32, #tpu.memory_space<vmem>>)
      %dma_wait3A_312 = arith.constant 0 : i32
      %dma_wait3A_313 = arith.constant 0 : i32
      %dma_wait3A_314 = tpu.memref_slice %arg2[%dma_wait3A_312, %dma_wait3A_313] : memref<10000x128xf32, #tpu.memory_space<hbm>> -> memref<10000x128xf32, #tpu.memory_space<hbm>>
      tpu.wait_indirect_dma semaphore(%arg21 : memref<!tpu.dma_semaphore, #tpu.memory_space<semaphore_mem>>) src(%dma_wait3A_314 : memref<10000x128xf32, #tpu.memory_space<hbm>>) dst(%arg14 : memref<80x128xf32, #tpu.memory_space<vmem>>)
      %add3A_315 = arith.constant 2 : i32
      %add3A_316 = arith.addi %add3A_294, %add3A_315 : i32
      %lt3A_317 = arith.constant 125 : i32
      %lt3A_318 = arith.cmpi slt, %add3A_316, %lt3A_317 : i32
      %convert_element_type3A_319 = arith.extui %lt3A_318 : i1 to i32
      %cond3A_320 = arith.constant 0 : i32
      %cond3A_321 = arith.cmpi ne, %convert_element_type3A_319, %cond3A_320 : i32
      scf.if %cond3A_321 {
        %add3A_433 = arith.constant 2 : i32
        %add3A_434 = arith.addi %add3A_294, %add3A_433 : i32
        %mul3A_435 = arith.constant 80 : i32
        %mul3A_436 = arith.muli %add3A_434, %mul3A_435 : i32
        %add3A_437 = arith.addi %mul3A_2, %mul3A_436 : i32
        %dma_start3A_438 = tpu.memref_slice %arg3[%add3A_437] : memref<320000xi32, #tpu.memory_space<hbm>> -> memref<80xi32, #tpu.memory_space<hbm>>
        %dma_start3A_439 = tpu.memref_slice %arg3[%add3A_437] : memref<320000xi32, #tpu.memory_space<hbm>> -> memref<80xi32, #tpu.memory_space<hbm>>
        tpu.enqueue_dma source(%dma_start3A_439 : memref<80xi32, #tpu.memory_space<hbm>>) target(%arg9 : memref<80xi32, #tpu.memory_space<vmem>>) target_semaphore(%arg17 : memref<!tpu.dma_semaphore, #tpu.memory_space<semaphore_mem>>)
        %dma_start3A_440 = tpu.memref_slice %arg4[%add3A_437] : memref<320000xi32, #tpu.memory_space<hbm>> -> memref<80xi32, #tpu.memory_space<hbm>>
        %dma_start3A_441 = tpu.memref_slice %arg4[%add3A_437] : memref<320000xi32, #tpu.memory_space<hbm>> -> memref<80xi32, #tpu.memory_space<hbm>>
        tpu.enqueue_dma source(%dma_start3A_441 : memref<80xi32, #tpu.memory_space<hbm>>) target(%arg10 : memref<80xi32, #tpu.memory_space<vmem>>) target_semaphore(%arg17 : memref<!tpu.dma_semaphore, #tpu.memory_space<semaphore_mem>>)
      } else {
      }
      %rem3A_322 = arith.constant 25 : i32
      %rem3A_323 = arith.remsi %add3A_294, %rem3A_322 : i32
      %mul3A_324 = arith.constant 80 : i32
      %mul3A_325 = arith.muli %rem3A_323, %mul3A_324 : i32
      %broadcast_in_dim3A_326 = arith.constant 0.000000e+00 : f32
      %broadcast_in_dim3A_327 = vector.broadcast %broadcast_in_dim3A_326 : f32 to vector<16xf32>
      %add3A_328 = arith.constant 0 : i32
      %add3A_329 = vector.broadcast %add3A_328 : i32 to vector<16xi32>
      %add3A_330 = arith.addi %iota3A, %add3A_329 : vector<16xi32>
      %scan3A_331 = arith.constant 0 : i32
      %scan3A_332 = arith.constant 16 : i32
      %scan3A_333 = arith.addi %scan3A_331, %scan3A_332 : i32
      %scan3A_334 = arith.constant 1 : i32
      %scan3A_335:8 = scf.for %scan3A_433 = %scan3A_331 to %scan3A_333 step %scan3A_334 iter_args(%scan3A_434 = %broadcast_in_dim3A_327, %scan3A_435 = %broadcast_in_dim3A_327, %scan3A_436 = %broadcast_in_dim3A_327, %scan3A_437 = %broadcast_in_dim3A_327, %scan3A_438 = %broadcast_in_dim3A_327, %scan3A_439 = %broadcast_in_dim3A_327, %scan3A_440 = %broadcast_in_dim3A_327, %scan3A_441 = %broadcast_in_dim3A_327) -> (vector<16xf32>, vector<16xf32>, vector<16xf32>, vector<16xf32>, vector<16xf32>, vector<16xf32>, vector<16xf32>, vector<16xf32>)  : i32 {
        %mul3A_442 = arith.constant 8 : i32
        %mul3A_443 = arith.muli %scan3A_433, %mul3A_442 : i32
        %add3A_444 = arith.constant 0 : i32
        %add3A_445 = arith.addi %mul3A_443, %add3A_444 : i32
        %add3A_446 = vector.broadcast %add3A_445 : i32 to vector<16xi32>
        %add3A_447 = arith.addi %iota3A, %add3A_446 : vector<16xi32>
        %and3A = arith.constant 127 : i32
        %and3A_448 = vector.broadcast %and3A : i32 to vector<16xi32>
        %and3A_449 = arith.andi %add3A_447, %and3A_448 : vector<16xi32>
        %gather3A = tpu.vector_load_idx %arg13[%add3A_330, %and3A_449] : memref<80x128xf32, #tpu.memory_space<vmem>>[vector<16xi32>, vector<16xi32>], vector<16xf32>,
        %gather3A_450 = tpu.vector_load_idx %arg14[%add3A_330, %and3A_449] : memref<80x128xf32, #tpu.memory_space<vmem>>[vector<16xi32>, vector<16xi32>], vector<16xf32>,
        %mul3A_451 = arith.mulf %gather3A, %gather3A_450 : vector<16xf32>
        %add3A_452 = arith.addf %scan3A_434, %mul3A_451 : vector<16xf32>
        %mul3A_453 = arith.constant 8 : i32
        %mul3A_454 = arith.muli %scan3A_433, %mul3A_453 : i32
        %add3A_455 = arith.constant 1 : i32
        %add3A_456 = arith.addi %mul3A_454, %add3A_455 : i32
        %add3A_457 = vector.broadcast %add3A_456 : i32 to vector<16xi32>
        %add3A_458 = arith.addi %iota3A, %add3A_457 : vector<16xi32>
        %and3A_459 = arith.constant 127 : i32
        %and3A_460 = vector.broadcast %and3A_459 : i32 to vector<16xi32>
        %and3A_461 = arith.andi %add3A_458, %and3A_460 : vector<16xi32>
        %gather3A_462 = tpu.vector_load_idx %arg13[%add3A_330, %and3A_461] : memref<80x128xf32, #tpu.memory_space<vmem>>[vector<16xi32>, vector<16xi32>], vector<16xf32>,
        %gather3A_463 = tpu.vector_load_idx %arg14[%add3A_330, %and3A_461] : memref<80x128xf32, #tpu.memory_space<vmem>>[vector<16xi32>, vector<16xi32>], vector<16xf32>,
        %mul3A_464 = arith.mulf %gather3A_462, %gather3A_463 : vector<16xf32>
        %add3A_465 = arith.addf %scan3A_435, %mul3A_464 : vector<16xf32>
        %mul3A_466 = arith.constant 8 : i32
        %mul3A_467 = arith.muli %scan3A_433, %mul3A_466 : i32
        %add3A_468 = arith.constant 2 : i32
        %add3A_469 = arith.addi %mul3A_467, %add3A_468 : i32
        %add3A_470 = vector.broadcast %add3A_469 : i32 to vector<16xi32>
        %add3A_471 = arith.addi %iota3A, %add3A_470 : vector<16xi32>
        %and3A_472 = arith.constant 127 : i32
        %and3A_473 = vector.broadcast %and3A_472 : i32 to vector<16xi32>
        %and3A_474 = arith.andi %add3A_471, %and3A_473 : vector<16xi32>
        %gather3A_475 = tpu.vector_load_idx %arg13[%add3A_330, %and3A_474] : memref<80x128xf32, #tpu.memory_space<vmem>>[vector<16xi32>, vector<16xi32>], vector<16xf32>,
        %gather3A_476 = tpu.vector_load_idx %arg14[%add3A_330, %and3A_474] : memref<80x128xf32, #tpu.memory_space<vmem>>[vector<16xi32>, vector<16xi32>], vector<16xf32>,
        %mul3A_477 = arith.mulf %gather3A_475, %gather3A_476 : vector<16xf32>
        %add3A_478 = arith.addf %scan3A_436, %mul3A_477 : vector<16xf32>
        %mul3A_479 = arith.constant 8 : i32
        %mul3A_480 = arith.muli %scan3A_433, %mul3A_479 : i32
        %add3A_481 = arith.constant 3 : i32
        %add3A_482 = arith.addi %mul3A_480, %add3A_481 : i32
        %add3A_483 = vector.broadcast %add3A_482 : i32 to vector<16xi32>
        %add3A_484 = arith.addi %iota3A, %add3A_483 : vector<16xi32>
        %and3A_485 = arith.constant 127 : i32
        %and3A_486 = vector.broadcast %and3A_485 : i32 to vector<16xi32>
        %and3A_487 = arith.andi %add3A_484, %and3A_486 : vector<16xi32>
        %gather3A_488 = tpu.vector_load_idx %arg13[%add3A_330, %and3A_487] : memref<80x128xf32, #tpu.memory_space<vmem>>[vector<16xi32>, vector<16xi32>], vector<16xf32>,
        %gather3A_489 = tpu.vector_load_idx %arg14[%add3A_330, %and3A_487] : memref<80x128xf32, #tpu.memory_space<vmem>>[vector<16xi32>, vector<16xi32>], vector<16xf32>,
        %mul3A_490 = arith.mulf %gather3A_488, %gather3A_489 : vector<16xf32>
        %add3A_491 = arith.addf %scan3A_437, %mul3A_490 : vector<16xf32>
        %mul3A_492 = arith.constant 8 : i32
        %mul3A_493 = arith.muli %scan3A_433, %mul3A_492 : i32
        %add3A_494 = arith.constant 4 : i32
        %add3A_495 = arith.addi %mul3A_493, %add3A_494 : i32
        %add3A_496 = vector.broadcast %add3A_495 : i32 to vector<16xi32>
        %add3A_497 = arith.addi %iota3A, %add3A_496 : vector<16xi32>
        %and3A_498 = arith.constant 127 : i32
        %and3A_499 = vector.broadcast %and3A_498 : i32 to vector<16xi32>
        %and3A_500 = arith.andi %add3A_497, %and3A_499 : vector<16xi32>
        %gather3A_501 = tpu.vector_load_idx %arg13[%add3A_330, %and3A_500] : memref<80x128xf32, #tpu.memory_space<vmem>>[vector<16xi32>, vector<16xi32>], vector<16xf32>,
        %gather3A_502 = tpu.vector_load_idx %arg14[%add3A_330, %and3A_500] : memref<80x128xf32, #tpu.memory_space<vmem>>[vector<16xi32>, vector<16xi32>], vector<16xf32>,
        %mul3A_503 = arith.mulf %gather3A_501, %gather3A_502 : vector<16xf32>
        %add3A_504 = arith.addf %scan3A_438, %mul3A_503 : vector<16xf32>
        %mul3A_505 = arith.constant 8 : i32
        %mul3A_506 = arith.muli %scan3A_433, %mul3A_505 : i32
        %add3A_507 = arith.constant 5 : i32
        %add3A_508 = arith.addi %mul3A_506, %add3A_507 : i32
        %add3A_509 = vector.broadcast %add3A_508 : i32 to vector<16xi32>
        %add3A_510 = arith.addi %iota3A, %add3A_509 : vector<16xi32>
        %and3A_511 = arith.constant 127 : i32
        %and3A_512 = vector.broadcast %and3A_511 : i32 to vector<16xi32>
        %and3A_513 = arith.andi %add3A_510, %and3A_512 : vector<16xi32>
        %gather3A_514 = tpu.vector_load_idx %arg13[%add3A_330, %and3A_513] : memref<80x128xf32, #tpu.memory_space<vmem>>[vector<16xi32>, vector<16xi32>], vector<16xf32>,
        %gather3A_515 = tpu.vector_load_idx %arg14[%add3A_330, %and3A_513] : memref<80x128xf32, #tpu.memory_space<vmem>>[vector<16xi32>, vector<16xi32>], vector<16xf32>,
        %mul3A_516 = arith.mulf %gather3A_514, %gather3A_515 : vector<16xf32>
        %add3A_517 = arith.addf %scan3A_439, %mul3A_516 : vector<16xf32>
        %mul3A_518 = arith.constant 8 : i32
        %mul3A_519 = arith.muli %scan3A_433, %mul3A_518 : i32
        %add3A_520 = arith.constant 6 : i32
        %add3A_521 = arith.addi %mul3A_519, %add3A_520 : i32
        %add3A_522 = vector.broadcast %add3A_521 : i32 to vector<16xi32>
        %add3A_523 = arith.addi %iota3A, %add3A_522 : vector<16xi32>
        %and3A_524 = arith.constant 127 : i32
        %and3A_525 = vector.broadcast %and3A_524 : i32 to vector<16xi32>
        %and3A_526 = arith.andi %add3A_523, %and3A_525 : vector<16xi32>
        %gather3A_527 = tpu.vector_load_idx %arg13[%add3A_330, %and3A_526] : memref<80x128xf32, #tpu.memory_space<vmem>>[vector<16xi32>, vector<16xi32>], vector<16xf32>,
        %gather3A_528 = tpu.vector_load_idx %arg14[%add3A_330, %and3A_526] : memref<80x128xf32, #tpu.memory_space<vmem>>[vector<16xi32>, vector<16xi32>], vector<16xf32>,
        %mul3A_529 = arith.mulf %gather3A_527, %gather3A_528 : vector<16xf32>
        %add3A_530 = arith.addf %scan3A_440, %mul3A_529 : vector<16xf32>
        %mul3A_531 = arith.constant 8 : i32
        %mul3A_532 = arith.muli %scan3A_433, %mul3A_531 : i32
        %add3A_533 = arith.constant 7 : i32
        %add3A_534 = arith.addi %mul3A_532, %add3A_533 : i32
        %add3A_535 = vector.broadcast %add3A_534 : i32 to vector<16xi32>
        %add3A_536 = arith.addi %iota3A, %add3A_535 : vector<16xi32>
        %and3A_537 = arith.constant 127 : i32
        %and3A_538 = vector.broadcast %and3A_537 : i32 to vector<16xi32>
        %and3A_539 = arith.andi %add3A_536, %and3A_538 : vector<16xi32>
        %gather3A_540 = tpu.vector_load_idx %arg13[%add3A_330, %and3A_539] : memref<80x128xf32, #tpu.memory_space<vmem>>[vector<16xi32>, vector<16xi32>], vector<16xf32>,
        %gather3A_541 = tpu.vector_load_idx %arg14[%add3A_330, %and3A_539] : memref<80x128xf32, #tpu.memory_space<vmem>>[vector<16xi32>, vector<16xi32>], vector<16xf32>,
        %mul3A_542 = arith.mulf %gather3A_540, %gather3A_541 : vector<16xf32>
        %add3A_543 = arith.addf %scan3A_441, %mul3A_542 : vector<16xf32>
        scf.yield %add3A_452, %add3A_465, %add3A_478, %add3A_491, %add3A_504, %add3A_517, %add3A_530, %add3A_543 : vector<16xf32>, vector<16xf32>, vector<16xf32>, vector<16xf32>, vector<16xf32>, vector<16xf32>, vector<16xf32>, vector<16xf32>
      }
      %scan3A_336 = arith.constant 16 : i32
      %add3A_337 = arith.addf %scan3A_335#0, %scan3A_335#1 : vector<16xf32>
      %add3A_338 = arith.addf %add3A_337, %scan3A_335#2 : vector<16xf32>
      %add3A_339 = arith.addf %add3A_338, %scan3A_335#3 : vector<16xf32>
      %add3A_340 = arith.addf %add3A_339, %scan3A_335#4 : vector<16xf32>
      %add3A_341 = arith.addf %add3A_340, %scan3A_335#5 : vector<16xf32>
      %add3A_342 = arith.addf %add3A_341, %scan3A_335#6 : vector<16xf32>
      %add3A_343 = arith.addf %add3A_342, %scan3A_335#7 : vector<16xf32>
      %add3A_344 = arith.constant 0 : i32
      %add3A_345 = arith.addi %mul3A_325, %add3A_344 : i32
      %swap3A_346 = arith.index_cast %add3A_345 : i32 to index
      %swap3A_347 = tpu.vector_load %arg15[%swap3A_346] {strides = array<i32>} : memref<2000xf32, #tpu.memory_space<vmem>>, vector<16xf32>,
      tpu.vector_store %arg15[%swap3A_346], %add3A_343 {strides = array<i32>} : memref<2000xf32, #tpu.memory_space<vmem>>, vector<16xf32>,
      %add3A_348 = arith.constant 16 : i32
      %add3A_349 = vector.broadcast %add3A_348 : i32 to vector<16xi32>
      %add3A_350 = arith.addi %iota3A, %add3A_349 : vector<16xi32>
      %scan3A_351 = arith.constant 0 : i32
      %scan3A_352 = arith.constant 16 : i32
      %scan3A_353 = arith.addi %scan3A_351, %scan3A_352 : i32
      %scan3A_354 = arith.constant 1 : i32
      %scan3A_355:8 = scf.for %scan3A_433 = %scan3A_351 to %scan3A_353 step %scan3A_354 iter_args(%scan3A_434 = %broadcast_in_dim3A_327, %scan3A_435 = %broadcast_in_dim3A_327, %scan3A_436 = %broadcast_in_dim3A_327, %scan3A_437 = %broadcast_in_dim3A_327, %scan3A_438 = %broadcast_in_dim3A_327, %scan3A_439 = %broadcast_in_dim3A_327, %scan3A_440 = %broadcast_in_dim3A_327, %scan3A_441 = %broadcast_in_dim3A_327) -> (vector<16xf32>, vector<16xf32>, vector<16xf32>, vector<16xf32>, vector<16xf32>, vector<16xf32>, vector<16xf32>, vector<16xf32>)  : i32 {
        %mul3A_442 = arith.constant 8 : i32
        %mul3A_443 = arith.muli %scan3A_433, %mul3A_442 : i32
        %add3A_444 = arith.constant 0 : i32
        %add3A_445 = arith.addi %mul3A_443, %add3A_444 : i32
        %add3A_446 = vector.broadcast %add3A_445 : i32 to vector<16xi32>
        %add3A_447 = arith.addi %iota3A, %add3A_446 : vector<16xi32>
        %and3A = arith.constant 127 : i32
        %and3A_448 = vector.broadcast %and3A : i32 to vector<16xi32>
        %and3A_449 = arith.andi %add3A_447, %and3A_448 : vector<16xi32>
        %gather3A = tpu.vector_load_idx %arg13[%add3A_350, %and3A_449] : memref<80x128xf32, #tpu.memory_space<vmem>>[vector<16xi32>, vector<16xi32>], vector<16xf32>,
        %gather3A_450 = tpu.vector_load_idx %arg14[%add3A_350, %and3A_449] : memref<80x128xf32, #tpu.memory_space<vmem>>[vector<16xi32>, vector<16xi32>], vector<16xf32>,
        %mul3A_451 = arith.mulf %gather3A, %gather3A_450 : vector<16xf32>
        %add3A_452 = arith.addf %scan3A_434, %mul3A_451 : vector<16xf32>
        %mul3A_453 = arith.constant 8 : i32
        %mul3A_454 = arith.muli %scan3A_433, %mul3A_453 : i32
        %add3A_455 = arith.constant 1 : i32
        %add3A_456 = arith.addi %mul3A_454, %add3A_455 : i32
        %add3A_457 = vector.broadcast %add3A_456 : i32 to vector<16xi32>
        %add3A_458 = arith.addi %iota3A, %add3A_457 : vector<16xi32>
        %and3A_459 = arith.constant 127 : i32
        %and3A_460 = vector.broadcast %and3A_459 : i32 to vector<16xi32>
        %and3A_461 = arith.andi %add3A_458, %and3A_460 : vector<16xi32>
        %gather3A_462 = tpu.vector_load_idx %arg13[%add3A_350, %and3A_461] : memref<80x128xf32, #tpu.memory_space<vmem>>[vector<16xi32>, vector<16xi32>], vector<16xf32>,
        %gather3A_463 = tpu.vector_load_idx %arg14[%add3A_350, %and3A_461] : memref<80x128xf32, #tpu.memory_space<vmem>>[vector<16xi32>, vector<16xi32>], vector<16xf32>,
        %mul3A_464 = arith.mulf %gather3A_462, %gather3A_463 : vector<16xf32>
        %add3A_465 = arith.addf %scan3A_435, %mul3A_464 : vector<16xf32>
        %mul3A_466 = arith.constant 8 : i32
        %mul3A_467 = arith.muli %scan3A_433, %mul3A_466 : i32
        %add3A_468 = arith.constant 2 : i32
        %add3A_469 = arith.addi %mul3A_467, %add3A_468 : i32
        %add3A_470 = vector.broadcast %add3A_469 : i32 to vector<16xi32>
        %add3A_471 = arith.addi %iota3A, %add3A_470 : vector<16xi32>
        %and3A_472 = arith.constant 127 : i32
        %and3A_473 = vector.broadcast %and3A_472 : i32 to vector<16xi32>
        %and3A_474 = arith.andi %add3A_471, %and3A_473 : vector<16xi32>
        %gather3A_475 = tpu.vector_load_idx %arg13[%add3A_350, %and3A_474] : memref<80x128xf32, #tpu.memory_space<vmem>>[vector<16xi32>, vector<16xi32>], vector<16xf32>,
        %gather3A_476 = tpu.vector_load_idx %arg14[%add3A_350, %and3A_474] : memref<80x128xf32, #tpu.memory_space<vmem>>[vector<16xi32>, vector<16xi32>], vector<16xf32>,
        %mul3A_477 = arith.mulf %gather3A_475, %gather3A_476 : vector<16xf32>
        %add3A_478 = arith.addf %scan3A_436, %mul3A_477 : vector<16xf32>
        %mul3A_479 = arith.constant 8 : i32
        %mul3A_480 = arith.muli %scan3A_433, %mul3A_479 : i32
        %add3A_481 = arith.constant 3 : i32
        %add3A_482 = arith.addi %mul3A_480, %add3A_481 : i32
        %add3A_483 = vector.broadcast %add3A_482 : i32 to vector<16xi32>
        %add3A_484 = arith.addi %iota3A, %add3A_483 : vector<16xi32>
        %and3A_485 = arith.constant 127 : i32
        %and3A_486 = vector.broadcast %and3A_485 : i32 to vector<16xi32>
        %and3A_487 = arith.andi %add3A_484, %and3A_486 : vector<16xi32>
        %gather3A_488 = tpu.vector_load_idx %arg13[%add3A_350, %and3A_487] : memref<80x128xf32, #tpu.memory_space<vmem>>[vector<16xi32>, vector<16xi32>], vector<16xf32>,
        %gather3A_489 = tpu.vector_load_idx %arg14[%add3A_350, %and3A_487] : memref<80x128xf32, #tpu.memory_space<vmem>>[vector<16xi32>, vector<16xi32>], vector<16xf32>,
        %mul3A_490 = arith.mulf %gather3A_488, %gather3A_489 : vector<16xf32>
        %add3A_491 = arith.addf %scan3A_437, %mul3A_490 : vector<16xf32>
        %mul3A_492 = arith.constant 8 : i32
        %mul3A_493 = arith.muli %scan3A_433, %mul3A_492 : i32
        %add3A_494 = arith.constant 4 : i32
        %add3A_495 = arith.addi %mul3A_493, %add3A_494 : i32
        %add3A_496 = vector.broadcast %add3A_495 : i32 to vector<16xi32>
        %add3A_497 = arith.addi %iota3A, %add3A_496 : vector<16xi32>
        %and3A_498 = arith.constant 127 : i32
        %and3A_499 = vector.broadcast %and3A_498 : i32 to vector<16xi32>
        %and3A_500 = arith.andi %add3A_497, %and3A_499 : vector<16xi32>
        %gather3A_501 = tpu.vector_load_idx %arg13[%add3A_350, %and3A_500] : memref<80x128xf32, #tpu.memory_space<vmem>>[vector<16xi32>, vector<16xi32>], vector<16xf32>,
        %gather3A_502 = tpu.vector_load_idx %arg14[%add3A_350, %and3A_500] : memref<80x128xf32, #tpu.memory_space<vmem>>[vector<16xi32>, vector<16xi32>], vector<16xf32>,
        %mul3A_503 = arith.mulf %gather3A_501, %gather3A_502 : vector<16xf32>
        %add3A_504 = arith.addf %scan3A_438, %mul3A_503 : vector<16xf32>
        %mul3A_505 = arith.constant 8 : i32
        %mul3A_506 = arith.muli %scan3A_433, %mul3A_505 : i32
        %add3A_507 = arith.constant 5 : i32
        %add3A_508 = arith.addi %mul3A_506, %add3A_507 : i32
        %add3A_509 = vector.broadcast %add3A_508 : i32 to vector<16xi32>
        %add3A_510 = arith.addi %iota3A, %add3A_509 : vector<16xi32>
        %and3A_511 = arith.constant 127 : i32
        %and3A_512 = vector.broadcast %and3A_511 : i32 to vector<16xi32>
        %and3A_513 = arith.andi %add3A_510, %and3A_512 : vector<16xi32>
        %gather3A_514 = tpu.vector_load_idx %arg13[%add3A_350, %and3A_513] : memref<80x128xf32, #tpu.memory_space<vmem>>[vector<16xi32>, vector<16xi32>], vector<16xf32>,
        %gather3A_515 = tpu.vector_load_idx %arg14[%add3A_350, %and3A_513] : memref<80x128xf32, #tpu.memory_space<vmem>>[vector<16xi32>, vector<16xi32>], vector<16xf32>,
        %mul3A_516 = arith.mulf %gather3A_514, %gather3A_515 : vector<16xf32>
        %add3A_517 = arith.addf %scan3A_439, %mul3A_516 : vector<16xf32>
        %mul3A_518 = arith.constant 8 : i32
        %mul3A_519 = arith.muli %scan3A_433, %mul3A_518 : i32
        %add3A_520 = arith.constant 6 : i32
        %add3A_521 = arith.addi %mul3A_519, %add3A_520 : i32
        %add3A_522 = vector.broadcast %add3A_521 : i32 to vector<16xi32>
        %add3A_523 = arith.addi %iota3A, %add3A_522 : vector<16xi32>
        %and3A_524 = arith.constant 127 : i32
        %and3A_525 = vector.broadcast %and3A_524 : i32 to vector<16xi32>
        %and3A_526 = arith.andi %add3A_523, %and3A_525 : vector<16xi32>
        %gather3A_527 = tpu.vector_load_idx %arg13[%add3A_350, %and3A_526] : memref<80x128xf32, #tpu.memory_space<vmem>>[vector<16xi32>, vector<16xi32>], vector<16xf32>,
        %gather3A_528 = tpu.vector_load_idx %arg14[%add3A_350, %and3A_526] : memref<80x128xf32, #tpu.memory_space<vmem>>[vector<16xi32>, vector<16xi32>], vector<16xf32>,
        %mul3A_529 = arith.mulf %gather3A_527, %gather3A_528 : vector<16xf32>
        %add3A_530 = arith.addf %scan3A_440, %mul3A_529 : vector<16xf32>
        %mul3A_531 = arith.constant 8 : i32
        %mul3A_532 = arith.muli %scan3A_433, %mul3A_531 : i32
        %add3A_533 = arith.constant 7 : i32
        %add3A_534 = arith.addi %mul3A_532, %add3A_533 : i32
        %add3A_535 = vector.broadcast %add3A_534 : i32 to vector<16xi32>
        %add3A_536 = arith.addi %iota3A, %add3A_535 : vector<16xi32>
        %and3A_537 = arith.constant 127 : i32
        %and3A_538 = vector.broadcast %and3A_537 : i32 to vector<16xi32>
        %and3A_539 = arith.andi %add3A_536, %and3A_538 : vector<16xi32>
        %gather3A_540 = tpu.vector_load_idx %arg13[%add3A_350, %and3A_539] : memref<80x128xf32, #tpu.memory_space<vmem>>[vector<16xi32>, vector<16xi32>], vector<16xf32>,
        %gather3A_541 = tpu.vector_load_idx %arg14[%add3A_350, %and3A_539] : memref<80x128xf32, #tpu.memory_space<vmem>>[vector<16xi32>, vector<16xi32>], vector<16xf32>,
        %mul3A_542 = arith.mulf %gather3A_540, %gather3A_541 : vector<16xf32>
        %add3A_543 = arith.addf %scan3A_441, %mul3A_542 : vector<16xf32>
        scf.yield %add3A_452, %add3A_465, %add3A_478, %add3A_491, %add3A_504, %add3A_517, %add3A_530, %add3A_543 : vector<16xf32>, vector<16xf32>, vector<16xf32>, vector<16xf32>, vector<16xf32>, vector<16xf32>, vector<16xf32>, vector<16xf32>
      }
      %scan3A_356 = arith.constant 16 : i32
      %add3A_357 = arith.addf %scan3A_355#0, %scan3A_355#1 : vector<16xf32>
      %add3A_358 = arith.addf %add3A_357, %scan3A_355#2 : vector<16xf32>
      %add3A_359 = arith.addf %add3A_358, %scan3A_355#3 : vector<16xf32>
      %add3A_360 = arith.addf %add3A_359, %scan3A_355#4 : vector<16xf32>
      %add3A_361 = arith.addf %add3A_360, %scan3A_355#5 : vector<16xf32>
      %add3A_362 = arith.addf %add3A_361, %scan3A_355#6 : vector<16xf32>
      %add3A_363 = arith.addf %add3A_362, %scan3A_355#7 : vector<16xf32>
      %add3A_364 = arith.constant 16 : i32
      %add3A_365 = arith.addi %mul3A_325, %add3A_364 : i32
      %swap3A_366 = arith.index_cast %add3A_365 : i32 to index
      %swap3A_367 = tpu.vector_load %arg15[%swap3A_366] {strides = array<i32>} : memref<2000xf32, #tpu.memory_space<vmem>>, vector<16xf32>,
      tpu.vector_store %arg15[%swap3A_366], %add3A_363 {strides = array<i32>} : memref<2000xf32, #tpu.memory_space<vmem>>, vector<16xf32>,
      %add3A_368 = arith.constant 32 : i32
      %add3A_369 = vector.broadcast %add3A_368 : i32 to vector<16xi32>
      %add3A_370 = arith.addi %iota3A, %add3A_369 : vector<16xi32>
      %scan3A_371 = arith.constant 0 : i32
      %scan3A_372 = arith.constant 16 : i32
      %scan3A_373 = arith.addi %scan3A_371, %scan3A_372 : i32
      %scan3A_374 = arith.constant 1 : i32
      %scan3A_375:8 = scf.for %scan3A_433 = %scan3A_371 to %scan3A_373 step %scan3A_374 iter_args(%scan3A_434 = %broadcast_in_dim3A_327, %scan3A_435 = %broadcast_in_dim3A_327, %scan3A_436 = %broadcast_in_dim3A_327, %scan3A_437 = %broadcast_in_dim3A_327, %scan3A_438 = %broadcast_in_dim3A_327, %scan3A_439 = %broadcast_in_dim3A_327, %scan3A_440 = %broadcast_in_dim3A_327, %scan3A_441 = %broadcast_in_dim3A_327) -> (vector<16xf32>, vector<16xf32>, vector<16xf32>, vector<16xf32>, vector<16xf32>, vector<16xf32>, vector<16xf32>, vector<16xf32>)  : i32 {
        %mul3A_442 = arith.constant 8 : i32
        %mul3A_443 = arith.muli %scan3A_433, %mul3A_442 : i32
        %add3A_444 = arith.constant 0 : i32
        %add3A_445 = arith.addi %mul3A_443, %add3A_444 : i32
        %add3A_446 = vector.broadcast %add3A_445 : i32 to vector<16xi32>
        %add3A_447 = arith.addi %iota3A, %add3A_446 : vector<16xi32>
        %and3A = arith.constant 127 : i32
        %and3A_448 = vector.broadcast %and3A : i32 to vector<16xi32>
        %and3A_449 = arith.andi %add3A_447, %and3A_448 : vector<16xi32>
        %gather3A = tpu.vector_load_idx %arg13[%add3A_370, %and3A_449] : memref<80x128xf32, #tpu.memory_space<vmem>>[vector<16xi32>, vector<16xi32>], vector<16xf32>,
        %gather3A_450 = tpu.vector_load_idx %arg14[%add3A_370, %and3A_449] : memref<80x128xf32, #tpu.memory_space<vmem>>[vector<16xi32>, vector<16xi32>], vector<16xf32>,
        %mul3A_451 = arith.mulf %gather3A, %gather3A_450 : vector<16xf32>
        %add3A_452 = arith.addf %scan3A_434, %mul3A_451 : vector<16xf32>
        %mul3A_453 = arith.constant 8 : i32
        %mul3A_454 = arith.muli %scan3A_433, %mul3A_453 : i32
        %add3A_455 = arith.constant 1 : i32
        %add3A_456 = arith.addi %mul3A_454, %add3A_455 : i32
        %add3A_457 = vector.broadcast %add3A_456 : i32 to vector<16xi32>
        %add3A_458 = arith.addi %iota3A, %add3A_457 : vector<16xi32>
        %and3A_459 = arith.constant 127 : i32
        %and3A_460 = vector.broadcast %and3A_459 : i32 to vector<16xi32>
        %and3A_461 = arith.andi %add3A_458, %and3A_460 : vector<16xi32>
        %gather3A_462 = tpu.vector_load_idx %arg13[%add3A_370, %and3A_461] : memref<80x128xf32, #tpu.memory_space<vmem>>[vector<16xi32>, vector<16xi32>], vector<16xf32>,
        %gather3A_463 = tpu.vector_load_idx %arg14[%add3A_370, %and3A_461] : memref<80x128xf32, #tpu.memory_space<vmem>>[vector<16xi32>, vector<16xi32>], vector<16xf32>,
        %mul3A_464 = arith.mulf %gather3A_462, %gather3A_463 : vector<16xf32>
        %add3A_465 = arith.addf %scan3A_435, %mul3A_464 : vector<16xf32>
        %mul3A_466 = arith.constant 8 : i32
        %mul3A_467 = arith.muli %scan3A_433, %mul3A_466 : i32
        %add3A_468 = arith.constant 2 : i32
        %add3A_469 = arith.addi %mul3A_467, %add3A_468 : i32
        %add3A_470 = vector.broadcast %add3A_469 : i32 to vector<16xi32>
        %add3A_471 = arith.addi %iota3A, %add3A_470 : vector<16xi32>
        %and3A_472 = arith.constant 127 : i32
        %and3A_473 = vector.broadcast %and3A_472 : i32 to vector<16xi32>
        %and3A_474 = arith.andi %add3A_471, %and3A_473 : vector<16xi32>
        %gather3A_475 = tpu.vector_load_idx %arg13[%add3A_370, %and3A_474] : memref<80x128xf32, #tpu.memory_space<vmem>>[vector<16xi32>, vector<16xi32>], vector<16xf32>,
        %gather3A_476 = tpu.vector_load_idx %arg14[%add3A_370, %and3A_474] : memref<80x128xf32, #tpu.memory_space<vmem>>[vector<16xi32>, vector<16xi32>], vector<16xf32>,
        %mul3A_477 = arith.mulf %gather3A_475, %gather3A_476 : vector<16xf32>
        %add3A_478 = arith.addf %scan3A_436, %mul3A_477 : vector<16xf32>
        %mul3A_479 = arith.constant 8 : i32
        %mul3A_480 = arith.muli %scan3A_433, %mul3A_479 : i32
        %add3A_481 = arith.constant 3 : i32
        %add3A_482 = arith.addi %mul3A_480, %add3A_481 : i32
        %add3A_483 = vector.broadcast %add3A_482 : i32 to vector<16xi32>
        %add3A_484 = arith.addi %iota3A, %add3A_483 : vector<16xi32>
        %and3A_485 = arith.constant 127 : i32
        %and3A_486 = vector.broadcast %and3A_485 : i32 to vector<16xi32>
        %and3A_487 = arith.andi %add3A_484, %and3A_486 : vector<16xi32>
        %gather3A_488 = tpu.vector_load_idx %arg13[%add3A_370, %and3A_487] : memref<80x128xf32, #tpu.memory_space<vmem>>[vector<16xi32>, vector<16xi32>], vector<16xf32>,
        %gather3A_489 = tpu.vector_load_idx %arg14[%add3A_370, %and3A_487] : memref<80x128xf32, #tpu.memory_space<vmem>>[vector<16xi32>, vector<16xi32>], vector<16xf32>,
        %mul3A_490 = arith.mulf %gather3A_488, %gather3A_489 : vector<16xf32>
        %add3A_491 = arith.addf %scan3A_437, %mul3A_490 : vector<16xf32>
        %mul3A_492 = arith.constant 8 : i32
        %mul3A_493 = arith.muli %scan3A_433, %mul3A_492 : i32
        %add3A_494 = arith.constant 4 : i32
        %add3A_495 = arith.addi %mul3A_493, %add3A_494 : i32
        %add3A_496 = vector.broadcast %add3A_495 : i32 to vector<16xi32>
        %add3A_497 = arith.addi %iota3A, %add3A_496 : vector<16xi32>
        %and3A_498 = arith.constant 127 : i32
        %and3A_499 = vector.broadcast %and3A_498 : i32 to vector<16xi32>
        %and3A_500 = arith.andi %add3A_497, %and3A_499 : vector<16xi32>
        %gather3A_501 = tpu.vector_load_idx %arg13[%add3A_370, %and3A_500] : memref<80x128xf32, #tpu.memory_space<vmem>>[vector<16xi32>, vector<16xi32>], vector<16xf32>,
        %gather3A_502 = tpu.vector_load_idx %arg14[%add3A_370, %and3A_500] : memref<80x128xf32, #tpu.memory_space<vmem>>[vector<16xi32>, vector<16xi32>], vector<16xf32>,
        %mul3A_503 = arith.mulf %gather3A_501, %gather3A_502 : vector<16xf32>
        %add3A_504 = arith.addf %scan3A_438, %mul3A_503 : vector<16xf32>
        %mul3A_505 = arith.constant 8 : i32
        %mul3A_506 = arith.muli %scan3A_433, %mul3A_505 : i32
        %add3A_507 = arith.constant 5 : i32
        %add3A_508 = arith.addi %mul3A_506, %add3A_507 : i32
        %add3A_509 = vector.broadcast %add3A_508 : i32 to vector<16xi32>
        %add3A_510 = arith.addi %iota3A, %add3A_509 : vector<16xi32>
        %and3A_511 = arith.constant 127 : i32
        %and3A_512 = vector.broadcast %and3A_511 : i32 to vector<16xi32>
        %and3A_513 = arith.andi %add3A_510, %and3A_512 : vector<16xi32>
        %gather3A_514 = tpu.vector_load_idx %arg13[%add3A_370, %and3A_513] : memref<80x128xf32, #tpu.memory_space<vmem>>[vector<16xi32>, vector<16xi32>], vector<16xf32>,
        %gather3A_515 = tpu.vector_load_idx %arg14[%add3A_370, %and3A_513] : memref<80x128xf32, #tpu.memory_space<vmem>>[vector<16xi32>, vector<16xi32>], vector<16xf32>,
        %mul3A_516 = arith.mulf %gather3A_514, %gather3A_515 : vector<16xf32>
        %add3A_517 = arith.addf %scan3A_439, %mul3A_516 : vector<16xf32>
        %mul3A_518 = arith.constant 8 : i32
        %mul3A_519 = arith.muli %scan3A_433, %mul3A_518 : i32
        %add3A_520 = arith.constant 6 : i32
        %add3A_521 = arith.addi %mul3A_519, %add3A_520 : i32
        %add3A_522 = vector.broadcast %add3A_521 : i32 to vector<16xi32>
        %add3A_523 = arith.addi %iota3A, %add3A_522 : vector<16xi32>
        %and3A_524 = arith.constant 127 : i32
        %and3A_525 = vector.broadcast %and3A_524 : i32 to vector<16xi32>
        %and3A_526 = arith.andi %add3A_523, %and3A_525 : vector<16xi32>
        %gather3A_527 = tpu.vector_load_idx %arg13[%add3A_370, %and3A_526] : memref<80x128xf32, #tpu.memory_space<vmem>>[vector<16xi32>, vector<16xi32>], vector<16xf32>,
        %gather3A_528 = tpu.vector_load_idx %arg14[%add3A_370, %and3A_526] : memref<80x128xf32, #tpu.memory_space<vmem>>[vector<16xi32>, vector<16xi32>], vector<16xf32>,
        %mul3A_529 = arith.mulf %gather3A_527, %gather3A_528 : vector<16xf32>
        %add3A_530 = arith.addf %scan3A_440, %mul3A_529 : vector<16xf32>
        %mul3A_531 = arith.constant 8 : i32
        %mul3A_532 = arith.muli %scan3A_433, %mul3A_531 : i32
        %add3A_533 = arith.constant 7 : i32
        %add3A_534 = arith.addi %mul3A_532, %add3A_533 : i32
        %add3A_535 = vector.broadcast %add3A_534 : i32 to vector<16xi32>
        %add3A_536 = arith.addi %iota3A, %add3A_535 : vector<16xi32>
        %and3A_537 = arith.constant 127 : i32
        %and3A_538 = vector.broadcast %and3A_537 : i32 to vector<16xi32>
        %and3A_539 = arith.andi %add3A_536, %and3A_538 : vector<16xi32>
        %gather3A_540 = tpu.vector_load_idx %arg13[%add3A_370, %and3A_539] : memref<80x128xf32, #tpu.memory_space<vmem>>[vector<16xi32>, vector<16xi32>], vector<16xf32>,
        %gather3A_541 = tpu.vector_load_idx %arg14[%add3A_370, %and3A_539] : memref<80x128xf32, #tpu.memory_space<vmem>>[vector<16xi32>, vector<16xi32>], vector<16xf32>,
        %mul3A_542 = arith.mulf %gather3A_540, %gather3A_541 : vector<16xf32>
        %add3A_543 = arith.addf %scan3A_441, %mul3A_542 : vector<16xf32>
        scf.yield %add3A_452, %add3A_465, %add3A_478, %add3A_491, %add3A_504, %add3A_517, %add3A_530, %add3A_543 : vector<16xf32>, vector<16xf32>, vector<16xf32>, vector<16xf32>, vector<16xf32>, vector<16xf32>, vector<16xf32>, vector<16xf32>
      }
      %scan3A_376 = arith.constant 16 : i32
      %add3A_377 = arith.addf %scan3A_375#0, %scan3A_375#1 : vector<16xf32>
      %add3A_378 = arith.addf %add3A_377, %scan3A_375#2 : vector<16xf32>
      %add3A_379 = arith.addf %add3A_378, %scan3A_375#3 : vector<16xf32>
      %add3A_380 = arith.addf %add3A_379, %scan3A_375#4 : vector<16xf32>
      %add3A_381 = arith.addf %add3A_380, %scan3A_375#5 : vector<16xf32>
      %add3A_382 = arith.addf %add3A_381, %scan3A_375#6 : vector<16xf32>
      %add3A_383 = arith.addf %add3A_382, %scan3A_375#7 : vector<16xf32>
      %add3A_384 = arith.constant 32 : i32
      %add3A_385 = arith.addi %mul3A_325, %add3A_384 : i32
      %swap3A_386 = arith.index_cast %add3A_385 : i32 to index
      %swap3A_387 = tpu.vector_load %arg15[%swap3A_386] {strides = array<i32>} : memref<2000xf32, #tpu.memory_space<vmem>>, vector<16xf32>,
      tpu.vector_store %arg15[%swap3A_386], %add3A_383 {strides = array<i32>} : memref<2000xf32, #tpu.memory_space<vmem>>, vector<16xf32>,
      %add3A_388 = arith.constant 48 : i32
      %add3A_389 = vector.broadcast %add3A_388 : i32 to vector<16xi32>
      %add3A_390 = arith.addi %iota3A, %add3A_389 : vector<16xi32>
      %scan3A_391 = arith.constant 0 : i32
      %scan3A_392 = arith.constant 16 : i32
      %scan3A_393 = arith.addi %scan3A_391, %scan3A_392 : i32
      %scan3A_394 = arith.constant 1 : i32
      %scan3A_395:8 = scf.for %scan3A_433 = %scan3A_391 to %scan3A_393 step %scan3A_394 iter_args(%scan3A_434 = %broadcast_in_dim3A_327, %scan3A_435 = %broadcast_in_dim3A_327, %scan3A_436 = %broadcast_in_dim3A_327, %scan3A_437 = %broadcast_in_dim3A_327, %scan3A_438 = %broadcast_in_dim3A_327, %scan3A_439 = %broadcast_in_dim3A_327, %scan3A_440 = %broadcast_in_dim3A_327, %scan3A_441 = %broadcast_in_dim3A_327) -> (vector<16xf32>, vector<16xf32>, vector<16xf32>, vector<16xf32>, vector<16xf32>, vector<16xf32>, vector<16xf32>, vector<16xf32>)  : i32 {
        %mul3A_442 = arith.constant 8 : i32
        %mul3A_443 = arith.muli %scan3A_433, %mul3A_442 : i32
        %add3A_444 = arith.constant 0 : i32
        %add3A_445 = arith.addi %mul3A_443, %add3A_444 : i32
        %add3A_446 = vector.broadcast %add3A_445 : i32 to vector<16xi32>
        %add3A_447 = arith.addi %iota3A, %add3A_446 : vector<16xi32>
        %and3A = arith.constant 127 : i32
        %and3A_448 = vector.broadcast %and3A : i32 to vector<16xi32>
        %and3A_449 = arith.andi %add3A_447, %and3A_448 : vector<16xi32>
        %gather3A = tpu.vector_load_idx %arg13[%add3A_390, %and3A_449] : memref<80x128xf32, #tpu.memory_space<vmem>>[vector<16xi32>, vector<16xi32>], vector<16xf32>,
        %gather3A_450 = tpu.vector_load_idx %arg14[%add3A_390, %and3A_449] : memref<80x128xf32, #tpu.memory_space<vmem>>[vector<16xi32>, vector<16xi32>], vector<16xf32>,
        %mul3A_451 = arith.mulf %gather3A, %gather3A_450 : vector<16xf32>
        %add3A_452 = arith.addf %scan3A_434, %mul3A_451 : vector<16xf32>
        %mul3A_453 = arith.constant 8 : i32
        %mul3A_454 = arith.muli %scan3A_433, %mul3A_453 : i32
        %add3A_455 = arith.constant 1 : i32
        %add3A_456 = arith.addi %mul3A_454, %add3A_455 : i32
        %add3A_457 = vector.broadcast %add3A_456 : i32 to vector<16xi32>
        %add3A_458 = arith.addi %iota3A, %add3A_457 : vector<16xi32>
        %and3A_459 = arith.constant 127 : i32
        %and3A_460 = vector.broadcast %and3A_459 : i32 to vector<16xi32>
        %and3A_461 = arith.andi %add3A_458, %and3A_460 : vector<16xi32>
        %gather3A_462 = tpu.vector_load_idx %arg13[%add3A_390, %and3A_461] : memref<80x128xf32, #tpu.memory_space<vmem>>[vector<16xi32>, vector<16xi32>], vector<16xf32>,
        %gather3A_463 = tpu.vector_load_idx %arg14[%add3A_390, %and3A_461] : memref<80x128xf32, #tpu.memory_space<vmem>>[vector<16xi32>, vector<16xi32>], vector<16xf32>,
        %mul3A_464 = arith.mulf %gather3A_462, %gather3A_463 : vector<16xf32>
        %add3A_465 = arith.addf %scan3A_435, %mul3A_464 : vector<16xf32>
        %mul3A_466 = arith.constant 8 : i32
        %mul3A_467 = arith.muli %scan3A_433, %mul3A_466 : i32
        %add3A_468 = arith.constant 2 : i32
        %add3A_469 = arith.addi %mul3A_467, %add3A_468 : i32
        %add3A_470 = vector.broadcast %add3A_469 : i32 to vector<16xi32>
        %add3A_471 = arith.addi %iota3A, %add3A_470 : vector<16xi32>
        %and3A_472 = arith.constant 127 : i32
        %and3A_473 = vector.broadcast %and3A_472 : i32 to vector<16xi32>
        %and3A_474 = arith.andi %add3A_471, %and3A_473 : vector<16xi32>
        %gather3A_475 = tpu.vector_load_idx %arg13[%add3A_390, %and3A_474] : memref<80x128xf32, #tpu.memory_space<vmem>>[vector<16xi32>, vector<16xi32>], vector<16xf32>,
        %gather3A_476 = tpu.vector_load_idx %arg14[%add3A_390, %and3A_474] : memref<80x128xf32, #tpu.memory_space<vmem>>[vector<16xi32>, vector<16xi32>], vector<16xf32>,
        %mul3A_477 = arith.mulf %gather3A_475, %gather3A_476 : vector<16xf32>
        %add3A_478 = arith.addf %scan3A_436, %mul3A_477 : vector<16xf32>
        %mul3A_479 = arith.constant 8 : i32
        %mul3A_480 = arith.muli %scan3A_433, %mul3A_479 : i32
        %add3A_481 = arith.constant 3 : i32
        %add3A_482 = arith.addi %mul3A_480, %add3A_481 : i32
        %add3A_483 = vector.broadcast %add3A_482 : i32 to vector<16xi32>
        %add3A_484 = arith.addi %iota3A, %add3A_483 : vector<16xi32>
        %and3A_485 = arith.constant 127 : i32
        %and3A_486 = vector.broadcast %and3A_485 : i32 to vector<16xi32>
        %and3A_487 = arith.andi %add3A_484, %and3A_486 : vector<16xi32>
        %gather3A_488 = tpu.vector_load_idx %arg13[%add3A_390, %and3A_487] : memref<80x128xf32, #tpu.memory_space<vmem>>[vector<16xi32>, vector<16xi32>], vector<16xf32>,
        %gather3A_489 = tpu.vector_load_idx %arg14[%add3A_390, %and3A_487] : memref<80x128xf32, #tpu.memory_space<vmem>>[vector<16xi32>, vector<16xi32>], vector<16xf32>,
        %mul3A_490 = arith.mulf %gather3A_488, %gather3A_489 : vector<16xf32>
        %add3A_491 = arith.addf %scan3A_437, %mul3A_490 : vector<16xf32>
        %mul3A_492 = arith.constant 8 : i32
        %mul3A_493 = arith.muli %scan3A_433, %mul3A_492 : i32
        %add3A_494 = arith.constant 4 : i32
        %add3A_495 = arith.addi %mul3A_493, %add3A_494 : i32
        %add3A_496 = vector.broadcast %add3A_495 : i32 to vector<16xi32>
        %add3A_497 = arith.addi %iota3A, %add3A_496 : vector<16xi32>
        %and3A_498 = arith.constant 127 : i32
        %and3A_499 = vector.broadcast %and3A_498 : i32 to vector<16xi32>
        %and3A_500 = arith.andi %add3A_497, %and3A_499 : vector<16xi32>
        %gather3A_501 = tpu.vector_load_idx %arg13[%add3A_390, %and3A_500] : memref<80x128xf32, #tpu.memory_space<vmem>>[vector<16xi32>, vector<16xi32>], vector<16xf32>,
        %gather3A_502 = tpu.vector_load_idx %arg14[%add3A_390, %and3A_500] : memref<80x128xf32, #tpu.memory_space<vmem>>[vector<16xi32>, vector<16xi32>], vector<16xf32>,
        %mul3A_503 = arith.mulf %gather3A_501, %gather3A_502 : vector<16xf32>
        %add3A_504 = arith.addf %scan3A_438, %mul3A_503 : vector<16xf32>
        %mul3A_505 = arith.constant 8 : i32
        %mul3A_506 = arith.muli %scan3A_433, %mul3A_505 : i32
        %add3A_507 = arith.constant 5 : i32
        %add3A_508 = arith.addi %mul3A_506, %add3A_507 : i32
        %add3A_509 = vector.broadcast %add3A_508 : i32 to vector<16xi32>
        %add3A_510 = arith.addi %iota3A, %add3A_509 : vector<16xi32>
        %and3A_511 = arith.constant 127 : i32
        %and3A_512 = vector.broadcast %and3A_511 : i32 to vector<16xi32>
        %and3A_513 = arith.andi %add3A_510, %and3A_512 : vector<16xi32>
        %gather3A_514 = tpu.vector_load_idx %arg13[%add3A_390, %and3A_513] : memref<80x128xf32, #tpu.memory_space<vmem>>[vector<16xi32>, vector<16xi32>], vector<16xf32>,
        %gather3A_515 = tpu.vector_load_idx %arg14[%add3A_390, %and3A_513] : memref<80x128xf32, #tpu.memory_space<vmem>>[vector<16xi32>, vector<16xi32>], vector<16xf32>,
        %mul3A_516 = arith.mulf %gather3A_514, %gather3A_515 : vector<16xf32>
        %add3A_517 = arith.addf %scan3A_439, %mul3A_516 : vector<16xf32>
        %mul3A_518 = arith.constant 8 : i32
        %mul3A_519 = arith.muli %scan3A_433, %mul3A_518 : i32
        %add3A_520 = arith.constant 6 : i32
        %add3A_521 = arith.addi %mul3A_519, %add3A_520 : i32
        %add3A_522 = vector.broadcast %add3A_521 : i32 to vector<16xi32>
        %add3A_523 = arith.addi %iota3A, %add3A_522 : vector<16xi32>
        %and3A_524 = arith.constant 127 : i32
        %and3A_525 = vector.broadcast %and3A_524 : i32 to vector<16xi32>
        %and3A_526 = arith.andi %add3A_523, %and3A_525 : vector<16xi32>
        %gather3A_527 = tpu.vector_load_idx %arg13[%add3A_390, %and3A_526] : memref<80x128xf32, #tpu.memory_space<vmem>>[vector<16xi32>, vector<16xi32>], vector<16xf32>,
        %gather3A_528 = tpu.vector_load_idx %arg14[%add3A_390, %and3A_526] : memref<80x128xf32, #tpu.memory_space<vmem>>[vector<16xi32>, vector<16xi32>], vector<16xf32>,
        %mul3A_529 = arith.mulf %gather3A_527, %gather3A_528 : vector<16xf32>
        %add3A_530 = arith.addf %scan3A_440, %mul3A_529 : vector<16xf32>
        %mul3A_531 = arith.constant 8 : i32
        %mul3A_532 = arith.muli %scan3A_433, %mul3A_531 : i32
        %add3A_533 = arith.constant 7 : i32
        %add3A_534 = arith.addi %mul3A_532, %add3A_533 : i32
        %add3A_535 = vector.broadcast %add3A_534 : i32 to vector<16xi32>
        %add3A_536 = arith.addi %iota3A, %add3A_535 : vector<16xi32>
        %and3A_537 = arith.constant 127 : i32
        %and3A_538 = vector.broadcast %and3A_537 : i32 to vector<16xi32>
        %and3A_539 = arith.andi %add3A_536, %and3A_538 : vector<16xi32>
        %gather3A_540 = tpu.vector_load_idx %arg13[%add3A_390, %and3A_539] : memref<80x128xf32, #tpu.memory_space<vmem>>[vector<16xi32>, vector<16xi32>], vector<16xf32>,
        %gather3A_541 = tpu.vector_load_idx %arg14[%add3A_390, %and3A_539] : memref<80x128xf32, #tpu.memory_space<vmem>>[vector<16xi32>, vector<16xi32>], vector<16xf32>,
        %mul3A_542 = arith.mulf %gather3A_540, %gather3A_541 : vector<16xf32>
        %add3A_543 = arith.addf %scan3A_441, %mul3A_542 : vector<16xf32>
        scf.yield %add3A_452, %add3A_465, %add3A_478, %add3A_491, %add3A_504, %add3A_517, %add3A_530, %add3A_543 : vector<16xf32>, vector<16xf32>, vector<16xf32>, vector<16xf32>, vector<16xf32>, vector<16xf32>, vector<16xf32>, vector<16xf32>
      }
      %scan3A_396 = arith.constant 16 : i32
      %add3A_397 = arith.addf %scan3A_395#0, %scan3A_395#1 : vector<16xf32>
      %add3A_398 = arith.addf %add3A_397, %scan3A_395#2 : vector<16xf32>
      %add3A_399 = arith.addf %add3A_398, %scan3A_395#3 : vector<16xf32>
      %add3A_400 = arith.addf %add3A_399, %scan3A_395#4 : vector<16xf32>
      %add3A_401 = arith.addf %add3A_400, %scan3A_395#5 : vector<16xf32>
      %add3A_402 = arith.addf %add3A_401, %scan3A_395#6 : vector<16xf32>
      %add3A_403 = arith.addf %add3A_402, %scan3A_395#7 : vector<16xf32>
      %add3A_404 = arith.constant 48 : i32
      %add3A_405 = arith.addi %mul3A_325, %add3A_404 : i32
      %swap3A_406 = arith.index_cast %add3A_405 : i32 to index
      %swap3A_407 = tpu.vector_load %arg15[%swap3A_406] {strides = array<i32>} : memref<2000xf32, #tpu.memory_space<vmem>>, vector<16xf32>,
      tpu.vector_store %arg15[%swap3A_406], %add3A_403 {strides = array<i32>} : memref<2000xf32, #tpu.memory_space<vmem>>, vector<16xf32>,
      %add3A_408 = arith.constant 64 : i32
      %add3A_409 = vector.broadcast %add3A_408 : i32 to vector<16xi32>
      %add3A_410 = arith.addi %iota3A, %add3A_409 : vector<16xi32>
      %scan3A_411 = arith.constant 0 : i32
      %scan3A_412 = arith.constant 16 : i32
      %scan3A_413 = arith.addi %scan3A_411, %scan3A_412 : i32
      %scan3A_414 = arith.constant 1 : i32
      %scan3A_415:8 = scf.for %scan3A_433 = %scan3A_411 to %scan3A_413 step %scan3A_414 iter_args(%scan3A_434 = %broadcast_in_dim3A_327, %scan3A_435 = %broadcast_in_dim3A_327, %scan3A_436 = %broadcast_in_dim3A_327, %scan3A_437 = %broadcast_in_dim3A_327, %scan3A_438 = %broadcast_in_dim3A_327, %scan3A_439 = %broadcast_in_dim3A_327, %scan3A_440 = %broadcast_in_dim3A_327, %scan3A_441 = %broadcast_in_dim3A_327) -> (vector<16xf32>, vector<16xf32>, vector<16xf32>, vector<16xf32>, vector<16xf32>, vector<16xf32>, vector<16xf32>, vector<16xf32>)  : i32 {
        %mul3A_442 = arith.constant 8 : i32
        %mul3A_443 = arith.muli %scan3A_433, %mul3A_442 : i32
        %add3A_444 = arith.constant 0 : i32
        %add3A_445 = arith.addi %mul3A_443, %add3A_444 : i32
        %add3A_446 = vector.broadcast %add3A_445 : i32 to vector<16xi32>
        %add3A_447 = arith.addi %iota3A, %add3A_446 : vector<16xi32>
        %and3A = arith.constant 127 : i32
        %and3A_448 = vector.broadcast %and3A : i32 to vector<16xi32>
        %and3A_449 = arith.andi %add3A_447, %and3A_448 : vector<16xi32>
        %gather3A = tpu.vector_load_idx %arg13[%add3A_410, %and3A_449] : memref<80x128xf32, #tpu.memory_space<vmem>>[vector<16xi32>, vector<16xi32>], vector<16xf32>,
        %gather3A_450 = tpu.vector_load_idx %arg14[%add3A_410, %and3A_449] : memref<80x128xf32, #tpu.memory_space<vmem>>[vector<16xi32>, vector<16xi32>], vector<16xf32>,
        %mul3A_451 = arith.mulf %gather3A, %gather3A_450 : vector<16xf32>
        %add3A_452 = arith.addf %scan3A_434, %mul3A_451 : vector<16xf32>
        %mul3A_453 = arith.constant 8 : i32
        %mul3A_454 = arith.muli %scan3A_433, %mul3A_453 : i32
        %add3A_455 = arith.constant 1 : i32
        %add3A_456 = arith.addi %mul3A_454, %add3A_455 : i32
        %add3A_457 = vector.broadcast %add3A_456 : i32 to vector<16xi32>
        %add3A_458 = arith.addi %iota3A, %add3A_457 : vector<16xi32>
        %and3A_459 = arith.constant 127 : i32
        %and3A_460 = vector.broadcast %and3A_459 : i32 to vector<16xi32>
        %and3A_461 = arith.andi %add3A_458, %and3A_460 : vector<16xi32>
        %gather3A_462 = tpu.vector_load_idx %arg13[%add3A_410, %and3A_461] : memref<80x128xf32, #tpu.memory_space<vmem>>[vector<16xi32>, vector<16xi32>], vector<16xf32>,
        %gather3A_463 = tpu.vector_load_idx %arg14[%add3A_410, %and3A_461] : memref<80x128xf32, #tpu.memory_space<vmem>>[vector<16xi32>, vector<16xi32>], vector<16xf32>,
        %mul3A_464 = arith.mulf %gather3A_462, %gather3A_463 : vector<16xf32>
        %add3A_465 = arith.addf %scan3A_435, %mul3A_464 : vector<16xf32>
        %mul3A_466 = arith.constant 8 : i32
        %mul3A_467 = arith.muli %scan3A_433, %mul3A_466 : i32
        %add3A_468 = arith.constant 2 : i32
        %add3A_469 = arith.addi %mul3A_467, %add3A_468 : i32
        %add3A_470 = vector.broadcast %add3A_469 : i32 to vector<16xi32>
        %add3A_471 = arith.addi %iota3A, %add3A_470 : vector<16xi32>
        %and3A_472 = arith.constant 127 : i32
        %and3A_473 = vector.broadcast %and3A_472 : i32 to vector<16xi32>
        %and3A_474 = arith.andi %add3A_471, %and3A_473 : vector<16xi32>
        %gather3A_475 = tpu.vector_load_idx %arg13[%add3A_410, %and3A_474] : memref<80x128xf32, #tpu.memory_space<vmem>>[vector<16xi32>, vector<16xi32>], vector<16xf32>,
        %gather3A_476 = tpu.vector_load_idx %arg14[%add3A_410, %and3A_474] : memref<80x128xf32, #tpu.memory_space<vmem>>[vector<16xi32>, vector<16xi32>], vector<16xf32>,
        %mul3A_477 = arith.mulf %gather3A_475, %gather3A_476 : vector<16xf32>
        %add3A_478 = arith.addf %scan3A_436, %mul3A_477 : vector<16xf32>
        %mul3A_479 = arith.constant 8 : i32
        %mul3A_480 = arith.muli %scan3A_433, %mul3A_479 : i32
        %add3A_481 = arith.constant 3 : i32
        %add3A_482 = arith.addi %mul3A_480, %add3A_481 : i32
        %add3A_483 = vector.broadcast %add3A_482 : i32 to vector<16xi32>
        %add3A_484 = arith.addi %iota3A, %add3A_483 : vector<16xi32>
        %and3A_485 = arith.constant 127 : i32
        %and3A_486 = vector.broadcast %and3A_485 : i32 to vector<16xi32>
        %and3A_487 = arith.andi %add3A_484, %and3A_486 : vector<16xi32>
        %gather3A_488 = tpu.vector_load_idx %arg13[%add3A_410, %and3A_487] : memref<80x128xf32, #tpu.memory_space<vmem>>[vector<16xi32>, vector<16xi32>], vector<16xf32>,
        %gather3A_489 = tpu.vector_load_idx %arg14[%add3A_410, %and3A_487] : memref<80x128xf32, #tpu.memory_space<vmem>>[vector<16xi32>, vector<16xi32>], vector<16xf32>,
        %mul3A_490 = arith.mulf %gather3A_488, %gather3A_489 : vector<16xf32>
        %add3A_491 = arith.addf %scan3A_437, %mul3A_490 : vector<16xf32>
        %mul3A_492 = arith.constant 8 : i32
        %mul3A_493 = arith.muli %scan3A_433, %mul3A_492 : i32
        %add3A_494 = arith.constant 4 : i32
        %add3A_495 = arith.addi %mul3A_493, %add3A_494 : i32
        %add3A_496 = vector.broadcast %add3A_495 : i32 to vector<16xi32>
        %add3A_497 = arith.addi %iota3A, %add3A_496 : vector<16xi32>
        %and3A_498 = arith.constant 127 : i32
        %and3A_499 = vector.broadcast %and3A_498 : i32 to vector<16xi32>
        %and3A_500 = arith.andi %add3A_497, %and3A_499 : vector<16xi32>
        %gather3A_501 = tpu.vector_load_idx %arg13[%add3A_410, %and3A_500] : memref<80x128xf32, #tpu.memory_space<vmem>>[vector<16xi32>, vector<16xi32>], vector<16xf32>,
        %gather3A_502 = tpu.vector_load_idx %arg14[%add3A_410, %and3A_500] : memref<80x128xf32, #tpu.memory_space<vmem>>[vector<16xi32>, vector<16xi32>], vector<16xf32>,
        %mul3A_503 = arith.mulf %gather3A_501, %gather3A_502 : vector<16xf32>
        %add3A_504 = arith.addf %scan3A_438, %mul3A_503 : vector<16xf32>
        %mul3A_505 = arith.constant 8 : i32
        %mul3A_506 = arith.muli %scan3A_433, %mul3A_505 : i32
        %add3A_507 = arith.constant 5 : i32
        %add3A_508 = arith.addi %mul3A_506, %add3A_507 : i32
        %add3A_509 = vector.broadcast %add3A_508 : i32 to vector<16xi32>
        %add3A_510 = arith.addi %iota3A, %add3A_509 : vector<16xi32>
        %and3A_511 = arith.constant 127 : i32
        %and3A_512 = vector.broadcast %and3A_511 : i32 to vector<16xi32>
        %and3A_513 = arith.andi %add3A_510, %and3A_512 : vector<16xi32>
        %gather3A_514 = tpu.vector_load_idx %arg13[%add3A_410, %and3A_513] : memref<80x128xf32, #tpu.memory_space<vmem>>[vector<16xi32>, vector<16xi32>], vector<16xf32>,
        %gather3A_515 = tpu.vector_load_idx %arg14[%add3A_410, %and3A_513] : memref<80x128xf32, #tpu.memory_space<vmem>>[vector<16xi32>, vector<16xi32>], vector<16xf32>,
        %mul3A_516 = arith.mulf %gather3A_514, %gather3A_515 : vector<16xf32>
        %add3A_517 = arith.addf %scan3A_439, %mul3A_516 : vector<16xf32>
        %mul3A_518 = arith.constant 8 : i32
        %mul3A_519 = arith.muli %scan3A_433, %mul3A_518 : i32
        %add3A_520 = arith.constant 6 : i32
        %add3A_521 = arith.addi %mul3A_519, %add3A_520 : i32
        %add3A_522 = vector.broadcast %add3A_521 : i32 to vector<16xi32>
        %add3A_523 = arith.addi %iota3A, %add3A_522 : vector<16xi32>
        %and3A_524 = arith.constant 127 : i32
        %and3A_525 = vector.broadcast %and3A_524 : i32 to vector<16xi32>
        %and3A_526 = arith.andi %add3A_523, %and3A_525 : vector<16xi32>
        %gather3A_527 = tpu.vector_load_idx %arg13[%add3A_410, %and3A_526] : memref<80x128xf32, #tpu.memory_space<vmem>>[vector<16xi32>, vector<16xi32>], vector<16xf32>,
        %gather3A_528 = tpu.vector_load_idx %arg14[%add3A_410, %and3A_526] : memref<80x128xf32, #tpu.memory_space<vmem>>[vector<16xi32>, vector<16xi32>], vector<16xf32>,
        %mul3A_529 = arith.mulf %gather3A_527, %gather3A_528 : vector<16xf32>
        %add3A_530 = arith.addf %scan3A_440, %mul3A_529 : vector<16xf32>
        %mul3A_531 = arith.constant 8 : i32
        %mul3A_532 = arith.muli %scan3A_433, %mul3A_531 : i32
        %add3A_533 = arith.constant 7 : i32
        %add3A_534 = arith.addi %mul3A_532, %add3A_533 : i32
        %add3A_535 = vector.broadcast %add3A_534 : i32 to vector<16xi32>
        %add3A_536 = arith.addi %iota3A, %add3A_535 : vector<16xi32>
        %and3A_537 = arith.constant 127 : i32
        %and3A_538 = vector.broadcast %and3A_537 : i32 to vector<16xi32>
        %and3A_539 = arith.andi %add3A_536, %and3A_538 : vector<16xi32>
        %gather3A_540 = tpu.vector_load_idx %arg13[%add3A_410, %and3A_539] : memref<80x128xf32, #tpu.memory_space<vmem>>[vector<16xi32>, vector<16xi32>], vector<16xf32>,
        %gather3A_541 = tpu.vector_load_idx %arg14[%add3A_410, %and3A_539] : memref<80x128xf32, #tpu.memory_space<vmem>>[vector<16xi32>, vector<16xi32>], vector<16xf32>,
        %mul3A_542 = arith.mulf %gather3A_540, %gather3A_541 : vector<16xf32>
        %add3A_543 = arith.addf %scan3A_441, %mul3A_542 : vector<16xf32>
        scf.yield %add3A_452, %add3A_465, %add3A_478, %add3A_491, %add3A_504, %add3A_517, %add3A_530, %add3A_543 : vector<16xf32>, vector<16xf32>, vector<16xf32>, vector<16xf32>, vector<16xf32>, vector<16xf32>, vector<16xf32>, vector<16xf32>
      }
      %scan3A_416 = arith.constant 16 : i32
      %add3A_417 = arith.addf %scan3A_415#0, %scan3A_415#1 : vector<16xf32>
      %add3A_418 = arith.addf %add3A_417, %scan3A_415#2 : vector<16xf32>
      %add3A_419 = arith.addf %add3A_418, %scan3A_415#3 : vector<16xf32>
      %add3A_420 = arith.addf %add3A_419, %scan3A_415#4 : vector<16xf32>
      %add3A_421 = arith.addf %add3A_420, %scan3A_415#5 : vector<16xf32>
      %add3A_422 = arith.addf %add3A_421, %scan3A_415#6 : vector<16xf32>
      %add3A_423 = arith.addf %add3A_422, %scan3A_415#7 : vector<16xf32>
      %add3A_424 = arith.constant 64 : i32
      %add3A_425 = arith.addi %mul3A_325, %add3A_424 : i32
      %swap3A_426 = arith.index_cast %add3A_425 : i32 to index
      %swap3A_427 = tpu.vector_load %arg15[%swap3A_426] {strides = array<i32>} : memref<2000xf32, #tpu.memory_space<vmem>>, vector<16xf32>,
      tpu.vector_store %arg15[%swap3A_426], %add3A_423 {strides = array<i32>} : memref<2000xf32, #tpu.memory_space<vmem>>, vector<16xf32>,
      %eq3A_428 = arith.constant 24 : i32
      %eq3A_429 = arith.cmpi eq, %rem3A_323, %eq3A_428 : i32
      %convert_element_type3A_430 = arith.extui %eq3A_429 : i1 to i32
      %cond3A_431 = arith.constant 0 : i32
      %cond3A_432 = arith.cmpi ne, %convert_element_type3A_430, %cond3A_431 : i32
      scf.if %cond3A_432 {
        %sub3A = arith.constant 24 : i32
        %sub3A_433 = arith.subi %add3A_294, %sub3A : i32
        %mul3A_434 = arith.constant 80 : i32
        %mul3A_435 = arith.muli %sub3A_433, %mul3A_434 : i32
        %add3A_436 = arith.addi %mul3A_2, %mul3A_435 : i32
        "tpu.region"() ({
          %run_scoped3A = tpu.sem_alloc : memref<!tpu.dma_semaphore, #tpu.memory_space<semaphore_mem>>
          %dma_start3A_437 = tpu.memref_slice %arg5[%add3A_436] : memref<320000xf32, #tpu.memory_space<hbm>> -> memref<2000xf32, #tpu.memory_space<hbm>>
          %dma_start3A_438 = tpu.memref_slice %arg5[%add3A_436] : memref<320000xf32, #tpu.memory_space<hbm>> -> memref<2000xf32, #tpu.memory_space<hbm>>
          tpu.enqueue_dma source(%arg15 : memref<2000xf32, #tpu.memory_space<vmem>>) target(%dma_start3A_438 : memref<2000xf32, #tpu.memory_space<hbm>>) target_semaphore(%run_scoped3A : memref<!tpu.dma_semaphore, #tpu.memory_space<semaphore_mem>>)
          %dma_wait3A_439 = tpu.memref_slice %arg5[%add3A_436] : memref<320000xf32, #tpu.memory_space<hbm>> -> memref<2000xf32, #tpu.memory_space<hbm>>
          %dma_wait3A_440 = tpu.memref_slice %arg5[%add3A_436] : memref<320000xf32, #tpu.memory_space<hbm>> -> memref<2000xf32, #tpu.memory_space<hbm>>
          tpu.wait_dma2 semaphore(%run_scoped3A : memref<!tpu.dma_semaphore, #tpu.memory_space<semaphore_mem>>) src(%arg15 : memref<2000xf32, #tpu.memory_space<vmem>>) dst(%dma_wait3A_440 : memref<2000xf32, #tpu.memory_space<hbm>>)
          tpu.yield
        }) : () -> ()
      } else {
      }
    }
    %scan3A_37 = arith.constant 62 : i32
    %dma_wait3A_38 = arith.constant 0 : i32
    %dma_wait3A_39 = arith.constant 0 : i32
    %dma_wait3A_40 = tpu.memref_slice %arg6[%dma_wait3A_38, %dma_wait3A_39] : memref<10000x128xf32, #tpu.memory_space<vmem_shared>> -> memref<10000x128xf32, #tpu.memory_space<vmem_shared>>
    tpu.wait_indirect_dma semaphore(%arg18 : memref<!tpu.dma_semaphore, #tpu.memory_space<semaphore_mem>>) src(%dma_wait3A_40 : memref<10000x128xf32, #tpu.memory_space<vmem_shared>>) dst(%arg11 : memref<80x128xf32, #tpu.memory_space<vmem>>)
    %dma_wait3A_41 = arith.constant 0 : i32
    %dma_wait3A_42 = arith.constant 0 : i32
    %dma_wait3A_43 = tpu.memref_slice %arg2[%dma_wait3A_41, %dma_wait3A_42] : memref<10000x128xf32, #tpu.memory_space<hbm>> -> memref<10000x128xf32, #tpu.memory_space<hbm>>
    tpu.wait_indirect_dma semaphore(%arg19 : memref<!tpu.dma_semaphore, #tpu.memory_space<semaphore_mem>>) src(%dma_wait3A_43 : memref<10000x128xf32, #tpu.memory_space<hbm>>) dst(%arg12 : memref<80x128xf32, #tpu.memory_space<vmem>>)
    %rem3A = arith.constant 124 : i32
    %rem3A_44 = arith.constant 25 : i32
    %rem3A_45 = arith.remsi %rem3A, %rem3A_44 : i32
    %mul3A_46 = arith.constant 80 : i32
    %mul3A_47 = arith.muli %rem3A_45, %mul3A_46 : i32
    %broadcast_in_dim3A = arith.constant 0.000000e+00 : f32
    %broadcast_in_dim3A_48 = vector.broadcast %broadcast_in_dim3A : f32 to vector<16xf32>
    %add3A_49 = arith.constant 0 : i32
    %add3A_50 = vector.broadcast %add3A_49 : i32 to vector<16xi32>
    %add3A_51 = arith.addi %iota3A, %add3A_50 : vector<16xi32>
    %scan3A_52 = arith.constant 0 : i32
    %scan3A_53 = arith.constant 16 : i32
    %scan3A_54 = arith.addi %scan3A_52, %scan3A_53 : i32
    %scan3A_55 = arith.constant 1 : i32
    %scan3A_56:8 = scf.for %scan3A_153 = %scan3A_52 to %scan3A_54 step %scan3A_55 iter_args(%scan3A_154 = %broadcast_in_dim3A_48, %scan3A_155 = %broadcast_in_dim3A_48, %scan3A_156 = %broadcast_in_dim3A_48, %scan3A_157 = %broadcast_in_dim3A_48, %scan3A_158 = %broadcast_in_dim3A_48, %scan3A_159 = %broadcast_in_dim3A_48, %scan3A_160 = %broadcast_in_dim3A_48, %scan3A_161 = %broadcast_in_dim3A_48) -> (vector<16xf32>, vector<16xf32>, vector<16xf32>, vector<16xf32>, vector<16xf32>, vector<16xf32>, vector<16xf32>, vector<16xf32>)  : i32 {
      %mul3A_162 = arith.constant 8 : i32
      %mul3A_163 = arith.muli %scan3A_153, %mul3A_162 : i32
      %add3A_164 = arith.constant 0 : i32
      %add3A_165 = arith.addi %mul3A_163, %add3A_164 : i32
      %add3A_166 = vector.broadcast %add3A_165 : i32 to vector<16xi32>
      %add3A_167 = arith.addi %iota3A, %add3A_166 : vector<16xi32>
      %and3A = arith.constant 127 : i32
      %and3A_168 = vector.broadcast %and3A : i32 to vector<16xi32>
      %and3A_169 = arith.andi %add3A_167, %and3A_168 : vector<16xi32>
      %gather3A = tpu.vector_load_idx %arg11[%add3A_51, %and3A_169] : memref<80x128xf32, #tpu.memory_space<vmem>>[vector<16xi32>, vector<16xi32>], vector<16xf32>,
      %gather3A_170 = tpu.vector_load_idx %arg12[%add3A_51, %and3A_169] : memref<80x128xf32, #tpu.memory_space<vmem>>[vector<16xi32>, vector<16xi32>], vector<16xf32>,
      %mul3A_171 = arith.mulf %gather3A, %gather3A_170 : vector<16xf32>
      %add3A_172 = arith.addf %scan3A_154, %mul3A_171 : vector<16xf32>
      %mul3A_173 = arith.constant 8 : i32
      %mul3A_174 = arith.muli %scan3A_153, %mul3A_173 : i32
      %add3A_175 = arith.constant 1 : i32
      %add3A_176 = arith.addi %mul3A_174, %add3A_175 : i32
      %add3A_177 = vector.broadcast %add3A_176 : i32 to vector<16xi32>
      %add3A_178 = arith.addi %iota3A, %add3A_177 : vector<16xi32>
      %and3A_179 = arith.constant 127 : i32
      %and3A_180 = vector.broadcast %and3A_179 : i32 to vector<16xi32>
      %and3A_181 = arith.andi %add3A_178, %and3A_180 : vector<16xi32>
      %gather3A_182 = tpu.vector_load_idx %arg11[%add3A_51, %and3A_181] : memref<80x128xf32, #tpu.memory_space<vmem>>[vector<16xi32>, vector<16xi32>], vector<16xf32>,
      %gather3A_183 = tpu.vector_load_idx %arg12[%add3A_51, %and3A_181] : memref<80x128xf32, #tpu.memory_space<vmem>>[vector<16xi32>, vector<16xi32>], vector<16xf32>,
      %mul3A_184 = arith.mulf %gather3A_182, %gather3A_183 : vector<16xf32>
      %add3A_185 = arith.addf %scan3A_155, %mul3A_184 : vector<16xf32>
      %mul3A_186 = arith.constant 8 : i32
      %mul3A_187 = arith.muli %scan3A_153, %mul3A_186 : i32
      %add3A_188 = arith.constant 2 : i32
      %add3A_189 = arith.addi %mul3A_187, %add3A_188 : i32
      %add3A_190 = vector.broadcast %add3A_189 : i32 to vector<16xi32>
      %add3A_191 = arith.addi %iota3A, %add3A_190 : vector<16xi32>
      %and3A_192 = arith.constant 127 : i32
      %and3A_193 = vector.broadcast %and3A_192 : i32 to vector<16xi32>
      %and3A_194 = arith.andi %add3A_191, %and3A_193 : vector<16xi32>
      %gather3A_195 = tpu.vector_load_idx %arg11[%add3A_51, %and3A_194] : memref<80x128xf32, #tpu.memory_space<vmem>>[vector<16xi32>, vector<16xi32>], vector<16xf32>,
      %gather3A_196 = tpu.vector_load_idx %arg12[%add3A_51, %and3A_194] : memref<80x128xf32, #tpu.memory_space<vmem>>[vector<16xi32>, vector<16xi32>], vector<16xf32>,
      %mul3A_197 = arith.mulf %gather3A_195, %gather3A_196 : vector<16xf32>
      %add3A_198 = arith.addf %scan3A_156, %mul3A_197 : vector<16xf32>
      %mul3A_199 = arith.constant 8 : i32
      %mul3A_200 = arith.muli %scan3A_153, %mul3A_199 : i32
      %add3A_201 = arith.constant 3 : i32
      %add3A_202 = arith.addi %mul3A_200, %add3A_201 : i32
      %add3A_203 = vector.broadcast %add3A_202 : i32 to vector<16xi32>
      %add3A_204 = arith.addi %iota3A, %add3A_203 : vector<16xi32>
      %and3A_205 = arith.constant 127 : i32
      %and3A_206 = vector.broadcast %and3A_205 : i32 to vector<16xi32>
      %and3A_207 = arith.andi %add3A_204, %and3A_206 : vector<16xi32>
      %gather3A_208 = tpu.vector_load_idx %arg11[%add3A_51, %and3A_207] : memref<80x128xf32, #tpu.memory_space<vmem>>[vector<16xi32>, vector<16xi32>], vector<16xf32>,
      %gather3A_209 = tpu.vector_load_idx %arg12[%add3A_51, %and3A_207] : memref<80x128xf32, #tpu.memory_space<vmem>>[vector<16xi32>, vector<16xi32>], vector<16xf32>,
      %mul3A_210 = arith.mulf %gather3A_208, %gather3A_209 : vector<16xf32>
      %add3A_211 = arith.addf %scan3A_157, %mul3A_210 : vector<16xf32>
      %mul3A_212 = arith.constant 8 : i32
      %mul3A_213 = arith.muli %scan3A_153, %mul3A_212 : i32
      %add3A_214 = arith.constant 4 : i32
      %add3A_215 = arith.addi %mul3A_213, %add3A_214 : i32
      %add3A_216 = vector.broadcast %add3A_215 : i32 to vector<16xi32>
      %add3A_217 = arith.addi %iota3A, %add3A_216 : vector<16xi32>
      %and3A_218 = arith.constant 127 : i32
      %and3A_219 = vector.broadcast %and3A_218 : i32 to vector<16xi32>
      %and3A_220 = arith.andi %add3A_217, %and3A_219 : vector<16xi32>
      %gather3A_221 = tpu.vector_load_idx %arg11[%add3A_51, %and3A_220] : memref<80x128xf32, #tpu.memory_space<vmem>>[vector<16xi32>, vector<16xi32>], vector<16xf32>,
      %gather3A_222 = tpu.vector_load_idx %arg12[%add3A_51, %and3A_220] : memref<80x128xf32, #tpu.memory_space<vmem>>[vector<16xi32>, vector<16xi32>], vector<16xf32>,
      %mul3A_223 = arith.mulf %gather3A_221, %gather3A_222 : vector<16xf32>
      %add3A_224 = arith.addf %scan3A_158, %mul3A_223 : vector<16xf32>
      %mul3A_225 = arith.constant 8 : i32
      %mul3A_226 = arith.muli %scan3A_153, %mul3A_225 : i32
      %add3A_227 = arith.constant 5 : i32
      %add3A_228 = arith.addi %mul3A_226, %add3A_227 : i32
      %add3A_229 = vector.broadcast %add3A_228 : i32 to vector<16xi32>
      %add3A_230 = arith.addi %iota3A, %add3A_229 : vector<16xi32>
      %and3A_231 = arith.constant 127 : i32
      %and3A_232 = vector.broadcast %and3A_231 : i32 to vector<16xi32>
      %and3A_233 = arith.andi %add3A_230, %and3A_232 : vector<16xi32>
      %gather3A_234 = tpu.vector_load_idx %arg11[%add3A_51, %and3A_233] : memref<80x128xf32, #tpu.memory_space<vmem>>[vector<16xi32>, vector<16xi32>], vector<16xf32>,
      %gather3A_235 = tpu.vector_load_idx %arg12[%add3A_51, %and3A_233] : memref<80x128xf32, #tpu.memory_space<vmem>>[vector<16xi32>, vector<16xi32>], vector<16xf32>,
      %mul3A_236 = arith.mulf %gather3A_234, %gather3A_235 : vector<16xf32>
      %add3A_237 = arith.addf %scan3A_159, %mul3A_236 : vector<16xf32>
      %mul3A_238 = arith.constant 8 : i32
      %mul3A_239 = arith.muli %scan3A_153, %mul3A_238 : i32
      %add3A_240 = arith.constant 6 : i32
      %add3A_241 = arith.addi %mul3A_239, %add3A_240 : i32
      %add3A_242 = vector.broadcast %add3A_241 : i32 to vector<16xi32>
      %add3A_243 = arith.addi %iota3A, %add3A_242 : vector<16xi32>
      %and3A_244 = arith.constant 127 : i32
      %and3A_245 = vector.broadcast %and3A_244 : i32 to vector<16xi32>
      %and3A_246 = arith.andi %add3A_243, %and3A_245 : vector<16xi32>
      %gather3A_247 = tpu.vector_load_idx %arg11[%add3A_51, %and3A_246] : memref<80x128xf32, #tpu.memory_space<vmem>>[vector<16xi32>, vector<16xi32>], vector<16xf32>,
      %gather3A_248 = tpu.vector_load_idx %arg12[%add3A_51, %and3A_246] : memref<80x128xf32, #tpu.memory_space<vmem>>[vector<16xi32>, vector<16xi32>], vector<16xf32>,
      %mul3A_249 = arith.mulf %gather3A_247, %gather3A_248 : vector<16xf32>
      %add3A_250 = arith.addf %scan3A_160, %mul3A_249 : vector<16xf32>
      %mul3A_251 = arith.constant 8 : i32
      %mul3A_252 = arith.muli %scan3A_153, %mul3A_251 : i32
      %add3A_253 = arith.constant 7 : i32
      %add3A_254 = arith.addi %mul3A_252, %add3A_253 : i32
      %add3A_255 = vector.broadcast %add3A_254 : i32 to vector<16xi32>
      %add3A_256 = arith.addi %iota3A, %add3A_255 : vector<16xi32>
      %and3A_257 = arith.constant 127 : i32
      %and3A_258 = vector.broadcast %and3A_257 : i32 to vector<16xi32>
      %and3A_259 = arith.andi %add3A_256, %and3A_258 : vector<16xi32>
      %gather3A_260 = tpu.vector_load_idx %arg11[%add3A_51, %and3A_259] : memref<80x128xf32, #tpu.memory_space<vmem>>[vector<16xi32>, vector<16xi32>], vector<16xf32>,
      %gather3A_261 = tpu.vector_load_idx %arg12[%add3A_51, %and3A_259] : memref<80x128xf32, #tpu.memory_space<vmem>>[vector<16xi32>, vector<16xi32>], vector<16xf32>,
      %mul3A_262 = arith.mulf %gather3A_260, %gather3A_261 : vector<16xf32>
      %add3A_263 = arith.addf %scan3A_161, %mul3A_262 : vector<16xf32>
      scf.yield %add3A_172, %add3A_185, %add3A_198, %add3A_211, %add3A_224, %add3A_237, %add3A_250, %add3A_263 : vector<16xf32>, vector<16xf32>, vector<16xf32>, vector<16xf32>, vector<16xf32>, vector<16xf32>, vector<16xf32>, vector<16xf32>
    }
    %scan3A_57 = arith.constant 16 : i32
    %add3A_58 = arith.addf %scan3A_56#0, %scan3A_56#1 : vector<16xf32>
    %add3A_59 = arith.addf %add3A_58, %scan3A_56#2 : vector<16xf32>
    %add3A_60 = arith.addf %add3A_59, %scan3A_56#3 : vector<16xf32>
    %add3A_61 = arith.addf %add3A_60, %scan3A_56#4 : vector<16xf32>
    %add3A_62 = arith.addf %add3A_61, %scan3A_56#5 : vector<16xf32>
    %add3A_63 = arith.addf %add3A_62, %scan3A_56#6 : vector<16xf32>
    %add3A_64 = arith.addf %add3A_63, %scan3A_56#7 : vector<16xf32>
    %add3A_65 = arith.constant 0 : i32
    %add3A_66 = arith.addi %mul3A_47, %add3A_65 : i32
    %swap3A = arith.index_cast %add3A_66 : i32 to index
    %swap3A_67 = tpu.vector_load %arg15[%swap3A] {strides = array<i32>} : memref<2000xf32, #tpu.memory_space<vmem>>, vector<16xf32>,
    tpu.vector_store %arg15[%swap3A], %add3A_64 {strides = array<i32>} : memref<2000xf32, #tpu.memory_space<vmem>>, vector<16xf32>,
    %add3A_68 = arith.constant 16 : i32
    %add3A_69 = vector.broadcast %add3A_68 : i32 to vector<16xi32>
    %add3A_70 = arith.addi %iota3A, %add3A_69 : vector<16xi32>
    %scan3A_71 = arith.constant 0 : i32
    %scan3A_72 = arith.constant 16 : i32
    %scan3A_73 = arith.addi %scan3A_71, %scan3A_72 : i32
    %scan3A_74 = arith.constant 1 : i32
    %scan3A_75:8 = scf.for %scan3A_153 = %scan3A_71 to %scan3A_73 step %scan3A_74 iter_args(%scan3A_154 = %broadcast_in_dim3A_48, %scan3A_155 = %broadcast_in_dim3A_48, %scan3A_156 = %broadcast_in_dim3A_48, %scan3A_157 = %broadcast_in_dim3A_48, %scan3A_158 = %broadcast_in_dim3A_48, %scan3A_159 = %broadcast_in_dim3A_48, %scan3A_160 = %broadcast_in_dim3A_48, %scan3A_161 = %broadcast_in_dim3A_48) -> (vector<16xf32>, vector<16xf32>, vector<16xf32>, vector<16xf32>, vector<16xf32>, vector<16xf32>, vector<16xf32>, vector<16xf32>)  : i32 {
      %mul3A_162 = arith.constant 8 : i32
      %mul3A_163 = arith.muli %scan3A_153, %mul3A_162 : i32
      %add3A_164 = arith.constant 0 : i32
      %add3A_165 = arith.addi %mul3A_163, %add3A_164 : i32
      %add3A_166 = vector.broadcast %add3A_165 : i32 to vector<16xi32>
      %add3A_167 = arith.addi %iota3A, %add3A_166 : vector<16xi32>
      %and3A = arith.constant 127 : i32
      %and3A_168 = vector.broadcast %and3A : i32 to vector<16xi32>
      %and3A_169 = arith.andi %add3A_167, %and3A_168 : vector<16xi32>
      %gather3A = tpu.vector_load_idx %arg11[%add3A_70, %and3A_169] : memref<80x128xf32, #tpu.memory_space<vmem>>[vector<16xi32>, vector<16xi32>], vector<16xf32>,
      %gather3A_170 = tpu.vector_load_idx %arg12[%add3A_70, %and3A_169] : memref<80x128xf32, #tpu.memory_space<vmem>>[vector<16xi32>, vector<16xi32>], vector<16xf32>,
      %mul3A_171 = arith.mulf %gather3A, %gather3A_170 : vector<16xf32>
      %add3A_172 = arith.addf %scan3A_154, %mul3A_171 : vector<16xf32>
      %mul3A_173 = arith.constant 8 : i32
      %mul3A_174 = arith.muli %scan3A_153, %mul3A_173 : i32
      %add3A_175 = arith.constant 1 : i32
      %add3A_176 = arith.addi %mul3A_174, %add3A_175 : i32
      %add3A_177 = vector.broadcast %add3A_176 : i32 to vector<16xi32>
      %add3A_178 = arith.addi %iota3A, %add3A_177 : vector<16xi32>
      %and3A_179 = arith.constant 127 : i32
      %and3A_180 = vector.broadcast %and3A_179 : i32 to vector<16xi32>
      %and3A_181 = arith.andi %add3A_178, %and3A_180 : vector<16xi32>
      %gather3A_182 = tpu.vector_load_idx %arg11[%add3A_70, %and3A_181] : memref<80x128xf32, #tpu.memory_space<vmem>>[vector<16xi32>, vector<16xi32>], vector<16xf32>,
      %gather3A_183 = tpu.vector_load_idx %arg12[%add3A_70, %and3A_181] : memref<80x128xf32, #tpu.memory_space<vmem>>[vector<16xi32>, vector<16xi32>], vector<16xf32>,
      %mul3A_184 = arith.mulf %gather3A_182, %gather3A_183 : vector<16xf32>
      %add3A_185 = arith.addf %scan3A_155, %mul3A_184 : vector<16xf32>
      %mul3A_186 = arith.constant 8 : i32
      %mul3A_187 = arith.muli %scan3A_153, %mul3A_186 : i32
      %add3A_188 = arith.constant 2 : i32
      %add3A_189 = arith.addi %mul3A_187, %add3A_188 : i32
      %add3A_190 = vector.broadcast %add3A_189 : i32 to vector<16xi32>
      %add3A_191 = arith.addi %iota3A, %add3A_190 : vector<16xi32>
      %and3A_192 = arith.constant 127 : i32
      %and3A_193 = vector.broadcast %and3A_192 : i32 to vector<16xi32>
      %and3A_194 = arith.andi %add3A_191, %and3A_193 : vector<16xi32>
      %gather3A_195 = tpu.vector_load_idx %arg11[%add3A_70, %and3A_194] : memref<80x128xf32, #tpu.memory_space<vmem>>[vector<16xi32>, vector<16xi32>], vector<16xf32>,
      %gather3A_196 = tpu.vector_load_idx %arg12[%add3A_70, %and3A_194] : memref<80x128xf32, #tpu.memory_space<vmem>>[vector<16xi32>, vector<16xi32>], vector<16xf32>,
      %mul3A_197 = arith.mulf %gather3A_195, %gather3A_196 : vector<16xf32>
      %add3A_198 = arith.addf %scan3A_156, %mul3A_197 : vector<16xf32>
      %mul3A_199 = arith.constant 8 : i32
      %mul3A_200 = arith.muli %scan3A_153, %mul3A_199 : i32
      %add3A_201 = arith.constant 3 : i32
      %add3A_202 = arith.addi %mul3A_200, %add3A_201 : i32
      %add3A_203 = vector.broadcast %add3A_202 : i32 to vector<16xi32>
      %add3A_204 = arith.addi %iota3A, %add3A_203 : vector<16xi32>
      %and3A_205 = arith.constant 127 : i32
      %and3A_206 = vector.broadcast %and3A_205 : i32 to vector<16xi32>
      %and3A_207 = arith.andi %add3A_204, %and3A_206 : vector<16xi32>
      %gather3A_208 = tpu.vector_load_idx %arg11[%add3A_70, %and3A_207] : memref<80x128xf32, #tpu.memory_space<vmem>>[vector<16xi32>, vector<16xi32>], vector<16xf32>,
      %gather3A_209 = tpu.vector_load_idx %arg12[%add3A_70, %and3A_207] : memref<80x128xf32, #tpu.memory_space<vmem>>[vector<16xi32>, vector<16xi32>], vector<16xf32>,
      %mul3A_210 = arith.mulf %gather3A_208, %gather3A_209 : vector<16xf32>
      %add3A_211 = arith.addf %scan3A_157, %mul3A_210 : vector<16xf32>
      %mul3A_212 = arith.constant 8 : i32
      %mul3A_213 = arith.muli %scan3A_153, %mul3A_212 : i32
      %add3A_214 = arith.constant 4 : i32
      %add3A_215 = arith.addi %mul3A_213, %add3A_214 : i32
      %add3A_216 = vector.broadcast %add3A_215 : i32 to vector<16xi32>
      %add3A_217 = arith.addi %iota3A, %add3A_216 : vector<16xi32>
      %and3A_218 = arith.constant 127 : i32
      %and3A_219 = vector.broadcast %and3A_218 : i32 to vector<16xi32>
      %and3A_220 = arith.andi %add3A_217, %and3A_219 : vector<16xi32>
      %gather3A_221 = tpu.vector_load_idx %arg11[%add3A_70, %and3A_220] : memref<80x128xf32, #tpu.memory_space<vmem>>[vector<16xi32>, vector<16xi32>], vector<16xf32>,
      %gather3A_222 = tpu.vector_load_idx %arg12[%add3A_70, %and3A_220] : memref<80x128xf32, #tpu.memory_space<vmem>>[vector<16xi32>, vector<16xi32>], vector<16xf32>,
      %mul3A_223 = arith.mulf %gather3A_221, %gather3A_222 : vector<16xf32>
      %add3A_224 = arith.addf %scan3A_158, %mul3A_223 : vector<16xf32>
      %mul3A_225 = arith.constant 8 : i32
      %mul3A_226 = arith.muli %scan3A_153, %mul3A_225 : i32
      %add3A_227 = arith.constant 5 : i32
      %add3A_228 = arith.addi %mul3A_226, %add3A_227 : i32
      %add3A_229 = vector.broadcast %add3A_228 : i32 to vector<16xi32>
      %add3A_230 = arith.addi %iota3A, %add3A_229 : vector<16xi32>
      %and3A_231 = arith.constant 127 : i32
      %and3A_232 = vector.broadcast %and3A_231 : i32 to vector<16xi32>
      %and3A_233 = arith.andi %add3A_230, %and3A_232 : vector<16xi32>
      %gather3A_234 = tpu.vector_load_idx %arg11[%add3A_70, %and3A_233] : memref<80x128xf32, #tpu.memory_space<vmem>>[vector<16xi32>, vector<16xi32>], vector<16xf32>,
      %gather3A_235 = tpu.vector_load_idx %arg12[%add3A_70, %and3A_233] : memref<80x128xf32, #tpu.memory_space<vmem>>[vector<16xi32>, vector<16xi32>], vector<16xf32>,
      %mul3A_236 = arith.mulf %gather3A_234, %gather3A_235 : vector<16xf32>
      %add3A_237 = arith.addf %scan3A_159, %mul3A_236 : vector<16xf32>
      %mul3A_238 = arith.constant 8 : i32
      %mul3A_239 = arith.muli %scan3A_153, %mul3A_238 : i32
      %add3A_240 = arith.constant 6 : i32
      %add3A_241 = arith.addi %mul3A_239, %add3A_240 : i32
      %add3A_242 = vector.broadcast %add3A_241 : i32 to vector<16xi32>
      %add3A_243 = arith.addi %iota3A, %add3A_242 : vector<16xi32>
      %and3A_244 = arith.constant 127 : i32
      %and3A_245 = vector.broadcast %and3A_244 : i32 to vector<16xi32>
      %and3A_246 = arith.andi %add3A_243, %and3A_245 : vector<16xi32>
      %gather3A_247 = tpu.vector_load_idx %arg11[%add3A_70, %and3A_246] : memref<80x128xf32, #tpu.memory_space<vmem>>[vector<16xi32>, vector<16xi32>], vector<16xf32>,
      %gather3A_248 = tpu.vector_load_idx %arg12[%add3A_70, %and3A_246] : memref<80x128xf32, #tpu.memory_space<vmem>>[vector<16xi32>, vector<16xi32>], vector<16xf32>,
      %mul3A_249 = arith.mulf %gather3A_247, %gather3A_248 : vector<16xf32>
      %add3A_250 = arith.addf %scan3A_160, %mul3A_249 : vector<16xf32>
      %mul3A_251 = arith.constant 8 : i32
      %mul3A_252 = arith.muli %scan3A_153, %mul3A_251 : i32
      %add3A_253 = arith.constant 7 : i32
      %add3A_254 = arith.addi %mul3A_252, %add3A_253 : i32
      %add3A_255 = vector.broadcast %add3A_254 : i32 to vector<16xi32>
      %add3A_256 = arith.addi %iota3A, %add3A_255 : vector<16xi32>
      %and3A_257 = arith.constant 127 : i32
      %and3A_258 = vector.broadcast %and3A_257 : i32 to vector<16xi32>
      %and3A_259 = arith.andi %add3A_256, %and3A_258 : vector<16xi32>
      %gather3A_260 = tpu.vector_load_idx %arg11[%add3A_70, %and3A_259] : memref<80x128xf32, #tpu.memory_space<vmem>>[vector<16xi32>, vector<16xi32>], vector<16xf32>,
      %gather3A_261 = tpu.vector_load_idx %arg12[%add3A_70, %and3A_259] : memref<80x128xf32, #tpu.memory_space<vmem>>[vector<16xi32>, vector<16xi32>], vector<16xf32>,
      %mul3A_262 = arith.mulf %gather3A_260, %gather3A_261 : vector<16xf32>
      %add3A_263 = arith.addf %scan3A_161, %mul3A_262 : vector<16xf32>
      scf.yield %add3A_172, %add3A_185, %add3A_198, %add3A_211, %add3A_224, %add3A_237, %add3A_250, %add3A_263 : vector<16xf32>, vector<16xf32>, vector<16xf32>, vector<16xf32>, vector<16xf32>, vector<16xf32>, vector<16xf32>, vector<16xf32>
    }
    %scan3A_76 = arith.constant 16 : i32
    %add3A_77 = arith.addf %scan3A_75#0, %scan3A_75#1 : vector<16xf32>
    %add3A_78 = arith.addf %add3A_77, %scan3A_75#2 : vector<16xf32>
    %add3A_79 = arith.addf %add3A_78, %scan3A_75#3 : vector<16xf32>
    %add3A_80 = arith.addf %add3A_79, %scan3A_75#4 : vector<16xf32>
    %add3A_81 = arith.addf %add3A_80, %scan3A_75#5 : vector<16xf32>
    %add3A_82 = arith.addf %add3A_81, %scan3A_75#6 : vector<16xf32>
    %add3A_83 = arith.addf %add3A_82, %scan3A_75#7 : vector<16xf32>
    %add3A_84 = arith.constant 16 : i32
    %add3A_85 = arith.addi %mul3A_47, %add3A_84 : i32
    %swap3A_86 = arith.index_cast %add3A_85 : i32 to index
    %swap3A_87 = tpu.vector_load %arg15[%swap3A_86] {strides = array<i32>} : memref<2000xf32, #tpu.memory_space<vmem>>, vector<16xf32>,
    tpu.vector_store %arg15[%swap3A_86], %add3A_83 {strides = array<i32>} : memref<2000xf32, #tpu.memory_space<vmem>>, vector<16xf32>,
    %add3A_88 = arith.constant 32 : i32
    %add3A_89 = vector.broadcast %add3A_88 : i32 to vector<16xi32>
    %add3A_90 = arith.addi %iota3A, %add3A_89 : vector<16xi32>
    %scan3A_91 = arith.constant 0 : i32
    %scan3A_92 = arith.constant 16 : i32
    %scan3A_93 = arith.addi %scan3A_91, %scan3A_92 : i32
    %scan3A_94 = arith.constant 1 : i32
    %scan3A_95:8 = scf.for %scan3A_153 = %scan3A_91 to %scan3A_93 step %scan3A_94 iter_args(%scan3A_154 = %broadcast_in_dim3A_48, %scan3A_155 = %broadcast_in_dim3A_48, %scan3A_156 = %broadcast_in_dim3A_48, %scan3A_157 = %broadcast_in_dim3A_48, %scan3A_158 = %broadcast_in_dim3A_48, %scan3A_159 = %broadcast_in_dim3A_48, %scan3A_160 = %broadcast_in_dim3A_48, %scan3A_161 = %broadcast_in_dim3A_48) -> (vector<16xf32>, vector<16xf32>, vector<16xf32>, vector<16xf32>, vector<16xf32>, vector<16xf32>, vector<16xf32>, vector<16xf32>)  : i32 {
      %mul3A_162 = arith.constant 8 : i32
      %mul3A_163 = arith.muli %scan3A_153, %mul3A_162 : i32
      %add3A_164 = arith.constant 0 : i32
      %add3A_165 = arith.addi %mul3A_163, %add3A_164 : i32
      %add3A_166 = vector.broadcast %add3A_165 : i32 to vector<16xi32>
      %add3A_167 = arith.addi %iota3A, %add3A_166 : vector<16xi32>
      %and3A = arith.constant 127 : i32
      %and3A_168 = vector.broadcast %and3A : i32 to vector<16xi32>
      %and3A_169 = arith.andi %add3A_167, %and3A_168 : vector<16xi32>
      %gather3A = tpu.vector_load_idx %arg11[%add3A_90, %and3A_169] : memref<80x128xf32, #tpu.memory_space<vmem>>[vector<16xi32>, vector<16xi32>], vector<16xf32>,
      %gather3A_170 = tpu.vector_load_idx %arg12[%add3A_90, %and3A_169] : memref<80x128xf32, #tpu.memory_space<vmem>>[vector<16xi32>, vector<16xi32>], vector<16xf32>,
      %mul3A_171 = arith.mulf %gather3A, %gather3A_170 : vector<16xf32>
      %add3A_172 = arith.addf %scan3A_154, %mul3A_171 : vector<16xf32>
      %mul3A_173 = arith.constant 8 : i32
      %mul3A_174 = arith.muli %scan3A_153, %mul3A_173 : i32
      %add3A_175 = arith.constant 1 : i32
      %add3A_176 = arith.addi %mul3A_174, %add3A_175 : i32
      %add3A_177 = vector.broadcast %add3A_176 : i32 to vector<16xi32>
      %add3A_178 = arith.addi %iota3A, %add3A_177 : vector<16xi32>
      %and3A_179 = arith.constant 127 : i32
      %and3A_180 = vector.broadcast %and3A_179 : i32 to vector<16xi32>
      %and3A_181 = arith.andi %add3A_178, %and3A_180 : vector<16xi32>
      %gather3A_182 = tpu.vector_load_idx %arg11[%add3A_90, %and3A_181] : memref<80x128xf32, #tpu.memory_space<vmem>>[vector<16xi32>, vector<16xi32>], vector<16xf32>,
      %gather3A_183 = tpu.vector_load_idx %arg12[%add3A_90, %and3A_181] : memref<80x128xf32, #tpu.memory_space<vmem>>[vector<16xi32>, vector<16xi32>], vector<16xf32>,
      %mul3A_184 = arith.mulf %gather3A_182, %gather3A_183 : vector<16xf32>
      %add3A_185 = arith.addf %scan3A_155, %mul3A_184 : vector<16xf32>
      %mul3A_186 = arith.constant 8 : i32
      %mul3A_187 = arith.muli %scan3A_153, %mul3A_186 : i32
      %add3A_188 = arith.constant 2 : i32
      %add3A_189 = arith.addi %mul3A_187, %add3A_188 : i32
      %add3A_190 = vector.broadcast %add3A_189 : i32 to vector<16xi32>
      %add3A_191 = arith.addi %iota3A, %add3A_190 : vector<16xi32>
      %and3A_192 = arith.constant 127 : i32
      %and3A_193 = vector.broadcast %and3A_192 : i32 to vector<16xi32>
      %and3A_194 = arith.andi %add3A_191, %and3A_193 : vector<16xi32>
      %gather3A_195 = tpu.vector_load_idx %arg11[%add3A_90, %and3A_194] : memref<80x128xf32, #tpu.memory_space<vmem>>[vector<16xi32>, vector<16xi32>], vector<16xf32>,
      %gather3A_196 = tpu.vector_load_idx %arg12[%add3A_90, %and3A_194] : memref<80x128xf32, #tpu.memory_space<vmem>>[vector<16xi32>, vector<16xi32>], vector<16xf32>,
      %mul3A_197 = arith.mulf %gather3A_195, %gather3A_196 : vector<16xf32>
      %add3A_198 = arith.addf %scan3A_156, %mul3A_197 : vector<16xf32>
      %mul3A_199 = arith.constant 8 : i32
      %mul3A_200 = arith.muli %scan3A_153, %mul3A_199 : i32
      %add3A_201 = arith.constant 3 : i32
      %add3A_202 = arith.addi %mul3A_200, %add3A_201 : i32
      %add3A_203 = vector.broadcast %add3A_202 : i32 to vector<16xi32>
      %add3A_204 = arith.addi %iota3A, %add3A_203 : vector<16xi32>
      %and3A_205 = arith.constant 127 : i32
      %and3A_206 = vector.broadcast %and3A_205 : i32 to vector<16xi32>
      %and3A_207 = arith.andi %add3A_204, %and3A_206 : vector<16xi32>
      %gather3A_208 = tpu.vector_load_idx %arg11[%add3A_90, %and3A_207] : memref<80x128xf32, #tpu.memory_space<vmem>>[vector<16xi32>, vector<16xi32>], vector<16xf32>,
      %gather3A_209 = tpu.vector_load_idx %arg12[%add3A_90, %and3A_207] : memref<80x128xf32, #tpu.memory_space<vmem>>[vector<16xi32>, vector<16xi32>], vector<16xf32>,
      %mul3A_210 = arith.mulf %gather3A_208, %gather3A_209 : vector<16xf32>
      %add3A_211 = arith.addf %scan3A_157, %mul3A_210 : vector<16xf32>
      %mul3A_212 = arith.constant 8 : i32
      %mul3A_213 = arith.muli %scan3A_153, %mul3A_212 : i32
      %add3A_214 = arith.constant 4 : i32
      %add3A_215 = arith.addi %mul3A_213, %add3A_214 : i32
      %add3A_216 = vector.broadcast %add3A_215 : i32 to vector<16xi32>
      %add3A_217 = arith.addi %iota3A, %add3A_216 : vector<16xi32>
      %and3A_218 = arith.constant 127 : i32
      %and3A_219 = vector.broadcast %and3A_218 : i32 to vector<16xi32>
      %and3A_220 = arith.andi %add3A_217, %and3A_219 : vector<16xi32>
      %gather3A_221 = tpu.vector_load_idx %arg11[%add3A_90, %and3A_220] : memref<80x128xf32, #tpu.memory_space<vmem>>[vector<16xi32>, vector<16xi32>], vector<16xf32>,
      %gather3A_222 = tpu.vector_load_idx %arg12[%add3A_90, %and3A_220] : memref<80x128xf32, #tpu.memory_space<vmem>>[vector<16xi32>, vector<16xi32>], vector<16xf32>,
      %mul3A_223 = arith.mulf %gather3A_221, %gather3A_222 : vector<16xf32>
      %add3A_224 = arith.addf %scan3A_158, %mul3A_223 : vector<16xf32>
      %mul3A_225 = arith.constant 8 : i32
      %mul3A_226 = arith.muli %scan3A_153, %mul3A_225 : i32
      %add3A_227 = arith.constant 5 : i32
      %add3A_228 = arith.addi %mul3A_226, %add3A_227 : i32
      %add3A_229 = vector.broadcast %add3A_228 : i32 to vector<16xi32>
      %add3A_230 = arith.addi %iota3A, %add3A_229 : vector<16xi32>
      %and3A_231 = arith.constant 127 : i32
      %and3A_232 = vector.broadcast %and3A_231 : i32 to vector<16xi32>
      %and3A_233 = arith.andi %add3A_230, %and3A_232 : vector<16xi32>
      %gather3A_234 = tpu.vector_load_idx %arg11[%add3A_90, %and3A_233] : memref<80x128xf32, #tpu.memory_space<vmem>>[vector<16xi32>, vector<16xi32>], vector<16xf32>,
      %gather3A_235 = tpu.vector_load_idx %arg12[%add3A_90, %and3A_233] : memref<80x128xf32, #tpu.memory_space<vmem>>[vector<16xi32>, vector<16xi32>], vector<16xf32>,
      %mul3A_236 = arith.mulf %gather3A_234, %gather3A_235 : vector<16xf32>
      %add3A_237 = arith.addf %scan3A_159, %mul3A_236 : vector<16xf32>
      %mul3A_238 = arith.constant 8 : i32
      %mul3A_239 = arith.muli %scan3A_153, %mul3A_238 : i32
      %add3A_240 = arith.constant 6 : i32
      %add3A_241 = arith.addi %mul3A_239, %add3A_240 : i32
      %add3A_242 = vector.broadcast %add3A_241 : i32 to vector<16xi32>
      %add3A_243 = arith.addi %iota3A, %add3A_242 : vector<16xi32>
      %and3A_244 = arith.constant 127 : i32
      %and3A_245 = vector.broadcast %and3A_244 : i32 to vector<16xi32>
      %and3A_246 = arith.andi %add3A_243, %and3A_245 : vector<16xi32>
      %gather3A_247 = tpu.vector_load_idx %arg11[%add3A_90, %and3A_246] : memref<80x128xf32, #tpu.memory_space<vmem>>[vector<16xi32>, vector<16xi32>], vector<16xf32>,
      %gather3A_248 = tpu.vector_load_idx %arg12[%add3A_90, %and3A_246] : memref<80x128xf32, #tpu.memory_space<vmem>>[vector<16xi32>, vector<16xi32>], vector<16xf32>,
      %mul3A_249 = arith.mulf %gather3A_247, %gather3A_248 : vector<16xf32>
      %add3A_250 = arith.addf %scan3A_160, %mul3A_249 : vector<16xf32>
      %mul3A_251 = arith.constant 8 : i32
      %mul3A_252 = arith.muli %scan3A_153, %mul3A_251 : i32
      %add3A_253 = arith.constant 7 : i32
      %add3A_254 = arith.addi %mul3A_252, %add3A_253 : i32
      %add3A_255 = vector.broadcast %add3A_254 : i32 to vector<16xi32>
      %add3A_256 = arith.addi %iota3A, %add3A_255 : vector<16xi32>
      %and3A_257 = arith.constant 127 : i32
      %and3A_258 = vector.broadcast %and3A_257 : i32 to vector<16xi32>
      %and3A_259 = arith.andi %add3A_256, %and3A_258 : vector<16xi32>
      %gather3A_260 = tpu.vector_load_idx %arg11[%add3A_90, %and3A_259] : memref<80x128xf32, #tpu.memory_space<vmem>>[vector<16xi32>, vector<16xi32>], vector<16xf32>,
      %gather3A_261 = tpu.vector_load_idx %arg12[%add3A_90, %and3A_259] : memref<80x128xf32, #tpu.memory_space<vmem>>[vector<16xi32>, vector<16xi32>], vector<16xf32>,
      %mul3A_262 = arith.mulf %gather3A_260, %gather3A_261 : vector<16xf32>
      %add3A_263 = arith.addf %scan3A_161, %mul3A_262 : vector<16xf32>
      scf.yield %add3A_172, %add3A_185, %add3A_198, %add3A_211, %add3A_224, %add3A_237, %add3A_250, %add3A_263 : vector<16xf32>, vector<16xf32>, vector<16xf32>, vector<16xf32>, vector<16xf32>, vector<16xf32>, vector<16xf32>, vector<16xf32>
    }
    %scan3A_96 = arith.constant 16 : i32
    %add3A_97 = arith.addf %scan3A_95#0, %scan3A_95#1 : vector<16xf32>
    %add3A_98 = arith.addf %add3A_97, %scan3A_95#2 : vector<16xf32>
    %add3A_99 = arith.addf %add3A_98, %scan3A_95#3 : vector<16xf32>
    %add3A_100 = arith.addf %add3A_99, %scan3A_95#4 : vector<16xf32>
    %add3A_101 = arith.addf %add3A_100, %scan3A_95#5 : vector<16xf32>
    %add3A_102 = arith.addf %add3A_101, %scan3A_95#6 : vector<16xf32>
    %add3A_103 = arith.addf %add3A_102, %scan3A_95#7 : vector<16xf32>
    %add3A_104 = arith.constant 32 : i32
    %add3A_105 = arith.addi %mul3A_47, %add3A_104 : i32
    %swap3A_106 = arith.index_cast %add3A_105 : i32 to index
    %swap3A_107 = tpu.vector_load %arg15[%swap3A_106] {strides = array<i32>} : memref<2000xf32, #tpu.memory_space<vmem>>, vector<16xf32>,
    tpu.vector_store %arg15[%swap3A_106], %add3A_103 {strides = array<i32>} : memref<2000xf32, #tpu.memory_space<vmem>>, vector<16xf32>,
    %add3A_108 = arith.constant 48 : i32
    %add3A_109 = vector.broadcast %add3A_108 : i32 to vector<16xi32>
    %add3A_110 = arith.addi %iota3A, %add3A_109 : vector<16xi32>
    %scan3A_111 = arith.constant 0 : i32
    %scan3A_112 = arith.constant 16 : i32
    %scan3A_113 = arith.addi %scan3A_111, %scan3A_112 : i32
    %scan3A_114 = arith.constant 1 : i32
    %scan3A_115:8 = scf.for %scan3A_153 = %scan3A_111 to %scan3A_113 step %scan3A_114 iter_args(%scan3A_154 = %broadcast_in_dim3A_48, %scan3A_155 = %broadcast_in_dim3A_48, %scan3A_156 = %broadcast_in_dim3A_48, %scan3A_157 = %broadcast_in_dim3A_48, %scan3A_158 = %broadcast_in_dim3A_48, %scan3A_159 = %broadcast_in_dim3A_48, %scan3A_160 = %broadcast_in_dim3A_48, %scan3A_161 = %broadcast_in_dim3A_48) -> (vector<16xf32>, vector<16xf32>, vector<16xf32>, vector<16xf32>, vector<16xf32>, vector<16xf32>, vector<16xf32>, vector<16xf32>)  : i32 {
      %mul3A_162 = arith.constant 8 : i32
      %mul3A_163 = arith.muli %scan3A_153, %mul3A_162 : i32
      %add3A_164 = arith.constant 0 : i32
      %add3A_165 = arith.addi %mul3A_163, %add3A_164 : i32
      %add3A_166 = vector.broadcast %add3A_165 : i32 to vector<16xi32>
      %add3A_167 = arith.addi %iota3A, %add3A_166 : vector<16xi32>
      %and3A = arith.constant 127 : i32
      %and3A_168 = vector.broadcast %and3A : i32 to vector<16xi32>
      %and3A_169 = arith.andi %add3A_167, %and3A_168 : vector<16xi32>
      %gather3A = tpu.vector_load_idx %arg11[%add3A_110, %and3A_169] : memref<80x128xf32, #tpu.memory_space<vmem>>[vector<16xi32>, vector<16xi32>], vector<16xf32>,
      %gather3A_170 = tpu.vector_load_idx %arg12[%add3A_110, %and3A_169] : memref<80x128xf32, #tpu.memory_space<vmem>>[vector<16xi32>, vector<16xi32>], vector<16xf32>,
      %mul3A_171 = arith.mulf %gather3A, %gather3A_170 : vector<16xf32>
      %add3A_172 = arith.addf %scan3A_154, %mul3A_171 : vector<16xf32>
      %mul3A_173 = arith.constant 8 : i32
      %mul3A_174 = arith.muli %scan3A_153, %mul3A_173 : i32
      %add3A_175 = arith.constant 1 : i32
      %add3A_176 = arith.addi %mul3A_174, %add3A_175 : i32
      %add3A_177 = vector.broadcast %add3A_176 : i32 to vector<16xi32>
      %add3A_178 = arith.addi %iota3A, %add3A_177 : vector<16xi32>
      %and3A_179 = arith.constant 127 : i32
      %and3A_180 = vector.broadcast %and3A_179 : i32 to vector<16xi32>
      %and3A_181 = arith.andi %add3A_178, %and3A_180 : vector<16xi32>
      %gather3A_182 = tpu.vector_load_idx %arg11[%add3A_110, %and3A_181] : memref<80x128xf32, #tpu.memory_space<vmem>>[vector<16xi32>, vector<16xi32>], vector<16xf32>,
      %gather3A_183 = tpu.vector_load_idx %arg12[%add3A_110, %and3A_181] : memref<80x128xf32, #tpu.memory_space<vmem>>[vector<16xi32>, vector<16xi32>], vector<16xf32>,
      %mul3A_184 = arith.mulf %gather3A_182, %gather3A_183 : vector<16xf32>
      %add3A_185 = arith.addf %scan3A_155, %mul3A_184 : vector<16xf32>
      %mul3A_186 = arith.constant 8 : i32
      %mul3A_187 = arith.muli %scan3A_153, %mul3A_186 : i32
      %add3A_188 = arith.constant 2 : i32
      %add3A_189 = arith.addi %mul3A_187, %add3A_188 : i32
      %add3A_190 = vector.broadcast %add3A_189 : i32 to vector<16xi32>
      %add3A_191 = arith.addi %iota3A, %add3A_190 : vector<16xi32>
      %and3A_192 = arith.constant 127 : i32
      %and3A_193 = vector.broadcast %and3A_192 : i32 to vector<16xi32>
      %and3A_194 = arith.andi %add3A_191, %and3A_193 : vector<16xi32>
      %gather3A_195 = tpu.vector_load_idx %arg11[%add3A_110, %and3A_194] : memref<80x128xf32, #tpu.memory_space<vmem>>[vector<16xi32>, vector<16xi32>], vector<16xf32>,
      %gather3A_196 = tpu.vector_load_idx %arg12[%add3A_110, %and3A_194] : memref<80x128xf32, #tpu.memory_space<vmem>>[vector<16xi32>, vector<16xi32>], vector<16xf32>,
      %mul3A_197 = arith.mulf %gather3A_195, %gather3A_196 : vector<16xf32>
      %add3A_198 = arith.addf %scan3A_156, %mul3A_197 : vector<16xf32>
      %mul3A_199 = arith.constant 8 : i32
      %mul3A_200 = arith.muli %scan3A_153, %mul3A_199 : i32
      %add3A_201 = arith.constant 3 : i32
      %add3A_202 = arith.addi %mul3A_200, %add3A_201 : i32
      %add3A_203 = vector.broadcast %add3A_202 : i32 to vector<16xi32>
      %add3A_204 = arith.addi %iota3A, %add3A_203 : vector<16xi32>
      %and3A_205 = arith.constant 127 : i32
      %and3A_206 = vector.broadcast %and3A_205 : i32 to vector<16xi32>
      %and3A_207 = arith.andi %add3A_204, %and3A_206 : vector<16xi32>
      %gather3A_208 = tpu.vector_load_idx %arg11[%add3A_110, %and3A_207] : memref<80x128xf32, #tpu.memory_space<vmem>>[vector<16xi32>, vector<16xi32>], vector<16xf32>,
      %gather3A_209 = tpu.vector_load_idx %arg12[%add3A_110, %and3A_207] : memref<80x128xf32, #tpu.memory_space<vmem>>[vector<16xi32>, vector<16xi32>], vector<16xf32>,
      %mul3A_210 = arith.mulf %gather3A_208, %gather3A_209 : vector<16xf32>
      %add3A_211 = arith.addf %scan3A_157, %mul3A_210 : vector<16xf32>
      %mul3A_212 = arith.constant 8 : i32
      %mul3A_213 = arith.muli %scan3A_153, %mul3A_212 : i32
      %add3A_214 = arith.constant 4 : i32
      %add3A_215 = arith.addi %mul3A_213, %add3A_214 : i32
      %add3A_216 = vector.broadcast %add3A_215 : i32 to vector<16xi32>
      %add3A_217 = arith.addi %iota3A, %add3A_216 : vector<16xi32>
      %and3A_218 = arith.constant 127 : i32
      %and3A_219 = vector.broadcast %and3A_218 : i32 to vector<16xi32>
      %and3A_220 = arith.andi %add3A_217, %and3A_219 : vector<16xi32>
      %gather3A_221 = tpu.vector_load_idx %arg11[%add3A_110, %and3A_220] : memref<80x128xf32, #tpu.memory_space<vmem>>[vector<16xi32>, vector<16xi32>], vector<16xf32>,
      %gather3A_222 = tpu.vector_load_idx %arg12[%add3A_110, %and3A_220] : memref<80x128xf32, #tpu.memory_space<vmem>>[vector<16xi32>, vector<16xi32>], vector<16xf32>,
      %mul3A_223 = arith.mulf %gather3A_221, %gather3A_222 : vector<16xf32>
      %add3A_224 = arith.addf %scan3A_158, %mul3A_223 : vector<16xf32>
      %mul3A_225 = arith.constant 8 : i32
      %mul3A_226 = arith.muli %scan3A_153, %mul3A_225 : i32
      %add3A_227 = arith.constant 5 : i32
      %add3A_228 = arith.addi %mul3A_226, %add3A_227 : i32
      %add3A_229 = vector.broadcast %add3A_228 : i32 to vector<16xi32>
      %add3A_230 = arith.addi %iota3A, %add3A_229 : vector<16xi32>
      %and3A_231 = arith.constant 127 : i32
      %and3A_232 = vector.broadcast %and3A_231 : i32 to vector<16xi32>
      %and3A_233 = arith.andi %add3A_230, %and3A_232 : vector<16xi32>
      %gather3A_234 = tpu.vector_load_idx %arg11[%add3A_110, %and3A_233] : memref<80x128xf32, #tpu.memory_space<vmem>>[vector<16xi32>, vector<16xi32>], vector<16xf32>,
      %gather3A_235 = tpu.vector_load_idx %arg12[%add3A_110, %and3A_233] : memref<80x128xf32, #tpu.memory_space<vmem>>[vector<16xi32>, vector<16xi32>], vector<16xf32>,
      %mul3A_236 = arith.mulf %gather3A_234, %gather3A_235 : vector<16xf32>
      %add3A_237 = arith.addf %scan3A_159, %mul3A_236 : vector<16xf32>
      %mul3A_238 = arith.constant 8 : i32
      %mul3A_239 = arith.muli %scan3A_153, %mul3A_238 : i32
      %add3A_240 = arith.constant 6 : i32
      %add3A_241 = arith.addi %mul3A_239, %add3A_240 : i32
      %add3A_242 = vector.broadcast %add3A_241 : i32 to vector<16xi32>
      %add3A_243 = arith.addi %iota3A, %add3A_242 : vector<16xi32>
      %and3A_244 = arith.constant 127 : i32
      %and3A_245 = vector.broadcast %and3A_244 : i32 to vector<16xi32>
      %and3A_246 = arith.andi %add3A_243, %and3A_245 : vector<16xi32>
      %gather3A_247 = tpu.vector_load_idx %arg11[%add3A_110, %and3A_246] : memref<80x128xf32, #tpu.memory_space<vmem>>[vector<16xi32>, vector<16xi32>], vector<16xf32>,
      %gather3A_248 = tpu.vector_load_idx %arg12[%add3A_110, %and3A_246] : memref<80x128xf32, #tpu.memory_space<vmem>>[vector<16xi32>, vector<16xi32>], vector<16xf32>,
      %mul3A_249 = arith.mulf %gather3A_247, %gather3A_248 : vector<16xf32>
      %add3A_250 = arith.addf %scan3A_160, %mul3A_249 : vector<16xf32>
      %mul3A_251 = arith.constant 8 : i32
      %mul3A_252 = arith.muli %scan3A_153, %mul3A_251 : i32
      %add3A_253 = arith.constant 7 : i32
      %add3A_254 = arith.addi %mul3A_252, %add3A_253 : i32
      %add3A_255 = vector.broadcast %add3A_254 : i32 to vector<16xi32>
      %add3A_256 = arith.addi %iota3A, %add3A_255 : vector<16xi32>
      %and3A_257 = arith.constant 127 : i32
      %and3A_258 = vector.broadcast %and3A_257 : i32 to vector<16xi32>
      %and3A_259 = arith.andi %add3A_256, %and3A_258 : vector<16xi32>
      %gather3A_260 = tpu.vector_load_idx %arg11[%add3A_110, %and3A_259] : memref<80x128xf32, #tpu.memory_space<vmem>>[vector<16xi32>, vector<16xi32>], vector<16xf32>,
      %gather3A_261 = tpu.vector_load_idx %arg12[%add3A_110, %and3A_259] : memref<80x128xf32, #tpu.memory_space<vmem>>[vector<16xi32>, vector<16xi32>], vector<16xf32>,
      %mul3A_262 = arith.mulf %gather3A_260, %gather3A_261 : vector<16xf32>
      %add3A_263 = arith.addf %scan3A_161, %mul3A_262 : vector<16xf32>
      scf.yield %add3A_172, %add3A_185, %add3A_198, %add3A_211, %add3A_224, %add3A_237, %add3A_250, %add3A_263 : vector<16xf32>, vector<16xf32>, vector<16xf32>, vector<16xf32>, vector<16xf32>, vector<16xf32>, vector<16xf32>, vector<16xf32>
    }
    %scan3A_116 = arith.constant 16 : i32
    %add3A_117 = arith.addf %scan3A_115#0, %scan3A_115#1 : vector<16xf32>
    %add3A_118 = arith.addf %add3A_117, %scan3A_115#2 : vector<16xf32>
    %add3A_119 = arith.addf %add3A_118, %scan3A_115#3 : vector<16xf32>
    %add3A_120 = arith.addf %add3A_119, %scan3A_115#4 : vector<16xf32>
    %add3A_121 = arith.addf %add3A_120, %scan3A_115#5 : vector<16xf32>
    %add3A_122 = arith.addf %add3A_121, %scan3A_115#6 : vector<16xf32>
    %add3A_123 = arith.addf %add3A_122, %scan3A_115#7 : vector<16xf32>
    %add3A_124 = arith.constant 48 : i32
    %add3A_125 = arith.addi %mul3A_47, %add3A_124 : i32
    %swap3A_126 = arith.index_cast %add3A_125 : i32 to index
    %swap3A_127 = tpu.vector_load %arg15[%swap3A_126] {strides = array<i32>} : memref<2000xf32, #tpu.memory_space<vmem>>, vector<16xf32>,
    tpu.vector_store %arg15[%swap3A_126], %add3A_123 {strides = array<i32>} : memref<2000xf32, #tpu.memory_space<vmem>>, vector<16xf32>,
    %add3A_128 = arith.constant 64 : i32
    %add3A_129 = vector.broadcast %add3A_128 : i32 to vector<16xi32>
    %add3A_130 = arith.addi %iota3A, %add3A_129 : vector<16xi32>
    %scan3A_131 = arith.constant 0 : i32
    %scan3A_132 = arith.constant 16 : i32
    %scan3A_133 = arith.addi %scan3A_131, %scan3A_132 : i32
    %scan3A_134 = arith.constant 1 : i32
    %scan3A_135:8 = scf.for %scan3A_153 = %scan3A_131 to %scan3A_133 step %scan3A_134 iter_args(%scan3A_154 = %broadcast_in_dim3A_48, %scan3A_155 = %broadcast_in_dim3A_48, %scan3A_156 = %broadcast_in_dim3A_48, %scan3A_157 = %broadcast_in_dim3A_48, %scan3A_158 = %broadcast_in_dim3A_48, %scan3A_159 = %broadcast_in_dim3A_48, %scan3A_160 = %broadcast_in_dim3A_48, %scan3A_161 = %broadcast_in_dim3A_48) -> (vector<16xf32>, vector<16xf32>, vector<16xf32>, vector<16xf32>, vector<16xf32>, vector<16xf32>, vector<16xf32>, vector<16xf32>)  : i32 {
      %mul3A_162 = arith.constant 8 : i32
      %mul3A_163 = arith.muli %scan3A_153, %mul3A_162 : i32
      %add3A_164 = arith.constant 0 : i32
      %add3A_165 = arith.addi %mul3A_163, %add3A_164 : i32
      %add3A_166 = vector.broadcast %add3A_165 : i32 to vector<16xi32>
      %add3A_167 = arith.addi %iota3A, %add3A_166 : vector<16xi32>
      %and3A = arith.constant 127 : i32
      %and3A_168 = vector.broadcast %and3A : i32 to vector<16xi32>
      %and3A_169 = arith.andi %add3A_167, %and3A_168 : vector<16xi32>
      %gather3A = tpu.vector_load_idx %arg11[%add3A_130, %and3A_169] : memref<80x128xf32, #tpu.memory_space<vmem>>[vector<16xi32>, vector<16xi32>], vector<16xf32>,
      %gather3A_170 = tpu.vector_load_idx %arg12[%add3A_130, %and3A_169] : memref<80x128xf32, #tpu.memory_space<vmem>>[vector<16xi32>, vector<16xi32>], vector<16xf32>,
      %mul3A_171 = arith.mulf %gather3A, %gather3A_170 : vector<16xf32>
      %add3A_172 = arith.addf %scan3A_154, %mul3A_171 : vector<16xf32>
      %mul3A_173 = arith.constant 8 : i32
      %mul3A_174 = arith.muli %scan3A_153, %mul3A_173 : i32
      %add3A_175 = arith.constant 1 : i32
      %add3A_176 = arith.addi %mul3A_174, %add3A_175 : i32
      %add3A_177 = vector.broadcast %add3A_176 : i32 to vector<16xi32>
      %add3A_178 = arith.addi %iota3A, %add3A_177 : vector<16xi32>
      %and3A_179 = arith.constant 127 : i32
      %and3A_180 = vector.broadcast %and3A_179 : i32 to vector<16xi32>
      %and3A_181 = arith.andi %add3A_178, %and3A_180 : vector<16xi32>
      %gather3A_182 = tpu.vector_load_idx %arg11[%add3A_130, %and3A_181] : memref<80x128xf32, #tpu.memory_space<vmem>>[vector<16xi32>, vector<16xi32>], vector<16xf32>,
      %gather3A_183 = tpu.vector_load_idx %arg12[%add3A_130, %and3A_181] : memref<80x128xf32, #tpu.memory_space<vmem>>[vector<16xi32>, vector<16xi32>], vector<16xf32>,
      %mul3A_184 = arith.mulf %gather3A_182, %gather3A_183 : vector<16xf32>
      %add3A_185 = arith.addf %scan3A_155, %mul3A_184 : vector<16xf32>
      %mul3A_186 = arith.constant 8 : i32
      %mul3A_187 = arith.muli %scan3A_153, %mul3A_186 : i32
      %add3A_188 = arith.constant 2 : i32
      %add3A_189 = arith.addi %mul3A_187, %add3A_188 : i32
      %add3A_190 = vector.broadcast %add3A_189 : i32 to vector<16xi32>
      %add3A_191 = arith.addi %iota3A, %add3A_190 : vector<16xi32>
      %and3A_192 = arith.constant 127 : i32
      %and3A_193 = vector.broadcast %and3A_192 : i32 to vector<16xi32>
      %and3A_194 = arith.andi %add3A_191, %and3A_193 : vector<16xi32>
      %gather3A_195 = tpu.vector_load_idx %arg11[%add3A_130, %and3A_194] : memref<80x128xf32, #tpu.memory_space<vmem>>[vector<16xi32>, vector<16xi32>], vector<16xf32>,
      %gather3A_196 = tpu.vector_load_idx %arg12[%add3A_130, %and3A_194] : memref<80x128xf32, #tpu.memory_space<vmem>>[vector<16xi32>, vector<16xi32>], vector<16xf32>,
      %mul3A_197 = arith.mulf %gather3A_195, %gather3A_196 : vector<16xf32>
      %add3A_198 = arith.addf %scan3A_156, %mul3A_197 : vector<16xf32>
      %mul3A_199 = arith.constant 8 : i32
      %mul3A_200 = arith.muli %scan3A_153, %mul3A_199 : i32
      %add3A_201 = arith.constant 3 : i32
      %add3A_202 = arith.addi %mul3A_200, %add3A_201 : i32
      %add3A_203 = vector.broadcast %add3A_202 : i32 to vector<16xi32>
      %add3A_204 = arith.addi %iota3A, %add3A_203 : vector<16xi32>
      %and3A_205 = arith.constant 127 : i32
      %and3A_206 = vector.broadcast %and3A_205 : i32 to vector<16xi32>
      %and3A_207 = arith.andi %add3A_204, %and3A_206 : vector<16xi32>
      %gather3A_208 = tpu.vector_load_idx %arg11[%add3A_130, %and3A_207] : memref<80x128xf32, #tpu.memory_space<vmem>>[vector<16xi32>, vector<16xi32>], vector<16xf32>,
      %gather3A_209 = tpu.vector_load_idx %arg12[%add3A_130, %and3A_207] : memref<80x128xf32, #tpu.memory_space<vmem>>[vector<16xi32>, vector<16xi32>], vector<16xf32>,
      %mul3A_210 = arith.mulf %gather3A_208, %gather3A_209 : vector<16xf32>
      %add3A_211 = arith.addf %scan3A_157, %mul3A_210 : vector<16xf32>
      %mul3A_212 = arith.constant 8 : i32
      %mul3A_213 = arith.muli %scan3A_153, %mul3A_212 : i32
      %add3A_214 = arith.constant 4 : i32
      %add3A_215 = arith.addi %mul3A_213, %add3A_214 : i32
      %add3A_216 = vector.broadcast %add3A_215 : i32 to vector<16xi32>
      %add3A_217 = arith.addi %iota3A, %add3A_216 : vector<16xi32>
      %and3A_218 = arith.constant 127 : i32
      %and3A_219 = vector.broadcast %and3A_218 : i32 to vector<16xi32>
      %and3A_220 = arith.andi %add3A_217, %and3A_219 : vector<16xi32>
      %gather3A_221 = tpu.vector_load_idx %arg11[%add3A_130, %and3A_220] : memref<80x128xf32, #tpu.memory_space<vmem>>[vector<16xi32>, vector<16xi32>], vector<16xf32>,
      %gather3A_222 = tpu.vector_load_idx %arg12[%add3A_130, %and3A_220] : memref<80x128xf32, #tpu.memory_space<vmem>>[vector<16xi32>, vector<16xi32>], vector<16xf32>,
      %mul3A_223 = arith.mulf %gather3A_221, %gather3A_222 : vector<16xf32>
      %add3A_224 = arith.addf %scan3A_158, %mul3A_223 : vector<16xf32>
      %mul3A_225 = arith.constant 8 : i32
      %mul3A_226 = arith.muli %scan3A_153, %mul3A_225 : i32
      %add3A_227 = arith.constant 5 : i32
      %add3A_228 = arith.addi %mul3A_226, %add3A_227 : i32
      %add3A_229 = vector.broadcast %add3A_228 : i32 to vector<16xi32>
      %add3A_230 = arith.addi %iota3A, %add3A_229 : vector<16xi32>
      %and3A_231 = arith.constant 127 : i32
      %and3A_232 = vector.broadcast %and3A_231 : i32 to vector<16xi32>
      %and3A_233 = arith.andi %add3A_230, %and3A_232 : vector<16xi32>
      %gather3A_234 = tpu.vector_load_idx %arg11[%add3A_130, %and3A_233] : memref<80x128xf32, #tpu.memory_space<vmem>>[vector<16xi32>, vector<16xi32>], vector<16xf32>,
      %gather3A_235 = tpu.vector_load_idx %arg12[%add3A_130, %and3A_233] : memref<80x128xf32, #tpu.memory_space<vmem>>[vector<16xi32>, vector<16xi32>], vector<16xf32>,
      %mul3A_236 = arith.mulf %gather3A_234, %gather3A_235 : vector<16xf32>
      %add3A_237 = arith.addf %scan3A_159, %mul3A_236 : vector<16xf32>
      %mul3A_238 = arith.constant 8 : i32
      %mul3A_239 = arith.muli %scan3A_153, %mul3A_238 : i32
      %add3A_240 = arith.constant 6 : i32
      %add3A_241 = arith.addi %mul3A_239, %add3A_240 : i32
      %add3A_242 = vector.broadcast %add3A_241 : i32 to vector<16xi32>
      %add3A_243 = arith.addi %iota3A, %add3A_242 : vector<16xi32>
      %and3A_244 = arith.constant 127 : i32
      %and3A_245 = vector.broadcast %and3A_244 : i32 to vector<16xi32>
      %and3A_246 = arith.andi %add3A_243, %and3A_245 : vector<16xi32>
      %gather3A_247 = tpu.vector_load_idx %arg11[%add3A_130, %and3A_246] : memref<80x128xf32, #tpu.memory_space<vmem>>[vector<16xi32>, vector<16xi32>], vector<16xf32>,
      %gather3A_248 = tpu.vector_load_idx %arg12[%add3A_130, %and3A_246] : memref<80x128xf32, #tpu.memory_space<vmem>>[vector<16xi32>, vector<16xi32>], vector<16xf32>,
      %mul3A_249 = arith.mulf %gather3A_247, %gather3A_248 : vector<16xf32>
      %add3A_250 = arith.addf %scan3A_160, %mul3A_249 : vector<16xf32>
      %mul3A_251 = arith.constant 8 : i32
      %mul3A_252 = arith.muli %scan3A_153, %mul3A_251 : i32
      %add3A_253 = arith.constant 7 : i32
      %add3A_254 = arith.addi %mul3A_252, %add3A_253 : i32
      %add3A_255 = vector.broadcast %add3A_254 : i32 to vector<16xi32>
      %add3A_256 = arith.addi %iota3A, %add3A_255 : vector<16xi32>
      %and3A_257 = arith.constant 127 : i32
      %and3A_258 = vector.broadcast %and3A_257 : i32 to vector<16xi32>
      %and3A_259 = arith.andi %add3A_256, %and3A_258 : vector<16xi32>
      %gather3A_260 = tpu.vector_load_idx %arg11[%add3A_130, %and3A_259] : memref<80x128xf32, #tpu.memory_space<vmem>>[vector<16xi32>, vector<16xi32>], vector<16xf32>,
      %gather3A_261 = tpu.vector_load_idx %arg12[%add3A_130, %and3A_259] : memref<80x128xf32, #tpu.memory_space<vmem>>[vector<16xi32>, vector<16xi32>], vector<16xf32>,
      %mul3A_262 = arith.mulf %gather3A_260, %gather3A_261 : vector<16xf32>
      %add3A_263 = arith.addf %scan3A_161, %mul3A_262 : vector<16xf32>
      scf.yield %add3A_172, %add3A_185, %add3A_198, %add3A_211, %add3A_224, %add3A_237, %add3A_250, %add3A_263 : vector<16xf32>, vector<16xf32>, vector<16xf32>, vector<16xf32>, vector<16xf32>, vector<16xf32>, vector<16xf32>, vector<16xf32>
    }
    %scan3A_136 = arith.constant 16 : i32
    %add3A_137 = arith.addf %scan3A_135#0, %scan3A_135#1 : vector<16xf32>
    %add3A_138 = arith.addf %add3A_137, %scan3A_135#2 : vector<16xf32>
    %add3A_139 = arith.addf %add3A_138, %scan3A_135#3 : vector<16xf32>
    %add3A_140 = arith.addf %add3A_139, %scan3A_135#4 : vector<16xf32>
    %add3A_141 = arith.addf %add3A_140, %scan3A_135#5 : vector<16xf32>
    %add3A_142 = arith.addf %add3A_141, %scan3A_135#6 : vector<16xf32>
    %add3A_143 = arith.addf %add3A_142, %scan3A_135#7 : vector<16xf32>
    %add3A_144 = arith.constant 64 : i32
    %add3A_145 = arith.addi %mul3A_47, %add3A_144 : i32
    %swap3A_146 = arith.index_cast %add3A_145 : i32 to index
    %swap3A_147 = tpu.vector_load %arg15[%swap3A_146] {strides = array<i32>} : memref<2000xf32, #tpu.memory_space<vmem>>, vector<16xf32>,
    tpu.vector_store %arg15[%swap3A_146], %add3A_143 {strides = array<i32>} : memref<2000xf32, #tpu.memory_space<vmem>>, vector<16xf32>,
    %eq3A_148 = arith.constant 24 : i32
    %eq3A_149 = arith.cmpi eq, %rem3A_45, %eq3A_148 : i32
    %convert_element_type3A_150 = arith.extui %eq3A_149 : i1 to i32
    %cond3A_151 = arith.constant 0 : i32
    %cond3A_152 = arith.cmpi ne, %convert_element_type3A_150, %cond3A_151 : i32
    scf.if %cond3A_152 {
      %add3A_153 = arith.constant 8000 : i32
      %add3A_154 = arith.addi %mul3A_2, %add3A_153 : i32
      "tpu.region"() ({
        %run_scoped3A = tpu.sem_alloc : memref<!tpu.dma_semaphore, #tpu.memory_space<semaphore_mem>>
        %dma_start3A_155 = tpu.memref_slice %arg5[%add3A_154] : memref<320000xf32, #tpu.memory_space<hbm>> -> memref<2000xf32, #tpu.memory_space<hbm>>
        %dma_start3A_156 = tpu.memref_slice %arg5[%add3A_154] : memref<320000xf32, #tpu.memory_space<hbm>> -> memref<2000xf32, #tpu.memory_space<hbm>>
        tpu.enqueue_dma source(%arg15 : memref<2000xf32, #tpu.memory_space<vmem>>) target(%dma_start3A_156 : memref<2000xf32, #tpu.memory_space<hbm>>) target_semaphore(%run_scoped3A : memref<!tpu.dma_semaphore, #tpu.memory_space<semaphore_mem>>)
        %dma_wait3A_157 = tpu.memref_slice %arg5[%add3A_154] : memref<320000xf32, #tpu.memory_space<hbm>> -> memref<2000xf32, #tpu.memory_space<hbm>>
        %dma_wait3A_158 = tpu.memref_slice %arg5[%add3A_154] : memref<320000xf32, #tpu.memory_space<hbm>> -> memref<2000xf32, #tpu.memory_space<hbm>>
        tpu.wait_dma2 semaphore(%run_scoped3A : memref<!tpu.dma_semaphore, #tpu.memory_space<semaphore_mem>>) src(%arg15 : memref<2000xf32, #tpu.memory_space<vmem>>) dst(%dma_wait3A_158 : memref<2000xf32, #tpu.memory_space<hbm>>)
        tpu.yield
      }) : () -> ()
    } else {
    }
    return
  }
}

</mosaic_0001>

<sc_bundles>
// kernel: kernel.3.cloned.1.call-start
scs
__scs_entry_jumppad:
0x0: {  	(pc) =	sbr.rel $0x88, $3  }
0x1: {  	(tag) =	ssettag $0x0;
	lr =	simm.s32 $0x1  }
0x2: {  	[smem:$0x3F9F] =	sst lr;
	_ =	strace $0xD0000000  }
0x3: {  	_ = 	snop  }
0x4: {  	_ = 	snop  }
0x5: {  	_ = 	snop  }
0x6: {  	_ = 	snop  }
0x7: {  	_ = 	snop  }
__scs_overlays_trampoline_lowered:
0x8: {  	[smem:$0x3FAE] =	sst s0  }
0x9: {  	[smem:$0x3FAF] =	sst s1  }
0xa: {  	[smem:$0x3FB0] =	sst s2  }
0xb: {  	[smem:$0x3FB1] =	sst s3  }
0xc: {  	[smem:$0x3FB2] =	sst s4  }
0xd: {  	[smem:$0x3FB3] =	sst s5  }
0xe: {  	[smem:$0x3FB4] =	sst s6  }
0xf: {  	[smem:$0x3FB5] =	sst s7  }
0x10: {  	[smem:$0x3FB6] =	sst s8  }
0x11: {  	[smem:$0x3FB7] =	sst s9;
	s0 =	simm.s32 @!p0 $0x0  }
0x12: {  	s1 =	sld [smem:$0x3F9D];
	s0 =	simm.s32 @p0 $0x1  }
0x13: {  	[smem:$0x3FB8] =	sst s0;
	s0 =	simm.s32 @!p1 $0x0  }
0x14: {  	s2 =	sld [smem:$0x3F9C];
	s0 =	simm.s32 @p1 $0x1  }
0x15: {  	[smem:$0x3FB9] =	sst s0;
	s0 =	simm.s32 @!p2 $0x0  }
0x16: {  	s3 =	sld [smem:$0x3FDB];
	s0 =	simm.s32 @p2 $0x1  }
0x17: {  	s4 =	simm.s32 $0x1BF5;
	[smem:$0x3FBB] =	sst s0  }
0x18: {  	s0 =	sld [smem:$0x3F9E];
	_ =	swait.ge [sflag:s4], $0x0  }
0x19: {  	s7 =	sld [smem:$0x3F9F]  }
0x1a: {  	s8 =	sadd.s32 $0xFFFFE003, lr  }
0x1b: {  	s9 =	sadd.s32 $0xFFFFFEF7, lr;
	s5 =	simm.s32 $0xFFFFFFFF;
	p2 =	slt.u32 s8, $0xFFFFF086  }
0x1c: {  	p1 =	slt.u32 s9, $0xF7A;
	s5 =	simm.s32 @!p2 $0x0  }
0x1d: {  	s5 =	simm.s32 @p1 $0x1;
	p0 =	seq.s32 s7, s2  }
0x1e: {  	s7 =	smul.u32 @!p0 $0xF7A, s2;
	p2 =	seq.s32 @!p0 s5, $0x0  }
0x1f: {  	s9 =	smul.u32 $0xF7A, s1;
	s8 =	simm.s32 @!p0 $0x1BF5;
	p2 =	por !p2, p0  }
0x20: {  	[sflag:s8] =	ssyncset.s32 @!p0 $0xFFFFF086;
	s6 =	sadd.s32 @!p0 s3, s7;
	s7 =	simm.s32 @!p0 $0x108  }
0x21: {  	s3 =	sadd.s32 s3, s9;
	s6 =	sadd.s32 @!p0 $0x88, s6;
	s7 =	simm.s32 @p2 $0x1082  }
0x22: {  	[simem:s7], [sflag:s8] =	dma.local @!p0 [hbm:s6], $0xF7A  }
0x23: {  	s9 =	sor.u32 $0xD0000000, s2;
	s6 =	simm.s32 $0x108;
	_ =	swait.ge @!p0 [sflag:s8], $0x0  }
0x24: {  	s3 =	sadd.s32 $0x88, s3;
	s6 =	simm.s32 @!p1 $0x1082;
	[sflag:s4] =	ssyncset.s32 $0xFFFFF086  }
0x25: {  	[simem:s6], [sflag:s4] =	dma.local [hbm:s3], $0xF7A  }
0x26: {  	[smem:$0x3F9F] =	sst s1;
	(tag) =	ssettag s2;
	_ =	strace s9  }
0x27: {  	s1 =	sld [smem:$0x3FAF]  }
0x28: {  	s2 =	sld [smem:$0x3FB0]  }
0x29: {  	s4 =	sld [smem:$0x3FB2]  }
0x2a: {  	p0 =	seq.s32 s5, $0x0;
	s5 =	sld [smem:$0x3FB3]  }
0x2b: {  	s6 =	sld [smem:$0x3FB4]  }
0x2c: {  	s7 =	sld [smem:$0x3FB5]  }
0x2d: {  	s3 =	simm.s32 $0x108;
	s8 =	sld [smem:$0x3FB6]  }
0x2e: {  	s3 =	simm.s32 @!p0 $0x1082;
	s9 =	sld [smem:$0x3FB7]  }
0x2f: {  	lr =	sadd.s32 s0, s3;
	s0 =	sld [smem:$0x3FAE]  }
0x30: {  	s3 =	sld [smem:$0x3FB1]  }
0x31: {  	[smem:$0x3FBA] =	sst s10  }
0x32: {  	s10 =	sld [smem:$0x3FB8];
	_ =	sdelay $0x3  }
0x33: {  	p0 =	seq.s32 s10, $0x1;
	s10 =	sld [smem:$0x3FBA];
	_ =	sdelay $0x3  }
0x34: {  	[smem:$0x3FBA] =	sst s10  }
0x35: {  	s10 =	sld [smem:$0x3FB9];
	_ =	sdelay $0x3  }
0x36: {  	p1 =	seq.s32 s10, $0x1;
	s10 =	sld [smem:$0x3FBA];
	_ =	sdelay $0x3  }
0x37: {  	[smem:$0x3FBA] =	sst s10  }
0x38: {  	s10 =	sld [smem:$0x3FBB]  }
0x39: {  	_ = 	snop;
	(pc) =	sbr.ind lr, $3  }
0x3a: {  	_ = 	snop  }
0x3b: {  	_ = 	snop  }
0x3c: {  	p2 =	seq.s32 s10, $0x1;
	s10 =	sld [smem:$0x3FBA]  }
0x3d: {  	_ =	shalt  }
0x3e: {  	_ =	shalt  }
0x3f: {  	_ =	shalt  }
0x40: {  	_ =	shalt  }
0x41: {  	_ =	shalt  }
0x42: {  	_ =	shalt  }
0x43: {  	_ =	shalt  }
0x44: {  	_ =	shalt  }
0x45: {  	_ =	shalt  }
0x46: {  	_ =	shalt  }
0x47: {  	_ =	shalt  }
0x48: {  	_ =	shalt  }
0x49: {  	_ =	shalt  }
0x4a: {  	_ =	shalt  }
0x4b: {  	_ =	shalt  }
0x4c: {  	_ =	shalt  }
0x4d: {  	_ =	shalt  }
0x4e: {  	_ =	shalt  }
0x4f: {  	_ =	shalt  }
0x50: {  	_ =	shalt  }
0x51: {  	_ =	shalt  }
0x52: {  	_ =	shalt  }
0x53: {  	_ =	shalt  }
0x54: {  	_ =	shalt  }
0x55: {  	_ =	shalt  }
0x56: {  	_ =	shalt  }
0x57: {  	_ =	shalt  }
0x58: {  	_ =	shalt  }
0x59: {  	_ =	shalt  }
0x5a: {  	_ =	shalt  }
0x5b: {  	_ =	shalt  }
0x5c: {  	_ =	shalt  }
0x5d: {  	_ =	shalt  }
0x5e: {  	_ =	shalt  }
0x5f: {  	_ =	shalt  }
0x60: {  	_ =	shalt  }
0x61: {  	_ =	shalt  }
0x62: {  	_ =	shalt  }
0x63: {  	_ =	shalt  }
0x64: {  	_ =	shalt  }
0x65: {  	_ =	shalt  }
0x66: {  	_ =	shalt  }
0x67: {  	_ =	shalt  }
0x68: {  	_ =	shalt  }
0x69: {  	_ =	shalt  }
0x6a: {  	_ =	shalt  }
0x6b: {  	_ =	shalt  }
0x6c: {  	_ =	shalt  }
0x6d: {  	_ =	shalt  }
0x6e: {  	_ =	shalt  }
0x6f: {  	_ =	shalt  }
0x70: {  	_ =	shalt  }
0x71: {  	_ =	shalt  }
0x72: {  	_ =	shalt  }
0x73: {  	_ =	shalt  }
0x74: {  	_ =	shalt  }
0x75: {  	_ =	shalt  }
0x76: {  	_ =	shalt  }
0x77: {  	_ =	shalt  }
0x78: {  	_ =	shalt  }
0x79: {  	_ =	shalt  }
0x7a: {  	_ =	shalt  }
0x7b: {  	_ =	shalt  }
0x7c: {  	_ =	shalt  }
0x7d: {  	_ =	shalt  }
0x7e: {  	_ =	shalt  }
0x7f: {  	_ =	shalt  }
0x80: {  	_ =	shalt  }
0x81: {  	_ =	shalt  }
0x82: {  	_ =	shalt  }
0x83: {  	_ =	shalt  }
0x84: {  	_ =	shalt  }
0x85: {  	_ =	shalt  }
0x86: {  	_ =	shalt  }
0x87: {  	_ =	shalt  }
.Lfunc_end0:
.L_simem_size_0:
called_computation_lowered:
.L_overlay_start_0:
0x88: {  	s2 =	sld [smem:$0x3FD9]  }
0x89: {  	s3 =	sld [smem:$0x3FFE];
	_ =	sdelay $0x1  }
0x8a: {  	s1 =	srdreg.scid  }
0x8b: {  	s0 =	sand.u32 $0x1, s1  }
0x8c: {  	s17 =	sshll.u32 s0, $0xA;
	s2 =	sadd.s32 s3, s2  }
0x8d: {  	s2 =	sadd.s32 s2, s17  }
0x8e: {  	[smem:$0x3FC6] =	sst s2  }
0x8f: {  	_ = 	snop  }
0x90: {  	s2 =	sld [smem:$0x3FC9]  }
0x91: {  	s18 =	sld [smem:$0x3FD0];
	(tm) =	ssettm $0x1  }
0x92: {  	s4 =	sld [smem:$0x3FFB];
	_ =	sdelay $0x3  }
0x93: {  	_ =	strace s4  }
0x94: {  	s4 =	sld [smem:$0x3FFC];
	_ =	sdelay $0x3  }
0x95: {  	_ =	strace s4  }
0x96: {  	s4 =	sld [smem:$0x3FFD];
	_ =	sdelay $0x3  }
0x97: {  	_ =	strace s4  }
0x98: {  	_ =	strace $0x8FFFFFFF  }
0x99: {  	s19 =	sld [smem:$0x3FDB];
	_ =	sdelay $0x1  }
0x9a: {  	s5 =	simm.s32 $_scs_section_size  }
0x9b: {  	s6 =	simm.s32 $_size__tile_overlayer_lowered;
	s7 =	simm.s32 $_tile_overlayer_lowered  }
0x9c: {  	s22 =	simm.s32 $0x1BFF;
	s21 =	sshll.u32 s7, $0x1;
	s4 =	sadd.s32 s5, s19  }
0x9d: {  	s8 =	simm.s32 $0x0;
	s20 =	sshll.u32 s6, $0x1;
	s6 =	sadd.s32 s21, s4  }
0x9e: {  	[timem:s8], [sflag:s22] =	dma.local [hbm:s6], s20  }
0x9f: {  	_ =	swait.ge [sflag:s22], s20  }
0xa0: {  	s5 =	ssub.s32 $0x0, s20;
	[sflag:s22] =	ssyncset.done $0x0  }
0xa1: {  	[sflag:s22] =	ssyncadd.s32 s5;
	_ =	sdelay $0x1  }
0xa2: {  	s23 =	simm.s32 $0x1B8B  }
0xa3: {  	_ =	swait.ge [sflag:s23], $0x1  }
0xa4: {  	[sflag:s23] =	ssyncset.done $0x0  }
0xa5: {  	s25 =	simm.s32 $0x1B8E;
	s24 =	sld [smem:$0x3FFE];
	[sflag:s23] =	ssyncadd.s32 $0xFFFFFFFF  }
0xa6: {  	s26 =	simm.s32 $execute0_lowered;
	[smem:$0x3FD2] =	sst s25  }
0xa7: {  	s6 =	sshll.u32 s26, $0x1;
	_ =	strace $0x80000046;
	[dreg:$0x1] =	wrdreg $0xFFFFFFFF  }
0xa8: {  	s28 =	simm.s32 $_size_execute0_lowered;
	s4 =	sadd.s32 s4, s6;
	[dreg:$0x0] =	wrdreg $0x0  }
0xa9: {  	s6 =	sshll.u32 s28, $0x1;
	[dreg:$0x2] =	wrdreg s4  }
0xaa: {  	[dreg:$0x3] =	wrdreg s6  }
0xab: {  	[dreg:$0x4] =	wrdreg $0xC0  }
0xac: {  	_ =	task [dreg:s8], $0x5FFFF  }
0xad: {  	[dreg:$0x1] =	wrdreg $0xFFFFFFFF  }
0xae: {  	[dreg:$0x0] =	wrdreg $0x60  }
0xaf: {  	[dreg:$0x2] =	wrdreg s2  }
0xb0: {  	[dreg:$0x3] =	wrdreg s24  }
0xb1: {  	[dreg:$0x4] =	wrdreg s18  }
0xb2: {  	[dreg:$0x5] =	wrdreg $0x0  }
0xb3: {  	[dreg:$0x6] =	wrdreg $0x9  }
0xb4: {  	_ =	task.clear_ibuf [dreg:s8], $0x7FFFF;
	_ =	strace $0x90000046  }
0xb5: {  	s29 =	simm.s32 $0x9;
	_ =	strace $0x80000048  }
0xb6: {  	_ =	swait.ge [sflag:s29], $0x1  }
0xb7: {  	[sflag:s29] =	ssyncadd.s32 $0xFFFFFFFF  }
0xb8: {  	_ =	strace $0x90000048  }
0xb9: {  	_ =	sfence  }
0xba: {  	s30 =	sld [smem:$0x0];
	_ =	sdelay $0x2  }
0xbb: {  	s31 =	sshll.u32 s1, $0xD;
	s1 =	sshrl.u32 s1, $0x2  }
0xbc: {  	s3 =	sand.u32 $0x4000, s31;
	s1 =	sadd.s32 s1, s30  }
0xbd: {  	s0 =	sor.u32 s3, s0;
	s1 =	sshll.u32 s1, $0x11  }
0xbe: {  	s0 =	sor.u32 s1, s0  }
0xbf: {  	s0 =	sadd.s32 $0x8F2B, s0  }
0xc0: {  	[sflag:s0] =	ssyncadd.remote.s32 $0x1  }
0xc1: {  	_ =	sfence.sel $0xFFFF  }
0xc2: {  	[dreg:$0x0] =	wrdreg $0xFFFFFFFF;
	(pc) =	sbr.abs _section_cstart, $3  }
0xc3: {  	[dreg:$0x1] =	wrdreg $0xFFFFFFFF  }
0xc4: {  	_ =	task.clear_ibuf [dreg:s8], $0x2FFFF;
	_ =	strace $0x9FFFFFFF  }
0xc5: {  	(tm) =	ssettm $0x7FFFFFFF  }
tec
execute0_lowered:
.L_overlay_start_1:
0x0: {  	(tag) =	ssettag $0x1  }
0x1: {  	s0 =	rddreg [dreg:$0x0]  }
0x2: {  	s23 =	rddreg [dreg:$0x1]  }
0x3: {  	s26 =	rddreg [dreg:$0x2];
	s3 =	srdreg.scid  }
0x4: {  	s7 =	stileid.u32;
	s4 =	rddreg [dreg:$0x3]  }
0x5: {  	s5 =	simm.s32 $0x0;
	s28 =	simm.s32 $0x1;
	s29 =	simm.s32 $0x50  }
0x6: {  	s30 =	simm.s32 $0x13A80;
	s31 =	simm.s32 $0x16280;
	s3 =	sand.u32 $0x1, s3  }
0x7: {  	s6 =	sshll.u32 s7, $0x1;
	[smem:$0x7FF] =	sst s5;
	s11 =	smul.u32 $0x4E000, s7  }
0x8: {  	s12 =	smul.u32 $0x2700, s7;
	s17 =	sshll.u32 s7, $0x6;
	s20 =	sadd.s32 $0x27000, s0  }
0x9: {  	p0 =	sne.s32 s7, $0x0;
	s7 =	simm.s32 $0x18A80;
	s6 =	sor.u32 s3, s6  }
0xa: {  	s3 =	ssub.s32 $0x2, s3;
	_ =	strace $0x80000047;
	s19 =	sor.u32 $0x1C07, s17  }
0xb: {  	[dreg:$0xb] =	wrdreg s20;
	s20 =	simm.s32 $0x13880;
	s8 =	smul.u32 $0x2710, s6  }
0xc: {  	s9 =	sshrl.u32 s3, $0x1;
	s6 =	sadd.s32 $0x9E00, s23;
	s16 =	sshrl.u32 s11, $0x2  }
0xd: {  	s18 =	sadd.s32 s0, s12;
	[dreg:$0xa] =	wrdreg s19;
	s11 =	sadd.s32 $0x138000, s4  }
0xe: {  	s3 =	ssub.s32 s3, s9;
	[dreg:$0x9] =	wrdreg s18;
	s2 =	sshrl.u32 s8, $0x3  }
0xf: {  	s21 =	sadd.s32 $0xA0, s8;
	s17 =	sadd.s32 $0xFFFFF8D0, s8;
	s24 =	smax.u32 s3, $0x1  }
0x10: {  	s3 =	simm.s32 $0x2;
	s1 =	sadd.s32 s6, s2;
	[dreg:$0xc] =	wrdreg s21  }
0x11: {  	s10 =	sadd.s32 $0xA, s2;
	s13 =	sadd.s32 s23, s2;
	[dreg:$0xe] =	wrdreg s24  }
0x12: {  	s9 =	sadd.s32 s26, s2;
	s21 =	simm.s32 $0x13900;
	[dreg:$0x5] =	wrdreg s1  }
0x13: {  	s2 =	simm.s32 $0x0;
	[dreg:$0x6] =	wrdreg s13;
	s14 =	sadd.s32 s6, s10  }
0x14: {  	s15 =	sadd.s32 s23, s10;
	s10 =	sadd.s32 s16, s4;
	s16 =	sadd.s32 $0xF0, s8  }
0x15: {  	s22 =	sadd.s32 $0x3E8, s9;
	s1 =	sshrl.u32 @!p0 s11, $0x3;
	[dreg:$0x7] =	wrdreg s14  }
0x16: {  	v0 =	vlaneseq.u32;
	s9 =	simm.s32 $0x3;
	s11 =	simm.s32 $0x5;
	[dreg:$0x8] =	wrdreg s15  }
0x17: {  	v1 =	vmul.u32 $0x80, v0;
	s13 =	simm.s32 $0x6;
	s15 =	sadd.s32 $0xFFFFF880, s8;
	[dreg:$0xd] =	wrdreg s22  }
0x18: {  	s25 =	sshrl.u32 s10, $0x3;
	[dreg:$0x10] =	wrdreg s1;
	s14 =	simm.s32 $0x7  }
0x19: {  	v2 =	vor.u32 $0x800, v1;
	v3 =	vor.u32 $0x1000, v1;
	v4 =	vor.u32 $0x1800, v1;
	s8 =	simm.s32 $0x1B280;
	s10 =	simm.s32 $0x4;
	[dreg:$0xf] =	wrdreg s25  }
.LBB2_1:
0x1a: {  	[dreg:$0x11] =	wrdreg s2  }
0x1b: {  	s1 =	rddreg [dreg:$0x5]  }
0x1c: {  	s12 =	rddreg [dreg:$0x6]  }
0x1d: {  	s18 =	rddreg [dreg:$0x7]  }
0x1e: {  	s22 =	rddreg [dreg:$0x8]  }
0x1f: {  	[tilespmem:s20], [sflag:$0x1] =	stream.linear.gather [hbm4b:s1+s5], $0x50, $0x38;
	[tilespmem:$0x1E280] =	vst v63  }
0x20: {  	s25 =	rddreg [dreg:$0x9]  }
0x21: {  	[tilespmem:s21], [sflag:$0x1] =	stream.linear.gather [hbm4b:s12+s5], $0x50, $0x38;
	[tilespmem:$0x1E280] =	vst v63  }
0x22: {  	s19 =	simm.s32 $0x13980;
	s2 =	rddreg [dreg:$0xa]  }
0x23: {  	[tilespmem:s19], [sflag:$0x2] =	stream.linear.gather [hbm4b:s18+s5], $0x50, $0x38;
	[tilespmem:$0x1E280] =	vst v63  }
0x24: {  	s24 =	simm.s32 $0x13A00;
	s12 =	rddreg [dreg:$0xf]  }
0x25: {  	[tilespmem:s24], [sflag:$0x2] =	stream.linear.gather [hbm4b:s22+s5], $0x50, $0x38;
	[tilespmem:$0x1E280] =	vst v63  }
0x26: {  	[spmem:s12], [sflag:s2] =	dma.local [hbm:s25], $0x2700  }
0x27: {  	_ =	swait.ge [sflag:s14], $0x2700  }
0x28: {  	[sflag:s14] =	ssyncset.done $0x0;
	s1 =	rddreg [dreg:$0xb]  }
0x29: {  	s12 =	rddreg [dreg:$0x10];
	[sflag:s14] =	ssyncadd.s32 $0xFFFFD900  }
0x2a: {  	[spmem:s12], [sflag:s2] =	dma.local @!p0 [hbm:s1], $0x100  }
0x2b: {  	s12 =	simm.s32 @!p0 $0x7  }
0x2c: {  	_ =	swait.ge @!p0 [sflag:s12], $0x100  }
0x2d: {  	[sflag:s12] =	ssyncset.done @!p0 $0x0  }
0x2e: {  	[sflag:s12] =	ssyncadd.s32 @!p0 $0xFFFFFF00  }
0x2f: {  	[bflag:$0x0] =	sbarrier.arrive $0xFFFF  }
0x30: {  	_ =	swait.ge [sflag:s28], $0x50  }
0x31: {  	[sflag:s28] =	ssyncset.done $0x0  }
0x32: {  	[sflag:s28] =	ssyncadd.s32 $0xFFFFFFB0  }
0x33: {  	_ =	swait.ge [sflag:s28], $0x50  }
0x34: {  	[sflag:s28] =	ssyncset.done $0x0  }
0x35: {  	[sflag:s28] =	ssyncadd.s32 $0xFFFFFFB0  }
0x36: {  	[tilespmem:s30], [sflag:$0x3] =	stream.indirect.gather [spmem:s4], $0x80, s20, s29, $0xb8;
	[tilespmem:$0x1E280] =	vst v63  }
0x37: {  	s19 =	simm.s32 $0x0  }
0x38: {  	[tilespmem:s31], [sflag:$0x4] =	stream.indirect.gather [hbm4b:s0+s29], $0x80, s21, s29, $0xb8;
	[tilespmem:$0x1E280] =	vst v63  }
.LBB2_2:
0x39: {  	_ =	swait.ge [sflag:s3], $0x50  }
0x3a: {  	[sflag:s3] =	ssyncset.done $0x0  }
0x3b: {  	[sflag:s3] =	ssyncadd.s32 $0xFFFFFFB0  }
0x3c: {  	_ =	swait.ge [sflag:s3], $0x50  }
0x3d: {  	[sflag:s3] =	ssyncset.done $0x0  }
0x3e: {  	s2 =	simm.s32 $0x13980;
	[sflag:s3] =	ssyncadd.s32 $0xFFFFFFB0  }
0x3f: {  	[tilespmem:s7], [sflag:$0x5] =	stream.indirect.gather [spmem:s4], $0x80, s2, s29, $0xb8;
	[tilespmem:$0x1E280] =	vst v63  }
0x40: {  	s18 =	simm.s32 $0x13A00  }
0x41: {  	[tilespmem:s8], [sflag:$0x6] =	stream.indirect.gather [hbm4b:s0+s29], $0x80, s18, s29, $0xb8;
	[tilespmem:$0x1E280] =	vst v63  }
0x42: {  	_ =	swait.ge [sflag:s9], $0x2800  }
0x43: {  	[sflag:s9] =	ssyncset.done $0x0  }
0x44: {  	[sflag:s9] =	ssyncadd.s32 $0xFFFFD800  }
0x45: {  	s24 =	smul.u32 $0xA0, s19;
	s12 =	simm.s32 $0x7;
	_ =	swait.ge [sflag:s10], $0x2800  }
0x46: {  	v5 =	vadd.s32 s12, v0;
	s22 =	rddreg [dreg:$0xc]  }
0x47: {  	v5 =	vand.u32 $0x7F, v5;
	s18 =	simm.s32 $0x6;
	s25 =	sadd.s32 s24, s22  }
0x48: {  	s1 =	smov.u32 s26;
	v5 =	vor.u32 v1, v5;
	v6 =	vadd.s32 s18, v0;
	[sflag:s10] =	ssyncset.done $0x0;
	s12 =	sshrl.u32 s25, $0x3  }
0x49: {  	v6 =	vand.u32 $0x7F, v6;
	[sflag:s10] =	ssyncadd.s32 $0xFFFFD800;
	s25 =	simm.s32 $0x5;
	s26 =	sadd.s32 s6, s12  }
0x4a: {  	v8 =	vor.u32 v1, v6;
	v7 =	vadd.s32 s25, v0;
	[tilespmem:s20], [sflag:$0x1] =	stream.linear.gather [hbm4b:s26+s5], $0x50, $0x38;
	[tilespmem:$0x1E280] =	vst v63  }
0x4b: {  	s2 =	simm.s32 $0x4;
	s12 =	sadd.s32 s23, s12;
	v6 =	vand.u32 $0x7F, v7  }
0x4c: {  	v7 =	vadd.s32 s2, v0;
	v10 =	vor.u32 v1, v6;
	[tilespmem:s21], [sflag:$0x1] =	stream.linear.gather [hbm4b:s12+s5], $0x50, $0x38;
	[tilespmem:$0x1E280] =	vst v63  }
0x4d: {  	s22 =	simm.s32 $0x3;
	v7 =	vand.u32 $0x7F, v7;
	v6 =	vld.idx.msk [tilespmem:v5+s30+$0x0], $0xffff  }
0x4e: {  	v13 =	vor.u32 v1, v7;
	v7 =	vadd.s32 s22, v0;
	v9 =	vld.idx.msk [tilespmem:v5+s31+$0x0], $0xffff  }
0x4f: {  	s14 =	smov.u32 s23;
	v15 =	vimm.f32 $0.0e+00;
	s23 =	simm.s32 $0x2;
	v11 =	vld.idx.msk [tilespmem:v8+s30+$0x0], $0xffff;
	v7 =	vand.u32 $0x7F, v7  }
0x50: {  	v16 =	vimm.f32 $0.0e+00;
	s25 =	simm.s32 $0x1;
	v12 =	vadd.s32 s23, v0;
	s26 =	simm.s32 $0x0;
	v14 =	vld.idx.msk [tilespmem:v8+s31+$0x0], $0xffff;
	v21 =	vor.u32 v1, v7  }
0x51: {  	v12 =	vand.u32 $0x7F, v12;
	v24 =	vadd.s32 s26, v0;
	v8 =	vadd.s32 s25, v0;
	v17 =	vld.idx.msk [tilespmem:v10+s30+$0x0], $0xffff  }
0x52: {  	v22 =	vor.u32 v1, v12;
	v12 =	vimm.f32 $0.0e+00;
	v7 =	vand.u32 $0x7F, v8;
	v18 =	vld.idx.msk [tilespmem:v10+s31+$0x0], $0xffff  }
0x53: {  	v5 =	vimm.f32 $0.0e+00;
	v8 =	vimm.f32 $0.0e+00;
	v23 =	vor.u32 v1, v7;
	v19 =	vld.idx.msk [tilespmem:v13+s30+$0x0], $0xffff  }
0x54: {  	s12 =	simm.s32 $0xF;
	v7 =	vimm.f32 $0.0e+00;
	v10 =	vimm.f32 $0.0e+00;
	v20 =	vld.idx.msk [tilespmem:v13+s31+$0x0], $0xffff;
	v13 =	vimm.f32 $0.0e+00  }
.LBB2_3:
0x55: {  	p1 =	sne.s32 s12, $0x7F;
	v24 =	vand.u32 $0x7F, v24;
	v25 =	vld.idx.msk [tilespmem:v21+s30+$0x0], $0xffff  }
0x56: {  	v26 =	vadd.s32 s12, v0;
	v24 =	vor.u32 v1, v24;
	v27 =	vld.idx.msk [tilespmem:v21+s31+$0x0], $0xffff  }
0x57: {  	s18 =	sadd.s32 $0xFFFFFFFF, s12;
	v21 =	vand.u32 $0x7F, v26;
	v26 =	vld.idx.msk [tilespmem:v22+s30+$0x0], $0xffff  }
0x58: {  	v28 =	vadd.s32 s18, v0;
	v21 =	vor.u32 v1, v21;
	v29 =	vld.idx.msk [tilespmem:v22+s31+$0x0], $0xffff  }
0x59: {  	v6 =	vmul.f32 v9, v6;
	s18 =	sadd.s32 $0xFFFFFFFE, s12;
	v22 =	vand.u32 $0x7F, v28;
	v28 =	vld.idx.msk [tilespmem:v23+s30+$0x0], $0xffff  }
0x5a: {  	v9 =	vadd.s32 s18, v0;
	v22 =	vor.u32 v1, v22;
	v23 =	vld.idx.msk [tilespmem:v23+s31+$0x0], $0xffff  }
0x5b: {  	v11 =	vmul.f32 v14, v11;
	s18 =	sadd.s32 $0xFFFFFFFD, s12;
	v5 =	vadd.f32 v6, v5;
	v9 =	vand.u32 $0x7F, v9;
	v30 =	vld.idx.msk [tilespmem:v24+s30+$0x0], $0xffff  }
0x5c: {  	v14 =	vmul.f32 v18, v17;
	v6 =	vadd.s32 s18, v0;
	v31 =	vor.u32 v1, v9;
	v24 =	vld.idx.msk [tilespmem:v24+s31+$0x0], $0xffff  }
0x5d: {  	v7 =	vadd.f32 v11, v7;
	s18 =	sadd.s32 $0xFFFFFFFC, s12;
	v9 =	vand.u32 $0x7F, v6;
	v17 =	vmul.f32 v20, v19;
	v6 =	vld.idx.msk [tilespmem:v21+s30+$0x0], $0xffff  }
0x5e: {  	s25 =	sadd.s32 $0xFFFFFFFB, s12;
	v11 =	vadd.s32 s18, v0;
	v8 =	vadd.f32 v14, v8;
	v20 =	vor.u32 v1, v9;
	v9 =	vld.idx.msk [tilespmem:v21+s31+$0x0], $0xffff  }
0x5f: {  	v14 =	vadd.s32 s25, v0;
	v18 =	vand.u32 $0x7F, v11;
	v10 =	vadd.f32 v17, v10;
	v11 =	vld.idx.msk [tilespmem:v22+s30+$0x0], $0xffff  }
.Ltmp0:
0x60: {  	s18 =	sadd.s32 $0xFFFFFFFA, s12;
	v17 =	vand.u32 $0x7F, v14;
	v25 =	vmul.f32 v27, v25;
	v21 =	vor.u32 v1, v18;
	v14 =	vld.idx.msk [tilespmem:v22+s31+$0x0], $0xffff;
	(pc) =	sbr.rel @p1 .LBB2_3-.Ltmp0, $4  }
0x61: {  	v26 =	vmul.f32 v29, v26;
	v18 =	vadd.s32 s18, v0;
	v22 =	vor.u32 v1, v17;
	v17 =	vld.idx.msk [tilespmem:v31+s30+$0x0], $0xffff  }
0x62: {  	v19 =	vand.u32 $0x7F, v18;
	v28 =	vmul.f32 v23, v28;
	v27 =	vmul.f32 v24, v30;
	v18 =	vld.idx.msk [tilespmem:v31+s31+$0x0], $0xffff  }
0x63: {  	v13 =	vadd.f32 v25, v13;
	s18 =	sadd.s32 $0xFFFFFFF9, s12;
	v12 =	vadd.f32 v26, v12;
	v23 =	vor.u32 v1, v19;
	v19 =	vld.idx.msk [tilespmem:v20+s30+$0x0], $0xffff  }
0x64: {  	s12 =	sadd.s32 $0x8, s12;
	v24 =	vadd.s32 s18, v0;
	v16 =	vadd.f32 v28, v16;
	v15 =	vadd.f32 v27, v15;
	v20 =	vld.idx.msk [tilespmem:v20+s31+$0x0], $0xffff  }
0x65: {  	v24 =	vand.u32 $0x7F, v24  }
0x66: {  	v24 =	vor.u32 v1, v24;
	_ =	sdelay $0x2  }
0x67: {  	v25 =	vld.idx.msk [tilespmem:v23+s30+$0x0], $0xffff  }
0x68: {  	v23 =	vld.idx.msk [tilespmem:v23+s31+$0x0], $0xffff  }
0x69: {  	v26 =	vld.idx.msk [tilespmem:v24+s30+$0x0], $0xffff  }
0x6a: {  	v24 =	vld.idx.msk [tilespmem:v24+s31+$0x0], $0xffff  }
0x6b: {  	v27 =	vld.idx.msk [tilespmem:v22+s30+$0x0], $0xffff  }
0x6c: {  	v22 =	vld.idx.msk [tilespmem:v22+s31+$0x0], $0xffff  }
0x6d: {  	v28 =	vld.idx.msk [tilespmem:v21+s30+$0x0], $0xffff  }
0x6e: {  	v21 =	vld.idx.msk [tilespmem:v21+s31+$0x0], $0xffff  }
0x6f: {  	v23 =	vmul.f32 v23, v25;
	v24 =	vmul.f32 v24, v26;
	_ =	sdelay $0x1  }
0x70: {  	v22 =	vmul.f32 v22, v27;
	v16 =	vadd.f32 v23, v16;
	v15 =	vadd.f32 v24, v15;
	_ =	sdelay $0x1  }
0x71: {  	v21 =	vmul.f32 v21, v28;
	v12 =	vadd.f32 v22, v12;
	v15 =	vadd.f32 v16, v15;
	_ =	sdelay $0x1  }
0x72: {  	v13 =	vadd.f32 v21, v13;
	v16 =	vmul.f32 v20, v19;
	v12 =	vadd.f32 v12, v15  }
0x73: {  	s12 =	smul.u32 $0x52, s19  }
0x74: {  	v15 =	vmul.f32 v18, v17;
	v10 =	vadd.f32 v16, v10;
	v12 =	vadd.f32 v13, v12  }
0x75: {  	s12 =	sshrl.u32 s12, $0xA  }
0x76: {  	v11 =	vmul.f32 v14, v11;
	s12 =	sand.u32 $0x3F, s12;
	v8 =	vadd.f32 v15, v8;
	v10 =	vadd.f32 v10, v12  }
0x77: {  	v6 =	vmul.f32 v9, v6;
	s18 =	simm.s32 $0x7;
	s12 =	smul.u32 $0x19, s12  }
0x78: {  	s25 =	sshll.u32 s19, $0x1;
	v9 =	vadd.s32 s18, v0;
	v7 =	vadd.f32 v11, v7;
	v8 =	vadd.f32 v8, v10  }
0x79: {  	s2 =	simm.s32 $0x6;
	v5 =	vadd.f32 v6, v5;
	v6 =	vand.u32 $0x7F, v9;
	s12 =	ssub.s32 s25, s12  }
0x7a: {  	v9 =	vor.u32 v2, v6;
	s12 =	sand.u32 $0xFF, s12;
	v7 =	vadd.f32 v7, v8;
	v8 =	vadd.s32 s2, v0  }
0x7b: {  	s26 =	simm.s32 $0x5;
	s22 =	smul.u32 $0x140, s12;
	v6 =	vand.u32 $0x7F, v8  }
0x7c: {  	v5 =	vadd.f32 v5, v7;
	v7 =	vadd.s32 s26, v0;
	v8 =	vor.u32 v2, v6  }
0x7d: {  	s23 =	simm.s32 $0x4;
	s26 =	sshrl.u32 s22, $0x2;
	v6 =	vand.u32 $0x7F, v7  }
0x7e: {  	[tilespmem:s26+$0x1DA80] =	vst v5;
	v5 =	vadd.s32 s23, v0;
	v7 =	vor.u32 v2, v6  }
0x7f: {  	s2 =	simm.s32 $0x3;
	v5 =	vand.u32 $0x7F, v5;
	v6 =	vld.idx.msk [tilespmem:v9+s30+$0x0], $0xffff  }
0x80: {  	v10 =	vadd.s32 s2, v0;
	v9 =	vld.idx.msk [tilespmem:v9+s31+$0x0], $0xffff;
	v13 =	vor.u32 v2, v5  }
0x81: {  	v16 =	vimm.f32 $0.0e+00;
	s22 =	simm.s32 $0x2;
	v10 =	vand.u32 $0x7F, v10;
	v11 =	vld.idx.msk [tilespmem:v8+s30+$0x0], $0xffff  }
0x82: {  	v15 =	vimm.f32 $0.0e+00;
	v12 =	vadd.s32 s22, v0;
	s22 =	simm.s32 $0x1;
	v21 =	vor.u32 v2, v10;
	v14 =	vld.idx.msk [tilespmem:v8+s31+$0x0], $0xffff  }
0x83: {  	v10 =	vimm.f32 $0.0e+00;
	v12 =	vand.u32 $0x7F, v12;
	s23 =	simm.s32 $0x0;
	v8 =	vadd.s32 s22, v0;
	v17 =	vld.idx.msk [tilespmem:v7+s30+$0x0], $0xffff  }
0x84: {  	v22 =	vor.u32 v2, v12;
	v24 =	vadd.s32 s23, v0;
	v8 =	vand.u32 $0x7F, v8;
	v18 =	vld.idx.msk [tilespmem:v7+s31+$0x0], $0xffff  }
0x85: {  	v12 =	vimm.f32 $0.0e+00;
	v5 =	vimm.f32 $0.0e+00;
	v23 =	vor.u32 v2, v8;
	v19 =	vld.idx.msk [tilespmem:v13+s30+$0x0], $0xffff  }
0x86: {  	s18 =	simm.s32 $0xF;
	v7 =	vimm.f32 $0.0e+00;
	v8 =	vimm.f32 $0.0e+00;
	v20 =	vld.idx.msk [tilespmem:v13+s31+$0x0], $0xffff;
	v13 =	vimm.f32 $0.0e+00  }
.LBB2_5:
0x87: {  	p1 =	sne.s32 s18, $0x7F;
	v24 =	vand.u32 $0x7F, v24;
	v25 =	vld.idx.msk [tilespmem:v21+s30+$0x0], $0xffff  }
0x88: {  	v26 =	vadd.s32 s18, v0;
	v24 =	vor.u32 v2, v24;
	v27 =	vld.idx.msk [tilespmem:v21+s31+$0x0], $0xffff  }
0x89: {  	s22 =	sadd.s32 $0xFFFFFFFF, s18;
	v21 =	vand.u32 $0x7F, v26;
	v26 =	vld.idx.msk [tilespmem:v22+s30+$0x0], $0xffff  }
0x8a: {  	v28 =	vadd.s32 s22, v0;
	v21 =	vor.u32 v2, v21;
	v29 =	vld.idx.msk [tilespmem:v22+s31+$0x0], $0xffff  }
0x8b: {  	v6 =	vmul.f32 v9, v6;
	s22 =	sadd.s32 $0xFFFFFFFE, s18;
	v22 =	vand.u32 $0x7F, v28;
	v28 =	vld.idx.msk [tilespmem:v23+s30+$0x0], $0xffff  }
0x8c: {  	v9 =	vadd.s32 s22, v0;
	v22 =	vor.u32 v2, v22;
	v23 =	vld.idx.msk [tilespmem:v23+s31+$0x0], $0xffff  }
0x8d: {  	v11 =	vmul.f32 v14, v11;
	s22 =	sadd.s32 $0xFFFFFFFD, s18;
	v5 =	vadd.f32 v6, v5;
	v9 =	vand.u32 $0x7F, v9;
	v30 =	vld.idx.msk [tilespmem:v24+s30+$0x0], $0xffff  }
0x8e: {  	v14 =	vmul.f32 v18, v17;
	v6 =	vadd.s32 s22, v0;
	v31 =	vor.u32 v2, v9;
	v24 =	vld.idx.msk [tilespmem:v24+s31+$0x0], $0xffff  }
0x8f: {  	v7 =	vadd.f32 v11, v7;
	s22 =	sadd.s32 $0xFFFFFFFC, s18;
	v9 =	vand.u32 $0x7F, v6;
	v17 =	vmul.f32 v20, v19;
	v6 =	vld.idx.msk [tilespmem:v21+s30+$0x0], $0xffff  }
0x90: {  	s23 =	sadd.s32 $0xFFFFFFFB, s18;
	v11 =	vadd.s32 s22, v0;
	v8 =	vadd.f32 v14, v8;
	v20 =	vor.u32 v2, v9;
	v9 =	vld.idx.msk [tilespmem:v21+s31+$0x0], $0xffff  }
0x91: {  	v14 =	vadd.s32 s23, v0;
	v18 =	vand.u32 $0x7F, v11;
	v10 =	vadd.f32 v17, v10;
	v11 =	vld.idx.msk [tilespmem:v22+s30+$0x0], $0xffff  }
.Ltmp1:
0x92: {  	s22 =	sadd.s32 $0xFFFFFFFA, s18;
	v17 =	vand.u32 $0x7F, v14;
	v25 =	vmul.f32 v27, v25;
	v21 =	vor.u32 v2, v18;
	v14 =	vld.idx.msk [tilespmem:v22+s31+$0x0], $0xffff;
	(pc) =	sbr.rel @p1 .LBB2_5-.Ltmp1, $4  }
0x93: {  	v26 =	vmul.f32 v29, v26;
	v18 =	vadd.s32 s22, v0;
	v22 =	vor.u32 v2, v17;
	v17 =	vld.idx.msk [tilespmem:v31+s30+$0x0], $0xffff  }
0x94: {  	v19 =	vand.u32 $0x7F, v18;
	v28 =	vmul.f32 v23, v28;
	v27 =	vmul.f32 v24, v30;
	v18 =	vld.idx.msk [tilespmem:v31+s31+$0x0], $0xffff  }
0x95: {  	v13 =	vadd.f32 v25, v13;
	s22 =	sadd.s32 $0xFFFFFFF9, s18;
	v12 =	vadd.f32 v26, v12;
	v23 =	vor.u32 v2, v19;
	v19 =	vld.idx.msk [tilespmem:v20+s30+$0x0], $0xffff  }
0x96: {  	s18 =	sadd.s32 $0x8, s18;
	v24 =	vadd.s32 s22, v0;
	v16 =	vadd.f32 v28, v16;
	v15 =	vadd.f32 v27, v15;
	v20 =	vld.idx.msk [tilespmem:v20+s31+$0x0], $0xffff  }
0x97: {  	v24 =	vand.u32 $0x7F, v24  }
0x98: {  	v24 =	vor.u32 v2, v24;
	_ =	sdelay $0x2  }
0x99: {  	v25 =	vld.idx.msk [tilespmem:v23+s30+$0x0], $0xffff  }
0x9a: {  	v23 =	vld.idx.msk [tilespmem:v23+s31+$0x0], $0xffff  }
0x9b: {  	v26 =	vld.idx.msk [tilespmem:v24+s30+$0x0], $0xffff  }
0x9c: {  	v24 =	vld.idx.msk [tilespmem:v24+s31+$0x0], $0xffff  }
0x9d: {  	v27 =	vld.idx.msk [tilespmem:v22+s30+$0x0], $0xffff  }
0x9e: {  	v22 =	vld.idx.msk [tilespmem:v22+s31+$0x0], $0xffff  }
0x9f: {  	v28 =	vld.idx.msk [tilespmem:v21+s30+$0x0], $0xffff  }
0xa0: {  	v21 =	vld.idx.msk [tilespmem:v21+s31+$0x0], $0xffff  }
0xa1: {  	v23 =	vmul.f32 v23, v25;
	v24 =	vmul.f32 v24, v26;
	_ =	sdelay $0x1  }
0xa2: {  	v22 =	vmul.f32 v22, v27;
	v16 =	vadd.f32 v23, v16;
	v15 =	vadd.f32 v24, v15;
	_ =	sdelay $0x1  }
0xa3: {  	v21 =	vmul.f32 v21, v28;
	v12 =	vadd.f32 v22, v12;
	v15 =	vadd.f32 v16, v15;
	_ =	sdelay $0x1  }
0xa4: {  	v13 =	vadd.f32 v21, v13;
	v16 =	vmul.f32 v20, v19;
	v12 =	vadd.f32 v12, v15;
	_ =	sdelay $0x1  }
0xa5: {  	v15 =	vmul.f32 v18, v17;
	v10 =	vadd.f32 v16, v10;
	v12 =	vadd.f32 v13, v12;
	_ =	sdelay $0x1  }
0xa6: {  	v11 =	vmul.f32 v14, v11;
	v8 =	vadd.f32 v15, v8;
	v10 =	vadd.f32 v10, v12  }
0xa7: {  	v6 =	vmul.f32 v9, v6;
	s18 =	simm.s32 $0x7  }
0xa8: {  	v9 =	vadd.s32 s18, v0;
	v7 =	vadd.f32 v11, v7;
	v8 =	vadd.f32 v8, v10  }
0xa9: {  	s2 =	simm.s32 $0x6;
	v5 =	vadd.f32 v6, v5;
	v6 =	vand.u32 $0x7F, v9  }
0xaa: {  	v9 =	vor.u32 v3, v6;
	v7 =	vadd.f32 v7, v8;
	v8 =	vadd.s32 s2, v0  }
0xab: {  	s22 =	simm.s32 $0x5;
	v6 =	vand.u32 $0x7F, v8  }
0xac: {  	v5 =	vadd.f32 v5, v7;
	v7 =	vadd.s32 s22, v0;
	v8 =	vor.u32 v3, v6  }
0xad: {  	s23 =	simm.s32 $0x4;
	v6 =	vand.u32 $0x7F, v7  }
0xae: {  	[tilespmem:s26+$0x1DA90] =	vst v5;
	v5 =	vadd.s32 s23, v0;
	v7 =	vor.u32 v3, v6  }
0xaf: {  	s2 =	simm.s32 $0x3;
	v5 =	vand.u32 $0x7F, v5;
	v6 =	vld.idx.msk [tilespmem:v9+s30+$0x0], $0xffff  }
0xb0: {  	v10 =	vadd.s32 s2, v0;
	v9 =	vld.idx.msk [tilespmem:v9+s31+$0x0], $0xffff;
	v13 =	vor.u32 v3, v5  }
0xb1: {  	v16 =	vimm.f32 $0.0e+00;
	s22 =	simm.s32 $0x2;
	v10 =	vand.u32 $0x7F, v10;
	v11 =	vld.idx.msk [tilespmem:v8+s30+$0x0], $0xffff  }
0xb2: {  	v15 =	vimm.f32 $0.0e+00;
	v12 =	vadd.s32 s22, v0;
	s22 =	simm.s32 $0x1;
	v21 =	vor.u32 v3, v10;
	v14 =	vld.idx.msk [tilespmem:v8+s31+$0x0], $0xffff  }
0xb3: {  	v10 =	vimm.f32 $0.0e+00;
	v12 =	vand.u32 $0x7F, v12;
	s23 =	simm.s32 $0x0;
	v8 =	vadd.s32 s22, v0;
	v17 =	vld.idx.msk [tilespmem:v7+s30+$0x0], $0xffff  }
0xb4: {  	v22 =	vor.u32 v3, v12;
	v24 =	vadd.s32 s23, v0;
	v8 =	vand.u32 $0x7F, v8;
	v18 =	vld.idx.msk [tilespmem:v7+s31+$0x0], $0xffff  }
0xb5: {  	v12 =	vimm.f32 $0.0e+00;
	v5 =	vimm.f32 $0.0e+00;
	v23 =	vor.u32 v3, v8;
	v19 =	vld.idx.msk [tilespmem:v13+s30+$0x0], $0xffff  }
0xb6: {  	s18 =	simm.s32 $0xF;
	v7 =	vimm.f32 $0.0e+00;
	v8 =	vimm.f32 $0.0e+00;
	v20 =	vld.idx.msk [tilespmem:v13+s31+$0x0], $0xffff;
	v13 =	vimm.f32 $0.0e+00  }
.LBB2_7:
0xb7: {  	p1 =	sne.s32 s18, $0x7F;
	v24 =	vand.u32 $0x7F, v24;
	v25 =	vld.idx.msk [tilespmem:v21+s30+$0x0], $0xffff  }
0xb8: {  	v26 =	vadd.s32 s18, v0;
	v24 =	vor.u32 v3, v24;
	v27 =	vld.idx.msk [tilespmem:v21+s31+$0x0], $0xffff  }
0xb9: {  	s22 =	sadd.s32 $0xFFFFFFFF, s18;
	v21 =	vand.u32 $0x7F, v26;
	v26 =	vld.idx.msk [tilespmem:v22+s30+$0x0], $0xffff  }
0xba: {  	v28 =	vadd.s32 s22, v0;
	v21 =	vor.u32 v3, v21;
	v29 =	vld.idx.msk [tilespmem:v22+s31+$0x0], $0xffff  }
0xbb: {  	v6 =	vmul.f32 v9, v6;
	s22 =	sadd.s32 $0xFFFFFFFE, s18;
	v22 =	vand.u32 $0x7F, v28;
	v28 =	vld.idx.msk [tilespmem:v23+s30+$0x0], $0xffff  }
0xbc: {  	v9 =	vadd.s32 s22, v0;
	v22 =	vor.u32 v3, v22;
	v23 =	vld.idx.msk [tilespmem:v23+s31+$0x0], $0xffff  }
0xbd: {  	v11 =	vmul.f32 v14, v11;
	s22 =	sadd.s32 $0xFFFFFFFD, s18;
	v5 =	vadd.f32 v6, v5;
	v9 =	vand.u32 $0x7F, v9;
	v30 =	vld.idx.msk [tilespmem:v24+s30+$0x0], $0xffff  }
0xbe: {  	v14 =	vmul.f32 v18, v17;
	v6 =	vadd.s32 s22, v0;
	v31 =	vor.u32 v3, v9;
	v24 =	vld.idx.msk [tilespmem:v24+s31+$0x0], $0xffff  }
0xbf: {  	v7 =	vadd.f32 v11, v7;
	s22 =	sadd.s32 $0xFFFFFFFC, s18;
	v9 =	vand.u32 $0x7F, v6;
	v17 =	vmul.f32 v20, v19;
	v6 =	vld.idx.msk [tilespmem:v21+s30+$0x0], $0xffff  }
0xc0: {  	s23 =	sadd.s32 $0xFFFFFFFB, s18;
	v11 =	vadd.s32 s22, v0;
	v8 =	vadd.f32 v14, v8;
	v20 =	vor.u32 v3, v9;
	v9 =	vld.idx.msk [tilespmem:v21+s31+$0x0], $0xffff  }
0xc1: {  	v14 =	vadd.s32 s23, v0;
	v18 =	vand.u32 $0x7F, v11;
	v10 =	vadd.f32 v17, v10;
	v11 =	vld.idx.msk [tilespmem:v22+s30+$0x0], $0xffff  }
.Ltmp2:
0xc2: {  	s22 =	sadd.s32 $0xFFFFFFFA, s18;
	v17 =	vand.u32 $0x7F, v14;
	v25 =	vmul.f32 v27, v25;
	v21 =	vor.u32 v3, v18;
	v14 =	vld.idx.msk [tilespmem:v22+s31+$0x0], $0xffff;
	(pc) =	sbr.rel @p1 .LBB2_7-.Ltmp2, $4  }
0xc3: {  	v26 =	vmul.f32 v29, v26;
	v18 =	vadd.s32 s22, v0;
	v22 =	vor.u32 v3, v17;
	v17 =	vld.idx.msk [tilespmem:v31+s30+$0x0], $0xffff  }
0xc4: {  	v19 =	vand.u32 $0x7F, v18;
	v28 =	vmul.f32 v23, v28;
	v27 =	vmul.f32 v24, v30;
	v18 =	vld.idx.msk [tilespmem:v31+s31+$0x0], $0xffff  }
0xc5: {  	v13 =	vadd.f32 v25, v13;
	s22 =	sadd.s32 $0xFFFFFFF9, s18;
	v12 =	vadd.f32 v26, v12;
	v23 =	vor.u32 v3, v19;
	v19 =	vld.idx.msk [tilespmem:v20+s30+$0x0], $0xffff  }
0xc6: {  	s18 =	sadd.s32 $0x8, s18;
	v24 =	vadd.s32 s22, v0;
	v16 =	vadd.f32 v28, v16;
	v15 =	vadd.f32 v27, v15;
	v20 =	vld.idx.msk [tilespmem:v20+s31+$0x0], $0xffff  }
0xc7: {  	v24 =	vand.u32 $0x7F, v24  }
0xc8: {  	v24 =	vor.u32 v3, v24;
	_ =	sdelay $0x2  }
0xc9: {  	v25 =	vld.idx.msk [tilespmem:v23+s30+$0x0], $0xffff  }
0xca: {  	v23 =	vld.idx.msk [tilespmem:v23+s31+$0x0], $0xffff  }
0xcb: {  	v26 =	vld.idx.msk [tilespmem:v24+s30+$0x0], $0xffff  }
0xcc: {  	v24 =	vld.idx.msk [tilespmem:v24+s31+$0x0], $0xffff  }
0xcd: {  	v27 =	vld.idx.msk [tilespmem:v22+s30+$0x0], $0xffff  }
0xce: {  	v22 =	vld.idx.msk [tilespmem:v22+s31+$0x0], $0xffff  }
0xcf: {  	v28 =	vld.idx.msk [tilespmem:v21+s30+$0x0], $0xffff  }
0xd0: {  	v21 =	vld.idx.msk [tilespmem:v21+s31+$0x0], $0xffff  }
0xd1: {  	v23 =	vmul.f32 v23, v25;
	v24 =	vmul.f32 v24, v26;
	_ =	sdelay $0x1  }
0xd2: {  	v22 =	vmul.f32 v22, v27;
	v16 =	vadd.f32 v23, v16;
	v15 =	vadd.f32 v24, v15;
	_ =	sdelay $0x1  }
0xd3: {  	v21 =	vmul.f32 v21, v28;
	v12 =	vadd.f32 v22, v12;
	v15 =	vadd.f32 v16, v15;
	_ =	sdelay $0x1  }
0xd4: {  	v13 =	vadd.f32 v21, v13;
	v16 =	vmul.f32 v20, v19;
	v12 =	vadd.f32 v12, v15;
	_ =	sdelay $0x1  }
0xd5: {  	v15 =	vmul.f32 v18, v17;
	v10 =	vadd.f32 v16, v10;
	v12 =	vadd.f32 v13, v12;
	_ =	sdelay $0x1  }
0xd6: {  	v11 =	vmul.f32 v14, v11;
	v8 =	vadd.f32 v15, v8;
	v10 =	vadd.f32 v10, v12  }
0xd7: {  	v6 =	vmul.f32 v9, v6;
	s18 =	simm.s32 $0x7  }
0xd8: {  	v9 =	vadd.s32 s18, v0;
	v7 =	vadd.f32 v11, v7;
	v8 =	vadd.f32 v8, v10  }
0xd9: {  	s2 =	simm.s32 $0x6;
	v5 =	vadd.f32 v6, v5;
	v6 =	vand.u32 $0x7F, v9  }
0xda: {  	v9 =	vor.u32 v4, v6;
	v7 =	vadd.f32 v7, v8;
	v8 =	vadd.s32 s2, v0  }
0xdb: {  	s22 =	simm.s32 $0x5;
	v6 =	vand.u32 $0x7F, v8  }
0xdc: {  	v5 =	vadd.f32 v5, v7;
	v7 =	vadd.s32 s22, v0;
	v8 =	vor.u32 v4, v6  }
0xdd: {  	s23 =	simm.s32 $0x4;
	v6 =	vand.u32 $0x7F, v7  }
0xde: {  	[tilespmem:s26+$0x1DAA0] =	vst v5;
	v5 =	vadd.s32 s23, v0;
	v7 =	vor.u32 v4, v6  }
0xdf: {  	s2 =	simm.s32 $0x3;
	v5 =	vand.u32 $0x7F, v5;
	v6 =	vld.idx.msk [tilespmem:v9+s30+$0x0], $0xffff  }
0xe0: {  	v10 =	vadd.s32 s2, v0;
	v9 =	vld.idx.msk [tilespmem:v9+s31+$0x0], $0xffff;
	v13 =	vor.u32 v4, v5  }
0xe1: {  	v16 =	vimm.f32 $0.0e+00;
	s22 =	simm.s32 $0x2;
	v10 =	vand.u32 $0x7F, v10;
	v11 =	vld.idx.msk [tilespmem:v8+s30+$0x0], $0xffff  }
0xe2: {  	v15 =	vimm.f32 $0.0e+00;
	v12 =	vadd.s32 s22, v0;
	s22 =	simm.s32 $0x1;
	v21 =	vor.u32 v4, v10;
	v14 =	vld.idx.msk [tilespmem:v8+s31+$0x0], $0xffff  }
0xe3: {  	v10 =	vimm.f32 $0.0e+00;
	v12 =	vand.u32 $0x7F, v12;
	s23 =	simm.s32 $0x0;
	v8 =	vadd.s32 s22, v0;
	v17 =	vld.idx.msk [tilespmem:v7+s30+$0x0], $0xffff  }
0xe4: {  	v22 =	vor.u32 v4, v12;
	v24 =	vadd.s32 s23, v0;
	v8 =	vand.u32 $0x7F, v8;
	v18 =	vld.idx.msk [tilespmem:v7+s31+$0x0], $0xffff  }
0xe5: {  	v12 =	vimm.f32 $0.0e+00;
	v5 =	vimm.f32 $0.0e+00;
	v23 =	vor.u32 v4, v8;
	v19 =	vld.idx.msk [tilespmem:v13+s30+$0x0], $0xffff  }
0xe6: {  	s18 =	simm.s32 $0xF;
	v7 =	vimm.f32 $0.0e+00;
	v8 =	vimm.f32 $0.0e+00;
	v20 =	vld.idx.msk [tilespmem:v13+s31+$0x0], $0xffff;
	v13 =	vimm.f32 $0.0e+00  }
.LBB2_9:
0xe7: {  	p1 =	sne.s32 s18, $0x7F;
	v24 =	vand.u32 $0x7F, v24;
	v25 =	vld.idx.msk [tilespmem:v21+s30+$0x0], $0xffff  }
0xe8: {  	v26 =	vadd.s32 s18, v0;
	v24 =	vor.u32 v4, v24;
	v27 =	vld.idx.msk [tilespmem:v21+s31+$0x0], $0xffff  }
0xe9: {  	s22 =	sadd.s32 $0xFFFFFFFF, s18;
	v21 =	vand.u32 $0x7F, v26;
	v26 =	vld.idx.msk [tilespmem:v22+s30+$0x0], $0xffff  }
0xea: {  	v28 =	vadd.s32 s22, v0;
	v21 =	vor.u32 v4, v21;
	v29 =	vld.idx.msk [tilespmem:v22+s31+$0x0], $0xffff  }
0xeb: {  	v6 =	vmul.f32 v9, v6;
	s22 =	sadd.s32 $0xFFFFFFFE, s18;
	v22 =	vand.u32 $0x7F, v28;
	v28 =	vld.idx.msk [tilespmem:v23+s30+$0x0], $0xffff  }
0xec: {  	v9 =	vadd.s32 s22, v0;
	v22 =	vor.u32 v4, v22;
	v23 =	vld.idx.msk [tilespmem:v23+s31+$0x0], $0xffff  }
0xed: {  	v11 =	vmul.f32 v14, v11;
	s22 =	sadd.s32 $0xFFFFFFFD, s18;
	v5 =	vadd.f32 v6, v5;
	v9 =	vand.u32 $0x7F, v9;
	v30 =	vld.idx.msk [tilespmem:v24+s30+$0x0], $0xffff  }
0xee: {  	v14 =	vmul.f32 v18, v17;
	v6 =	vadd.s32 s22, v0;
	v31 =	vor.u32 v4, v9;
	v24 =	vld.idx.msk [tilespmem:v24+s31+$0x0], $0xffff  }
0xef: {  	v7 =	vadd.f32 v11, v7;
	s22 =	sadd.s32 $0xFFFFFFFC, s18;
	v9 =	vand.u32 $0x7F, v6;
	v17 =	vmul.f32 v20, v19;
	v6 =	vld.idx.msk [tilespmem:v21+s30+$0x0], $0xffff  }
0xf0: {  	s23 =	sadd.s32 $0xFFFFFFFB, s18;
	v11 =	vadd.s32 s22, v0;
	v8 =	vadd.f32 v14, v8;
	v20 =	vor.u32 v4, v9;
	v9 =	vld.idx.msk [tilespmem:v21+s31+$0x0], $0xffff  }
0xf1: {  	v14 =	vadd.s32 s23, v0;
	v18 =	vand.u32 $0x7F, v11;
	v10 =	vadd.f32 v17, v10;
	v11 =	vld.idx.msk [tilespmem:v22+s30+$0x0], $0xffff  }
.Ltmp3:
0xf2: {  	s22 =	sadd.s32 $0xFFFFFFFA, s18;
	v17 =	vand.u32 $0x7F, v14;
	v25 =	vmul.f32 v27, v25;
	v21 =	vor.u32 v4, v18;
	v14 =	vld.idx.msk [tilespmem:v22+s31+$0x0], $0xffff;
	(pc) =	sbr.rel @p1 .LBB2_9-.Ltmp3, $4  }
0xf3: {  	v26 =	vmul.f32 v29, v26;
	v18 =	vadd.s32 s22, v0;
	v22 =	vor.u32 v4, v17;
	v17 =	vld.idx.msk [tilespmem:v31+s30+$0x0], $0xffff  }
0xf4: {  	v19 =	vand.u32 $0x7F, v18;
	v28 =	vmul.f32 v23, v28;
	v27 =	vmul.f32 v24, v30;
	v18 =	vld.idx.msk [tilespmem:v31+s31+$0x0], $0xffff  }
0xf5: {  	v13 =	vadd.f32 v25, v13;
	s22 =	sadd.s32 $0xFFFFFFF9, s18;
	v12 =	vadd.f32 v26, v12;
	v23 =	vor.u32 v4, v19;
	v19 =	vld.idx.msk [tilespmem:v20+s30+$0x0], $0xffff  }
0xf6: {  	s18 =	sadd.s32 $0x8, s18;
	v24 =	vadd.s32 s22, v0;
	v16 =	vadd.f32 v28, v16;
	v15 =	vadd.f32 v27, v15;
	v20 =	vld.idx.msk [tilespmem:v20+s31+$0x0], $0xffff  }
0xf7: {  	v24 =	vand.u32 $0x7F, v24  }
0xf8: {  	v24 =	vor.u32 v4, v24;
	_ =	sdelay $0x2  }
0xf9: {  	v25 =	vld.idx.msk [tilespmem:v23+s30+$0x0], $0xffff  }
0xfa: {  	v23 =	vld.idx.msk [tilespmem:v23+s31+$0x0], $0xffff  }
0xfb: {  	v26 =	vld.idx.msk [tilespmem:v24+s30+$0x0], $0xffff  }
0xfc: {  	v24 =	vld.idx.msk [tilespmem:v24+s31+$0x0], $0xffff  }
0xfd: {  	v27 =	vld.idx.msk [tilespmem:v22+s30+$0x0], $0xffff  }
0xfe: {  	v22 =	vld.idx.msk [tilespmem:v22+s31+$0x0], $0xffff  }
0xff: {  	v28 =	vld.idx.msk [tilespmem:v21+s30+$0x0], $0xffff  }
0x100: {  	v21 =	vld.idx.msk [tilespmem:v21+s31+$0x0], $0xffff  }
0x101: {  	v23 =	vmul.f32 v23, v25;
	v24 =	vmul.f32 v24, v26;
	_ =	sdelay $0x1  }
0x102: {  	v22 =	vmul.f32 v22, v27;
	v16 =	vadd.f32 v23, v16;
	v15 =	vadd.f32 v24, v15;
	_ =	sdelay $0x1  }
0x103: {  	v21 =	vmul.f32 v21, v28;
	v12 =	vadd.f32 v22, v12;
	v15 =	vadd.f32 v16, v15;
	_ =	sdelay $0x1  }
0x104: {  	v13 =	vadd.f32 v21, v13;
	v16 =	vmul.f32 v20, v19;
	v12 =	vadd.f32 v12, v15;
	_ =	sdelay $0x1  }
0x105: {  	v15 =	vmul.f32 v18, v17;
	v10 =	vadd.f32 v16, v10;
	v12 =	vadd.f32 v13, v12;
	_ =	sdelay $0x1  }
0x106: {  	v11 =	vmul.f32 v14, v11;
	v8 =	vadd.f32 v15, v8;
	v10 =	vadd.f32 v10, v12  }
0x107: {  	v6 =	vmul.f32 v9, v6  }
0x108: {  	s18 =	simm.s32 $0x6;
	v7 =	vadd.f32 v11, v7;
	v8 =	vadd.f32 v8, v10  }
0x109: {  	s22 =	simm.s32 $0x7;
	v9 =	vadd.s32 s18, v0;
	v6 =	vadd.f32 v6, v5;
	v5 =	vor.u32 $0x2000, v1  }
0x10a: {  	v10 =	vadd.s32 s22, v0;
	s22 =	simm.s32 $0x1;
	v7 =	vadd.f32 v7, v8;
	v8 =	vand.u32 $0x7F, v9  }
0x10b: {  	s2 =	simm.s32 $0x0;
	s23 =	simm.s32 $0x3;
	v11 =	vadd.s32 s22, v0;
	v8 =	vor.u32 v5, v8  }
0x10c: {  	v13 =	vadd.s32 s23, v0;
	v9 =	vadd.s32 s2, v0;
	v11 =	vand.u32 $0x7F, v11  }
0x10d: {  	v9 =	vand.u32 $0x7F, v9;
	v15 =	vor.u32 v5, v11;
	v7 =	vadd.f32 v6, v7  }
0x10e: {  	s23 =	simm.s32 $0x5;
	v13 =	vand.u32 $0x7F, v13;
	s2 =	simm.s32 $0x2;
	v9 =	vor.u32 v5, v9  }
0x10f: {  	v14 =	vadd.s32 s23, v0;
	v23 =	vor.u32 v5, v13;
	v12 =	vadd.s32 s2, v0;
	[tilespmem:s26+$0x1DAB0] =	vst v7  }
0x110: {  	v10 =	vand.u32 $0x7F, v10;
	s22 =	simm.s32 $0x4;
	v11 =	vand.u32 $0x7F, v14;
	v12 =	vand.u32 $0x7F, v12;
	v17 =	vld.idx.msk [tilespmem:v8+s30+$0x0], $0xffff  }
0x111: {  	v6 =	vimm.f32 $0.0e+00;
	v12 =	vor.u32 v5, v12;
	v7 =	vadd.s32 s22, v0;
	v8 =	vld.idx.msk [tilespmem:v8+s31+$0x0], $0xffff  }
0x112: {  	s23 =	simm.s32 $0x9;
	s2 =	simm.s32 $0xF;
	v13 =	vor.u32 v5, v11;
	v11 =	vor.u32 v5, v10;
	v7 =	vand.u32 $0x7F, v7;
	v18 =	vld.idx.msk [tilespmem:v15+s30+$0x0], $0xffff  }
0x113: {  	v10 =	vadd.s32 s23, v0;
	v14 =	vor.u32 v5, v7;
	v7 =	vadd.s32 s2, v0;
	v22 =	vld.idx.msk [tilespmem:v9+s30+$0x0], $0xffff  }
0x114: {  	v29 =	vand.u32 $0x7F, v10;
	v10 =	vimm.f32 $0.0e+00;
	s22 =	simm.s32 $0x8;
	s2 =	simm.s32 $0xA;
	v16 =	vand.u32 $0x7F, v7;
	v7 =	vld.idx.msk [tilespmem:v9+s31+$0x0], $0xffff  }
0x115: {  	s23 =	simm.s32 $0xC;
	v19 =	vld.idx.msk [tilespmem:v15+s31+$0x0], $0xffff;
	v15 =	vimm.f32 $0.0e+00;
	v9 =	vadd.s32 s22, v0;
	v21 =	vadd.s32 s2, v0;
	s22 =	simm.s32 $0xB  }
0x116: {  	s2 =	simm.s32 $0xD;
	v25 =	vadd.s32 s22, v0;
	v26 =	vand.u32 $0x7F, v9;
	v9 =	vadd.s32 s23, v0;
	v20 =	vld.idx.msk [tilespmem:v12+s30+$0x0], $0xffff  }
0x117: {  	v24 =	vadd.s32 s2, v0;
	v30 =	vand.u32 $0x7F, v21;
	v21 =	vld.idx.msk [tilespmem:v12+s31+$0x0], $0xffff;
	v12 =	vimm.f32 $0.0e+00  }
0x118: {  	s23 =	simm.s32 $0xE;
	v28 =	vand.u32 $0x7F, v25;
	v27 =	vand.u32 $0x7F, v9;
	v8 =	vmul.f32 v8, v17  }
0x119: {  	v31 =	vadd.s32 s23, v0;
	v9 =	vimm.f32 $0.0e+00;
	v25 =	vmul.f32 v7, v22;
	v22 =	vld.idx.msk [tilespmem:v23+s30+$0x0], $0xffff  }
0x11a: {  	s18 =	simm.s32 $0x17;
	v17 =	vimm.f32 $0.0e+00;
	v23 =	vld.idx.msk [tilespmem:v23+s31+$0x0], $0xffff;
	v7 =	vadd.f32 v8, v6;
	v8 =	vimm.f32 $0.0e+00  }
.LBB2_11:
0x11b: {  	p1 =	sne.s32 s18, $0x7F;
	v24 =	vand.u32 $0x7F, v24;
	v31 =	vand.u32 $0x7F, v31;
	v32 =	vld.idx.msk [tilespmem:v14+s30+$0x0], $0xffff  }
0x11c: {  	v26 =	vor.u32 v5, v26;
	v29 =	vor.u32 v5, v29;
	v31 =	vor.u32 v5, v31;
	v33 =	vld.idx.msk [tilespmem:v14+s31+$0x0], $0xffff  }
0x11d: {  	v30 =	vor.u32 v5, v30;
	v34 =	vor.u32 v5, v28;
	v14 =	vor.u32 v5, v27;
	v27 =	vld.idx.msk [tilespmem:v13+s30+$0x0], $0xffff  }
0x11e: {  	v16 =	vor.u32 v5, v16;
	v18 =	vmul.f32 v19, v18;
	v19 =	vld.idx.msk [tilespmem:v13+s31+$0x0], $0xffff;
	v13 =	vor.u32 v5, v24  }
0x11f: {  	v6 =	vadd.f32 v25, v6;
	v20 =	vmul.f32 v21, v20;
	v21 =	vld.idx.msk [tilespmem:v11+s30+$0x0], $0xffff  }
0x120: {  	v17 =	vadd.f32 v18, v17;
	v18 =	vmul.f32 v23, v22;
	v22 =	vld.idx.msk [tilespmem:v11+s31+$0x0], $0xffff;
	v11 =	vmov v16  }
0x121: {  	v15 =	vadd.f32 v20, v15;
	v23 =	vld.idx.msk [tilespmem:v31+s30+$0x0], $0xffff  }
0x122: {  	v12 =	vadd.f32 v18, v12;
	v18 =	vmul.f32 v33, v32;
	v25 =	vld.idx.msk [tilespmem:v31+s31+$0x0], $0xffff  }
0x123: {  	v16 =	vadd.s32 s18, v0;
	v32 =	vld.idx.msk [tilespmem:v26+s30+$0x0], $0xffff  }
0x124: {  	s22 =	sadd.s32 $0xFFFFFFF9, s18;
	s23 =	sadd.s32 $0xFFFFFFFA, s18;
	s2 =	sadd.s32 $0xFFFFFFFB, s18;
	v16 =	vand.u32 $0x7F, v16;
	v10 =	vadd.f32 v18, v10;
	v20 =	vmul.f32 v19, v27;
	v33 =	vld.idx.msk [tilespmem:v26+s31+$0x0], $0xffff  }
0x125: {  	v28 =	vadd.s32 s2, v0;
	s2 =	sadd.s32 $0xFFFFFFFC, s18;
	v24 =	vadd.s32 s22, v0;
	v27 =	vadd.s32 s23, v0;
	v18 =	vld.idx.msk [tilespmem:v29+s30+$0x0], $0xffff  }
.Ltmp4:
0x126: {  	s22 =	sadd.s32 $0xFFFFFFFE, s18;
	v31 =	vadd.s32 s2, v0;
	s2 =	sadd.s32 $0xFFFFFFFD, s18;
	v9 =	vadd.f32 v20, v9;
	v22 =	vmul.f32 v22, v21;
	v19 =	vld.idx.msk [tilespmem:v29+s31+$0x0], $0xffff;
	(pc) =	sbr.rel @p1 .LBB2_11-.Ltmp4, $4  }
0x127: {  	v35 =	vadd.s32 s2, v0;
	v26 =	vand.u32 $0x7F, v24;
	v24 =	vadd.s32 s22, v0;
	v20 =	vld.idx.msk [tilespmem:v30+s30+$0x0], $0xffff  }
0x128: {  	v29 =	vand.u32 $0x7F, v27;
	v36 =	vmul.f32 v25, v23;
	v8 =	vadd.f32 v22, v8;
	v21 =	vld.idx.msk [tilespmem:v30+s31+$0x0], $0xffff  }
0x129: {  	s2 =	sadd.s32 $0xFFFFFFFF, s18;
	v27 =	vand.u32 $0x7F, v35;
	v30 =	vand.u32 $0x7F, v28;
	v28 =	vand.u32 $0x7F, v31;
	v22 =	vld.idx.msk [tilespmem:v34+s30+$0x0], $0xffff  }
0x12a: {  	s18 =	sadd.s32 $0x8, s18;
	v31 =	vadd.s32 s2, v0;
	v25 =	vmul.f32 v33, v32;
	v7 =	vadd.f32 v36, v7;
	v23 =	vld.idx.msk [tilespmem:v34+s31+$0x0], $0xffff  }
0x12b: {  	_ =	sdelay $0x3  }
0x12c: {  	v32 =	vld.idx.msk [tilespmem:v14+s30+$0x0], $0xffff  }
0x12d: {  	v26 =	vor.u32 v5, v26;
	v14 =	vld.idx.msk [tilespmem:v14+s31+$0x0], $0xffff  }
0x12e: {  	v33 =	vld.idx.msk [tilespmem:v13+s30+$0x0], $0xffff  }
0x12f: {  	v29 =	vor.u32 v5, v29;
	v13 =	vld.idx.msk [tilespmem:v13+s31+$0x0], $0xffff  }
0x130: {  	v34 =	vld.idx.msk [tilespmem:v11+s30+$0x0], $0xffff  }
0x131: {  	v30 =	vor.u32 v5, v30;
	v11 =	vld.idx.msk [tilespmem:v11+s31+$0x0], $0xffff  }
0x132: {  	v35 =	vld.idx.msk [tilespmem:v26+s30+$0x0], $0xffff  }
0x133: {  	v28 =	vor.u32 v5, v28;
	v26 =	vld.idx.msk [tilespmem:v26+s31+$0x0], $0xffff  }
0x134: {  	v36 =	vld.idx.msk [tilespmem:v29+s30+$0x0], $0xffff  }
0x135: {  	v27 =	vor.u32 v5, v27;
	v29 =	vld.idx.msk [tilespmem:v29+s31+$0x0], $0xffff  }
0x136: {  	v24 =	vand.u32 $0x7F, v24;
	v37 =	vld.idx.msk [tilespmem:v30+s30+$0x0], $0xffff  }
0x137: {  	v24 =	vor.u32 v5, v24;
	v30 =	vld.idx.msk [tilespmem:v30+s31+$0x0], $0xffff  }
0x138: {  	v31 =	vand.u32 $0x7F, v31;
	v18 =	vmul.f32 v19, v18;
	v19 =	vld.idx.msk [tilespmem:v28+s30+$0x0], $0xffff  }
0x139: {  	v6 =	vadd.f32 v25, v6;
	v20 =	vmul.f32 v21, v20;
	v21 =	vor.u32 v5, v31;
	v25 =	vld.idx.msk [tilespmem:v28+s31+$0x0], $0xffff  }
0x13a: {  	v17 =	vadd.f32 v18, v17;
	v63 =	vld.idx.msk [tilespmem:v27+s30+$0x0], $0xffff;
	v18 =	vmul.f32 v26, v35;
	v26 =	vmul.f32 v29, v36  }
0x13b: {  	v16 =	vor.u32 v5, v16;
	v22 =	vmul.f32 v23, v22;
	v15 =	vadd.f32 v20, v15;
	v20 =	vld.idx.msk [tilespmem:v27+s31+$0x0], $0xffff  }
0x13c: {  	v23 =	vld.idx.msk [tilespmem:v24+s30+$0x0], $0xffff;
	v6 =	vadd.f32 v18, v6;
	v18 =	vmul.f32 v30, v37;
	v17 =	vadd.f32 v26, v17  }
0x13d: {  	v14 =	vmul.f32 v14, v32;
	v12 =	vadd.f32 v22, v12;
	v22 =	vld.idx.msk [tilespmem:v24+s31+$0x0], $0xffff  }
0x13e: {  	v24 =	vld.idx.msk [tilespmem:v21+s30+$0x0], $0xffff;
	v19 =	vmul.f32 v25, v19;
	v15 =	vadd.f32 v18, v15;
	v6 =	vadd.f32 v17, v6  }
0x13f: {  	v13 =	vmul.f32 v13, v33;
	v10 =	vadd.f32 v14, v10;
	v17 =	vld.idx.msk [tilespmem:v21+s31+$0x0], $0xffff  }
0x140: {  	v14 =	vld.idx.msk [tilespmem:v16+s30+$0x0], $0xffff;
	v12 =	vadd.f32 v19, v12;
	v18 =	vmul.f32 v20, v63;
	v6 =	vadd.f32 v15, v6  }
0x141: {  	v9 =	vadd.f32 v13, v9;
	v13 =	vld.idx.msk [tilespmem:v16+s31+$0x0], $0xffff  }
0x142: {  	v10 =	vadd.f32 v18, v10;
	v15 =	vmul.f32 v22, v23;
	v6 =	vadd.f32 v12, v6  }
0x143: {  	v11 =	vmul.f32 v11, v34  }
0x144: {  	v9 =	vadd.f32 v15, v9;
	v12 =	vmul.f32 v17, v24;
	v6 =	vadd.f32 v10, v6  }
0x145: {  	v8 =	vadd.f32 v11, v8  }
0x146: {  	v10 =	vmul.f32 v13, v14;
	v7 =	vadd.f32 v12, v7;
	v6 =	vadd.f32 v9, v6;
	_ =	sdelay $0x1  }
0x147: {  	v8 =	vadd.f32 v10, v8;
	v6 =	vadd.f32 v7, v6  }
0x148: {  	p1 =	sne.s32 s12, $0x18  }
0x149: {  	s2 =	sadd.s32 @!p1 s24, s15;
	v6 =	vadd.f32 v8, v6  }
0x14a: {  	s2 =	sshrl.u32 @!p1 s2, $0x3  }
0x14b: {  	s12 =	simm.s32 @!p1 $0x0;
	s18 =	simm.s32 @!p1 $0x1DA80;
	s2 =	sadd.s32 @!p1 s1, s2;
	[tilespmem:s26+$0x1DAC0] =	vst v6  }
0x14c: {  	[hbm4b:s2+s12] =	stream.linear.scatter @!p1 [tilespmem:s18], [sflag:$0x8], $0x7D0, $0x38;
	[tilespmem:$0x1E280] =	vst v63  }
0x14d: {  	s2 =	simm.s32 @!p1 $0x8  }
0x14e: {  	_ =	swait.ge @!p1 [sflag:s2], $0x7D0  }
0x14f: {  	[sflag:s2] =	ssyncset.done @!p1 $0x0  }
0x150: {  	[sflag:s2] =	ssyncadd.s32 @!p1 $0xFFFFF830  }
0x151: {  	_ =	swait.ge [sflag:s28], $0x50  }
0x152: {  	[sflag:s28] =	ssyncset.done $0x0  }
0x153: {  	[sflag:s28] =	ssyncadd.s32 $0xFFFFFFB0  }
0x154: {  	_ =	swait.ge [sflag:s28], $0x50  }
0x155: {  	[sflag:s28] =	ssyncset.done $0x0  }
0x156: {  	[sflag:s28] =	ssyncadd.s32 $0xFFFFFFB0  }
0x157: {  	[tilespmem:s30], [sflag:$0x3] =	stream.indirect.gather [spmem:s4], $0x80, s20, s29, $0xb8;
	[tilespmem:$0x1E280] =	vst v63  }
0x158: {  	_ = 	snop  }
0x159: {  	[tilespmem:s31], [sflag:$0x4] =	stream.indirect.gather [hbm4b:s0+s29], $0x80, s21, s29, $0xb8;
	[tilespmem:$0x1E280] =	vst v63  }
0x15a: {  	_ =	swait.ge [sflag:s11], $0x2800  }
0x15b: {  	s22 =	simm.s32 $0x7;
	s23 =	simm.s32 $0x6;
	[sflag:s11] =	ssyncset.done $0x0  }
0x15c: {  	v7 =	vadd.s32 s23, v0;
	s23 =	simm.s32 $0x5;
	v6 =	vadd.s32 s22, v0;
	p1 =	seq.s32 s19, $0x3D;
	[sflag:s11] =	ssyncadd.s32 $0xFFFFD800  }
0x15d: {  	s26 =	smov.u32 s1;
	v6 =	vand.u32 $0x7F, v6;
	s12 =	sadd.s32 @!p1 s24, s16;
	_ =	swait.ge [sflag:s13], $0x2800  }
0x15e: {  	v6 =	vor.u32 v1, v6;
	s22 =	simm.s32 @!p1 $0x13980;
	s2 =	sshrl.u32 @!p1 s12, $0x3;
	[sflag:s13] =	ssyncset.done $0x0  }
0x15f: {  	v7 =	vand.u32 $0x7F, v7;
	s12 =	simm.s32 @!p1 $0x0;
	s18 =	sadd.s32 @!p1 s6, s2;
	[sflag:s13] =	ssyncadd.s32 $0xFFFFD800  }
0x160: {  	v8 =	vadd.s32 s23, v0;
	v9 =	vor.u32 v1, v7;
	[tilespmem:s22], [sflag:$0x2] =	stream.linear.gather @!p1 [hbm4b:s18+s12], $0x50, $0x38;
	[tilespmem:$0x1E280] =	vst v63  }
0x161: {  	v7 =	vand.u32 $0x7F, v8;
	s1 =	simm.s32 $0x4;
	s2 =	sadd.s32 @!p1 s14, s2;
	s18 =	simm.s32 @!p1 $0x13A00  }
0x162: {  	v11 =	vor.u32 v1, v7;
	v8 =	vadd.s32 s1, v0;
	[tilespmem:s18], [sflag:$0x2] =	stream.linear.gather @!p1 [hbm4b:s2+s12], $0x50, $0x38;
	[tilespmem:$0x1E280] =	vst v63  }
0x163: {  	v8 =	vand.u32 $0x7F, v8;
	v7 =	vld.idx.msk [tilespmem:v6+s7+$0x0], $0xffff  }
0x164: {  	v14 =	vor.u32 v1, v8;
	s12 =	simm.s32 $0x3;
	v10 =	vld.idx.msk [tilespmem:v6+s8+$0x0], $0xffff  }
0x165: {  	s23 =	smov.u32 s14;
	s14 =	simm.s32 $0x2;
	v8 =	vadd.s32 s12, v0;
	v12 =	vld.idx.msk [tilespmem:v9+s7+$0x0], $0xffff  }
0x166: {  	v13 =	vadd.s32 s14, v0;
	v15 =	vld.idx.msk [tilespmem:v9+s8+$0x0], $0xffff;
	v8 =	vand.u32 $0x7F, v8  }
0x167: {  	v16 =	vimm.f32 $0.0e+00;
	v13 =	vand.u32 $0x7F, v13;
	v18 =	vld.idx.msk [tilespmem:v11+s7+$0x0], $0xffff;
	v22 =	vor.u32 v1, v8  }
0x168: {  	v17 =	vimm.f32 $0.0e+00;
	v23 =	vor.u32 v1, v13;
	v13 =	vimm.f32 $0.0e+00;
	s22 =	simm.s32 $0x0;
	s18 =	simm.s32 $0x1;
	v19 =	vld.idx.msk [tilespmem:v11+s8+$0x0], $0xffff  }
0x169: {  	v25 =	vadd.s32 s22, v0;
	v6 =	vimm.f32 $0.0e+00;
	v9 =	vadd.s32 s18, v0;
	v20 =	vld.idx.msk [tilespmem:v14+s7+$0x0], $0xffff  }
0x16a: {  	v11 =	vimm.f32 $0.0e+00;
	v21 =	vld.idx.msk [tilespmem:v14+s8+$0x0], $0xffff;
	v14 =	vimm.f32 $0.0e+00;
	v8 =	vand.u32 $0x7F, v9  }
0x16b: {  	s12 =	sor.u32 $0x1, s25;
	s18 =	simm.s32 $0xF;
	v9 =	vimm.f32 $0.0e+00;
	v24 =	vor.u32 v1, v8;
	v8 =	vimm.f32 $0.0e+00  }
.LBB2_13:
0x16c: {  	p1 =	sne.s32 s18, $0x7F;
	v25 =	vand.u32 $0x7F, v25;
	v26 =	vld.idx.msk [tilespmem:v22+s7+$0x0], $0xffff  }
0x16d: {  	v27 =	vadd.s32 s18, v0;
	v25 =	vor.u32 v1, v25;
	v28 =	vld.idx.msk [tilespmem:v22+s8+$0x0], $0xffff  }
0x16e: {  	s2 =	sadd.s32 $0xFFFFFFFF, s18;
	v22 =	vand.u32 $0x7F, v27;
	v27 =	vld.idx.msk [tilespmem:v23+s7+$0x0], $0xffff  }
0x16f: {  	v29 =	vadd.s32 s2, v0;
	v22 =	vor.u32 v1, v22;
	v30 =	vld.idx.msk [tilespmem:v23+s8+$0x0], $0xffff  }
0x170: {  	v7 =	vmul.f32 v10, v7;
	s2 =	sadd.s32 $0xFFFFFFFE, s18;
	v23 =	vand.u32 $0x7F, v29;
	v29 =	vld.idx.msk [tilespmem:v24+s7+$0x0], $0xffff  }
0x171: {  	v10 =	vadd.s32 s2, v0;
	v23 =	vor.u32 v1, v23;
	v24 =	vld.idx.msk [tilespmem:v24+s8+$0x0], $0xffff  }
0x172: {  	v12 =	vmul.f32 v15, v12;
	s2 =	sadd.s32 $0xFFFFFFFD, s18;
	v6 =	vadd.f32 v7, v6;
	v10 =	vand.u32 $0x7F, v10;
	v31 =	vld.idx.msk [tilespmem:v25+s7+$0x0], $0xffff  }
0x173: {  	v15 =	vmul.f32 v19, v18;
	v7 =	vadd.s32 s2, v0;
	v32 =	vor.u32 v1, v10;
	v25 =	vld.idx.msk [tilespmem:v25+s8+$0x0], $0xffff  }
0x174: {  	v8 =	vadd.f32 v12, v8;
	s2 =	sadd.s32 $0xFFFFFFFC, s18;
	v10 =	vand.u32 $0x7F, v7;
	v18 =	vmul.f32 v21, v20;
	v7 =	vld.idx.msk [tilespmem:v22+s7+$0x0], $0xffff  }
0x175: {  	s22 =	sadd.s32 $0xFFFFFFFB, s18;
	v12 =	vadd.s32 s2, v0;
	v9 =	vadd.f32 v15, v9;
	v21 =	vor.u32 v1, v10;
	v10 =	vld.idx.msk [tilespmem:v22+s8+$0x0], $0xffff  }
0x176: {  	v15 =	vadd.s32 s22, v0;
	v19 =	vand.u32 $0x7F, v12;
	v11 =	vadd.f32 v18, v11;
	v12 =	vld.idx.msk [tilespmem:v23+s7+$0x0], $0xffff  }
.Ltmp5:
0x177: {  	s2 =	sadd.s32 $0xFFFFFFFA, s18;
	v18 =	vand.u32 $0x7F, v15;
	v26 =	vmul.f32 v28, v26;
	v22 =	vor.u32 v1, v19;
	v15 =	vld.idx.msk [tilespmem:v23+s8+$0x0], $0xffff;
	(pc) =	sbr.rel @p1 .LBB2_13-.Ltmp5, $4  }
0x178: {  	v27 =	vmul.f32 v30, v27;
	v19 =	vadd.s32 s2, v0;
	v23 =	vor.u32 v1, v18;
	v18 =	vld.idx.msk [tilespmem:v32+s7+$0x0], $0xffff  }
0x179: {  	v20 =	vand.u32 $0x7F, v19;
	v29 =	vmul.f32 v24, v29;
	v28 =	vmul.f32 v25, v31;
	v19 =	vld.idx.msk [tilespmem:v32+s8+$0x0], $0xffff  }
0x17a: {  	v14 =	vadd.f32 v26, v14;
	s2 =	sadd.s32 $0xFFFFFFF9, s18;
	v13 =	vadd.f32 v27, v13;
	v24 =	vor.u32 v1, v20;
	v20 =	vld.idx.msk [tilespmem:v21+s7+$0x0], $0xffff  }
0x17b: {  	s18 =	sadd.s32 $0x8, s18;
	v25 =	vadd.s32 s2, v0;
	v17 =	vadd.f32 v29, v17;
	v16 =	vadd.f32 v28, v16;
	v21 =	vld.idx.msk [tilespmem:v21+s8+$0x0], $0xffff  }
0x17c: {  	v25 =	vand.u32 $0x7F, v25  }
0x17d: {  	v25 =	vor.u32 v1, v25;
	_ =	sdelay $0x2  }
0x17e: {  	v26 =	vld.idx.msk [tilespmem:v24+s7+$0x0], $0xffff  }
0x17f: {  	v24 =	vld.idx.msk [tilespmem:v24+s8+$0x0], $0xffff  }
0x180: {  	v27 =	vld.idx.msk [tilespmem:v25+s7+$0x0], $0xffff  }
0x181: {  	v25 =	vld.idx.msk [tilespmem:v25+s8+$0x0], $0xffff  }
0x182: {  	v28 =	vld.idx.msk [tilespmem:v23+s7+$0x0], $0xffff  }
0x183: {  	v23 =	vld.idx.msk [tilespmem:v23+s8+$0x0], $0xffff  }
0x184: {  	v29 =	vld.idx.msk [tilespmem:v22+s7+$0x0], $0xffff  }
0x185: {  	v22 =	vld.idx.msk [tilespmem:v22+s8+$0x0], $0xffff  }
0x186: {  	v24 =	vmul.f32 v24, v26;
	v25 =	vmul.f32 v25, v27;
	_ =	sdelay $0x1  }
0x187: {  	v23 =	vmul.f32 v23, v28;
	v17 =	vadd.f32 v24, v17;
	v16 =	vadd.f32 v25, v16;
	_ =	sdelay $0x1  }
0x188: {  	v22 =	vmul.f32 v22, v29;
	v13 =	vadd.f32 v23, v13;
	v16 =	vadd.f32 v17, v16;
	_ =	sdelay $0x1  }
0x189: {  	v14 =	vadd.f32 v22, v14;
	v17 =	vmul.f32 v21, v20;
	v13 =	vadd.f32 v13, v16;
	_ =	sdelay $0x1  }
0x18a: {  	v16 =	vmul.f32 v19, v18;
	v11 =	vadd.f32 v17, v11;
	v13 =	vadd.f32 v14, v13  }
0x18b: {  	s2 =	smulhi.u32 $0x51EB851F, s12  }
0x18c: {  	v12 =	vmul.f32 v15, v12;
	v9 =	vadd.f32 v16, v9;
	v11 =	vadd.f32 v11, v13  }
0x18d: {  	v7 =	vmul.f32 v10, v7;
	s18 =	simm.s32 $0x7;
	s2 =	sshrl.u32 s2, $0x3  }
0x18e: {  	v10 =	vadd.s32 s18, v0;
	v8 =	vadd.f32 v12, v8;
	s2 =	smul.u32 $0x19, s2;
	v9 =	vadd.f32 v9, v11  }
0x18f: {  	s1 =	simm.s32 $0x6;
	v6 =	vadd.f32 v7, v6;
	v7 =	vand.u32 $0x7F, v10  }
0x190: {  	v10 =	vor.u32 v2, v7;
	s12 =	ssub.s32 s12, s2;
	v8 =	vadd.f32 v8, v9;
	v9 =	vadd.s32 s1, v0  }
0x191: {  	s14 =	simm.s32 $0x5;
	s2 =	smul.u32 $0x140, s12;
	v7 =	vand.u32 $0x7F, v9  }
0x192: {  	v6 =	vadd.f32 v6, v8;
	v8 =	vadd.s32 s14, v0;
	v9 =	vor.u32 v2, v7  }
0x193: {  	s22 =	simm.s32 $0x4;
	s25 =	sshrl.u32 s2, $0x2;
	v7 =	vand.u32 $0x7F, v8  }
0x194: {  	[tilespmem:s25+$0x1DA80] =	vst v6;
	v6 =	vadd.s32 s22, v0;
	v8 =	vor.u32 v2, v7  }
0x195: {  	s1 =	simm.s32 $0x3;
	v6 =	vand.u32 $0x7F, v6;
	v7 =	vld.idx.msk [tilespmem:v10+s7+$0x0], $0xffff  }
0x196: {  	v11 =	vadd.s32 s1, v0;
	v10 =	vld.idx.msk [tilespmem:v10+s8+$0x0], $0xffff;
	v14 =	vor.u32 v2, v6  }
0x197: {  	v17 =	vimm.f32 $0.0e+00;
	s14 =	simm.s32 $0x2;
	v11 =	vand.u32 $0x7F, v11;
	v12 =	vld.idx.msk [tilespmem:v9+s7+$0x0], $0xffff  }
0x198: {  	s18 =	simm.s32 $0x1;
	v16 =	vimm.f32 $0.0e+00;
	v13 =	vadd.s32 s14, v0;
	v22 =	vor.u32 v2, v11;
	v15 =	vld.idx.msk [tilespmem:v9+s8+$0x0], $0xffff  }
0x199: {  	v11 =	vimm.f32 $0.0e+00;
	v13 =	vand.u32 $0x7F, v13;
	s22 =	simm.s32 $0x0;
	v9 =	vadd.s32 s18, v0;
	v18 =	vld.idx.msk [tilespmem:v8+s7+$0x0], $0xffff  }
0x19a: {  	v23 =	vor.u32 v2, v13;
	v25 =	vadd.s32 s22, v0;
	v9 =	vand.u32 $0x7F, v9;
	v19 =	vld.idx.msk [tilespmem:v8+s8+$0x0], $0xffff  }
0x19b: {  	v13 =	vimm.f32 $0.0e+00;
	v6 =	vimm.f32 $0.0e+00;
	v24 =	vor.u32 v2, v9;
	v20 =	vld.idx.msk [tilespmem:v14+s7+$0x0], $0xffff  }
0x19c: {  	s18 =	simm.s32 $0xF;
	v8 =	vimm.f32 $0.0e+00;
	v9 =	vimm.f32 $0.0e+00;
	v21 =	vld.idx.msk [tilespmem:v14+s8+$0x0], $0xffff;
	v14 =	vimm.f32 $0.0e+00  }
.LBB2_15:
0x19d: {  	p1 =	sne.s32 s18, $0x7F;
	v25 =	vand.u32 $0x7F, v25;
	v26 =	vld.idx.msk [tilespmem:v22+s7+$0x0], $0xffff  }
0x19e: {  	v27 =	vadd.s32 s18, v0;
	v25 =	vor.u32 v2, v25;
	v28 =	vld.idx.msk [tilespmem:v22+s8+$0x0], $0xffff  }
0x19f: {  	s2 =	sadd.s32 $0xFFFFFFFF, s18;
	v22 =	vand.u32 $0x7F, v27;
	v27 =	vld.idx.msk [tilespmem:v23+s7+$0x0], $0xffff  }
0x1a0: {  	v29 =	vadd.s32 s2, v0;
	v22 =	vor.u32 v2, v22;
	v30 =	vld.idx.msk [tilespmem:v23+s8+$0x0], $0xffff  }
0x1a1: {  	v7 =	vmul.f32 v10, v7;
	s2 =	sadd.s32 $0xFFFFFFFE, s18;
	v23 =	vand.u32 $0x7F, v29;
	v29 =	vld.idx.msk [tilespmem:v24+s7+$0x0], $0xffff  }
0x1a2: {  	v10 =	vadd.s32 s2, v0;
	v23 =	vor.u32 v2, v23;
	v24 =	vld.idx.msk [tilespmem:v24+s8+$0x0], $0xffff  }
0x1a3: {  	v12 =	vmul.f32 v15, v12;
	s2 =	sadd.s32 $0xFFFFFFFD, s18;
	v6 =	vadd.f32 v7, v6;
	v10 =	vand.u32 $0x7F, v10;
	v31 =	vld.idx.msk [tilespmem:v25+s7+$0x0], $0xffff  }
0x1a4: {  	v15 =	vmul.f32 v19, v18;
	v7 =	vadd.s32 s2, v0;
	v32 =	vor.u32 v2, v10;
	v25 =	vld.idx.msk [tilespmem:v25+s8+$0x0], $0xffff  }
0x1a5: {  	v8 =	vadd.f32 v12, v8;
	s2 =	sadd.s32 $0xFFFFFFFC, s18;
	v10 =	vand.u32 $0x7F, v7;
	v18 =	vmul.f32 v21, v20;
	v7 =	vld.idx.msk [tilespmem:v22+s7+$0x0], $0xffff  }
0x1a6: {  	s22 =	sadd.s32 $0xFFFFFFFB, s18;
	v12 =	vadd.s32 s2, v0;
	v9 =	vadd.f32 v15, v9;
	v21 =	vor.u32 v2, v10;
	v10 =	vld.idx.msk [tilespmem:v22+s8+$0x0], $0xffff  }
0x1a7: {  	v15 =	vadd.s32 s22, v0;
	v19 =	vand.u32 $0x7F, v12;
	v11 =	vadd.f32 v18, v11;
	v12 =	vld.idx.msk [tilespmem:v23+s7+$0x0], $0xffff  }
.Ltmp6:
0x1a8: {  	s2 =	sadd.s32 $0xFFFFFFFA, s18;
	v18 =	vand.u32 $0x7F, v15;
	v26 =	vmul.f32 v28, v26;
	v22 =	vor.u32 v2, v19;
	v15 =	vld.idx.msk [tilespmem:v23+s8+$0x0], $0xffff;
	(pc) =	sbr.rel @p1 .LBB2_15-.Ltmp6, $4  }
0x1a9: {  	v27 =	vmul.f32 v30, v27;
	v19 =	vadd.s32 s2, v0;
	v23 =	vor.u32 v2, v18;
	v18 =	vld.idx.msk [tilespmem:v32+s7+$0x0], $0xffff  }
0x1aa: {  	v20 =	vand.u32 $0x7F, v19;
	v29 =	vmul.f32 v24, v29;
	v28 =	vmul.f32 v25, v31;
	v19 =	vld.idx.msk [tilespmem:v32+s8+$0x0], $0xffff  }
0x1ab: {  	v14 =	vadd.f32 v26, v14;
	s2 =	sadd.s32 $0xFFFFFFF9, s18;
	v13 =	vadd.f32 v27, v13;
	v24 =	vor.u32 v2, v20;
	v20 =	vld.idx.msk [tilespmem:v21+s7+$0x0], $0xffff  }
0x1ac: {  	s18 =	sadd.s32 $0x8, s18;
	v25 =	vadd.s32 s2, v0;
	v17 =	vadd.f32 v29, v17;
	v16 =	vadd.f32 v28, v16;
	v21 =	vld.idx.msk [tilespmem:v21+s8+$0x0], $0xffff  }
0x1ad: {  	v25 =	vand.u32 $0x7F, v25  }
0x1ae: {  	v25 =	vor.u32 v2, v25;
	_ =	sdelay $0x2  }
0x1af: {  	v26 =	vld.idx.msk [tilespmem:v24+s7+$0x0], $0xffff  }
0x1b0: {  	v24 =	vld.idx.msk [tilespmem:v24+s8+$0x0], $0xffff  }
0x1b1: {  	v27 =	vld.idx.msk [tilespmem:v25+s7+$0x0], $0xffff  }
0x1b2: {  	v25 =	vld.idx.msk [tilespmem:v25+s8+$0x0], $0xffff  }
0x1b3: {  	v28 =	vld.idx.msk [tilespmem:v23+s7+$0x0], $0xffff  }
0x1b4: {  	v23 =	vld.idx.msk [tilespmem:v23+s8+$0x0], $0xffff  }
0x1b5: {  	v29 =	vld.idx.msk [tilespmem:v22+s7+$0x0], $0xffff  }
0x1b6: {  	v22 =	vld.idx.msk [tilespmem:v22+s8+$0x0], $0xffff  }
0x1b7: {  	v24 =	vmul.f32 v24, v26;
	v25 =	vmul.f32 v25, v27;
	_ =	sdelay $0x1  }
0x1b8: {  	v23 =	vmul.f32 v23, v28;
	v17 =	vadd.f32 v24, v17;
	v16 =	vadd.f32 v25, v16;
	_ =	sdelay $0x1  }
0x1b9: {  	v22 =	vmul.f32 v22, v29;
	v13 =	vadd.f32 v23, v13;
	v16 =	vadd.f32 v17, v16;
	_ =	sdelay $0x1  }
0x1ba: {  	v14 =	vadd.f32 v22, v14;
	v17 =	vmul.f32 v21, v20;
	v13 =	vadd.f32 v13, v16;
	_ =	sdelay $0x1  }
0x1bb: {  	v16 =	vmul.f32 v19, v18;
	v11 =	vadd.f32 v17, v11;
	v13 =	vadd.f32 v14, v13;
	_ =	sdelay $0x1  }
0x1bc: {  	v12 =	vmul.f32 v15, v12;
	v9 =	vadd.f32 v16, v9;
	v11 =	vadd.f32 v11, v13  }
0x1bd: {  	v7 =	vmul.f32 v10, v7;
	s2 =	simm.s32 $0x7  }
0x1be: {  	v10 =	vadd.s32 s2, v0;
	v8 =	vadd.f32 v12, v8;
	v9 =	vadd.f32 v9, v11  }
0x1bf: {  	s18 =	simm.s32 $0x6;
	v6 =	vadd.f32 v7, v6;
	v7 =	vand.u32 $0x7F, v10  }
0x1c0: {  	v10 =	vor.u32 v3, v7;
	v8 =	vadd.f32 v8, v9;
	v9 =	vadd.s32 s18, v0  }
0x1c1: {  	s22 =	simm.s32 $0x5;
	v7 =	vand.u32 $0x7F, v9  }
0x1c2: {  	v6 =	vadd.f32 v6, v8;
	v8 =	vadd.s32 s22, v0;
	v9 =	vor.u32 v3, v7  }
0x1c3: {  	s1 =	simm.s32 $0x4;
	v7 =	vand.u32 $0x7F, v8  }
0x1c4: {  	[tilespmem:s25+$0x1DA90] =	vst v6;
	v6 =	vadd.s32 s1, v0;
	v8 =	vor.u32 v3, v7  }
0x1c5: {  	s14 =	simm.s32 $0x3;
	v6 =	vand.u32 $0x7F, v6;
	v7 =	vld.idx.msk [tilespmem:v10+s7+$0x0], $0xffff  }
0x1c6: {  	v11 =	vadd.s32 s14, v0;
	v10 =	vld.idx.msk [tilespmem:v10+s8+$0x0], $0xffff;
	v14 =	vor.u32 v3, v6  }
0x1c7: {  	v17 =	vimm.f32 $0.0e+00;
	v11 =	vand.u32 $0x7F, v11;
	s18 =	simm.s32 $0x2;
	v12 =	vld.idx.msk [tilespmem:v9+s7+$0x0], $0xffff  }
0x1c8: {  	v16 =	vimm.f32 $0.0e+00;
	v22 =	vor.u32 v3, v11;
	v13 =	vadd.s32 s18, v0;
	s18 =	simm.s32 $0x1;
	v15 =	vld.idx.msk [tilespmem:v9+s8+$0x0], $0xffff  }
0x1c9: {  	v11 =	vimm.f32 $0.0e+00;
	v13 =	vand.u32 $0x7F, v13;
	s22 =	simm.s32 $0x0;
	v9 =	vadd.s32 s18, v0;
	v18 =	vld.idx.msk [tilespmem:v8+s7+$0x0], $0xffff  }
0x1ca: {  	v23 =	vor.u32 v3, v13;
	v25 =	vadd.s32 s22, v0;
	v9 =	vand.u32 $0x7F, v9;
	v19 =	vld.idx.msk [tilespmem:v8+s8+$0x0], $0xffff  }
0x1cb: {  	v13 =	vimm.f32 $0.0e+00;
	v6 =	vimm.f32 $0.0e+00;
	v24 =	vor.u32 v3, v9;
	v20 =	vld.idx.msk [tilespmem:v14+s7+$0x0], $0xffff  }
0x1cc: {  	s18 =	simm.s32 $0xF;
	v8 =	vimm.f32 $0.0e+00;
	v9 =	vimm.f32 $0.0e+00;
	v21 =	vld.idx.msk [tilespmem:v14+s8+$0x0], $0xffff;
	v14 =	vimm.f32 $0.0e+00  }
.LBB2_17:
0x1cd: {  	p1 =	sne.s32 s18, $0x7F;
	v25 =	vand.u32 $0x7F, v25;
	v26 =	vld.idx.msk [tilespmem:v22+s7+$0x0], $0xffff  }
0x1ce: {  	v27 =	vadd.s32 s18, v0;
	v25 =	vor.u32 v3, v25;
	v28 =	vld.idx.msk [tilespmem:v22+s8+$0x0], $0xffff  }
0x1cf: {  	s2 =	sadd.s32 $0xFFFFFFFF, s18;
	v22 =	vand.u32 $0x7F, v27;
	v27 =	vld.idx.msk [tilespmem:v23+s7+$0x0], $0xffff  }
0x1d0: {  	v29 =	vadd.s32 s2, v0;
	v22 =	vor.u32 v3, v22;
	v30 =	vld.idx.msk [tilespmem:v23+s8+$0x0], $0xffff  }
0x1d1: {  	v7 =	vmul.f32 v10, v7;
	s2 =	sadd.s32 $0xFFFFFFFE, s18;
	v23 =	vand.u32 $0x7F, v29;
	v29 =	vld.idx.msk [tilespmem:v24+s7+$0x0], $0xffff  }
0x1d2: {  	v10 =	vadd.s32 s2, v0;
	v23 =	vor.u32 v3, v23;
	v24 =	vld.idx.msk [tilespmem:v24+s8+$0x0], $0xffff  }
0x1d3: {  	v12 =	vmul.f32 v15, v12;
	s2 =	sadd.s32 $0xFFFFFFFD, s18;
	v6 =	vadd.f32 v7, v6;
	v10 =	vand.u32 $0x7F, v10;
	v31 =	vld.idx.msk [tilespmem:v25+s7+$0x0], $0xffff  }
0x1d4: {  	v15 =	vmul.f32 v19, v18;
	v7 =	vadd.s32 s2, v0;
	v32 =	vor.u32 v3, v10;
	v25 =	vld.idx.msk [tilespmem:v25+s8+$0x0], $0xffff  }
0x1d5: {  	v8 =	vadd.f32 v12, v8;
	s2 =	sadd.s32 $0xFFFFFFFC, s18;
	v10 =	vand.u32 $0x7F, v7;
	v18 =	vmul.f32 v21, v20;
	v7 =	vld.idx.msk [tilespmem:v22+s7+$0x0], $0xffff  }
0x1d6: {  	s22 =	sadd.s32 $0xFFFFFFFB, s18;
	v12 =	vadd.s32 s2, v0;
	v9 =	vadd.f32 v15, v9;
	v21 =	vor.u32 v3, v10;
	v10 =	vld.idx.msk [tilespmem:v22+s8+$0x0], $0xffff  }
0x1d7: {  	v15 =	vadd.s32 s22, v0;
	v19 =	vand.u32 $0x7F, v12;
	v11 =	vadd.f32 v18, v11;
	v12 =	vld.idx.msk [tilespmem:v23+s7+$0x0], $0xffff  }
.Ltmp7:
0x1d8: {  	s2 =	sadd.s32 $0xFFFFFFFA, s18;
	v18 =	vand.u32 $0x7F, v15;
	v26 =	vmul.f32 v28, v26;
	v22 =	vor.u32 v3, v19;
	v15 =	vld.idx.msk [tilespmem:v23+s8+$0x0], $0xffff;
	(pc) =	sbr.rel @p1 .LBB2_17-.Ltmp7, $4  }
0x1d9: {  	v27 =	vmul.f32 v30, v27;
	v19 =	vadd.s32 s2, v0;
	v23 =	vor.u32 v3, v18;
	v18 =	vld.idx.msk [tilespmem:v32+s7+$0x0], $0xffff  }
0x1da: {  	v20 =	vand.u32 $0x7F, v19;
	v29 =	vmul.f32 v24, v29;
	v28 =	vmul.f32 v25, v31;
	v19 =	vld.idx.msk [tilespmem:v32+s8+$0x0], $0xffff  }
0x1db: {  	v14 =	vadd.f32 v26, v14;
	s2 =	sadd.s32 $0xFFFFFFF9, s18;
	v13 =	vadd.f32 v27, v13;
	v24 =	vor.u32 v3, v20;
	v20 =	vld.idx.msk [tilespmem:v21+s7+$0x0], $0xffff  }
0x1dc: {  	s18 =	sadd.s32 $0x8, s18;
	v25 =	vadd.s32 s2, v0;
	v17 =	vadd.f32 v29, v17;
	v16 =	vadd.f32 v28, v16;
	v21 =	vld.idx.msk [tilespmem:v21+s8+$0x0], $0xffff  }
0x1dd: {  	v25 =	vand.u32 $0x7F, v25  }
0x1de: {  	v25 =	vor.u32 v3, v25;
	_ =	sdelay $0x2  }
0x1df: {  	v26 =	vld.idx.msk [tilespmem:v24+s7+$0x0], $0xffff  }
0x1e0: {  	v24 =	vld.idx.msk [tilespmem:v24+s8+$0x0], $0xffff  }
0x1e1: {  	v27 =	vld.idx.msk [tilespmem:v25+s7+$0x0], $0xffff  }
0x1e2: {  	v25 =	vld.idx.msk [tilespmem:v25+s8+$0x0], $0xffff  }
0x1e3: {  	v28 =	vld.idx.msk [tilespmem:v23+s7+$0x0], $0xffff  }
0x1e4: {  	v23 =	vld.idx.msk [tilespmem:v23+s8+$0x0], $0xffff  }
0x1e5: {  	v29 =	vld.idx.msk [tilespmem:v22+s7+$0x0], $0xffff  }
0x1e6: {  	v22 =	vld.idx.msk [tilespmem:v22+s8+$0x0], $0xffff  }
0x1e7: {  	v24 =	vmul.f32 v24, v26;
	v25 =	vmul.f32 v25, v27;
	_ =	sdelay $0x1  }
0x1e8: {  	v23 =	vmul.f32 v23, v28;
	v17 =	vadd.f32 v24, v17;
	v16 =	vadd.f32 v25, v16;
	_ =	sdelay $0x1  }
0x1e9: {  	v22 =	vmul.f32 v22, v29;
	v13 =	vadd.f32 v23, v13;
	v16 =	vadd.f32 v17, v16;
	_ =	sdelay $0x1  }
0x1ea: {  	v14 =	vadd.f32 v22, v14;
	v17 =	vmul.f32 v21, v20;
	v13 =	vadd.f32 v13, v16;
	_ =	sdelay $0x1  }
0x1eb: {  	v16 =	vmul.f32 v19, v18;
	v11 =	vadd.f32 v17, v11;
	v13 =	vadd.f32 v14, v13;
	_ =	sdelay $0x1  }
0x1ec: {  	v12 =	vmul.f32 v15, v12;
	v9 =	vadd.f32 v16, v9;
	v11 =	vadd.f32 v11, v13  }
0x1ed: {  	v7 =	vmul.f32 v10, v7;
	s2 =	simm.s32 $0x7  }
0x1ee: {  	v10 =	vadd.s32 s2, v0;
	v8 =	vadd.f32 v12, v8;
	v9 =	vadd.f32 v9, v11  }
0x1ef: {  	s18 =	simm.s32 $0x6;
	v6 =	vadd.f32 v7, v6;
	v7 =	vand.u32 $0x7F, v10  }
0x1f0: {  	v10 =	vor.u32 v4, v7;
	v8 =	vadd.f32 v8, v9;
	v9 =	vadd.s32 s18, v0  }
0x1f1: {  	s22 =	simm.s32 $0x5;
	v7 =	vand.u32 $0x7F, v9  }
0x1f2: {  	v6 =	vadd.f32 v6, v8;
	v8 =	vadd.s32 s22, v0;
	v9 =	vor.u32 v4, v7  }
0x1f3: {  	s1 =	simm.s32 $0x4;
	v7 =	vand.u32 $0x7F, v8  }
0x1f4: {  	[tilespmem:s25+$0x1DAA0] =	vst v6;
	v6 =	vadd.s32 s1, v0;
	v8 =	vor.u32 v4, v7  }
0x1f5: {  	s14 =	simm.s32 $0x3;
	v6 =	vand.u32 $0x7F, v6;
	v7 =	vld.idx.msk [tilespmem:v10+s7+$0x0], $0xffff  }
0x1f6: {  	v11 =	vadd.s32 s14, v0;
	v10 =	vld.idx.msk [tilespmem:v10+s8+$0x0], $0xffff;
	v14 =	vor.u32 v4, v6  }
0x1f7: {  	v17 =	vimm.f32 $0.0e+00;
	v11 =	vand.u32 $0x7F, v11;
	s18 =	simm.s32 $0x2;
	v12 =	vld.idx.msk [tilespmem:v9+s7+$0x0], $0xffff  }
0x1f8: {  	v16 =	vimm.f32 $0.0e+00;
	v22 =	vor.u32 v4, v11;
	v13 =	vadd.s32 s18, v0;
	s18 =	simm.s32 $0x1;
	v15 =	vld.idx.msk [tilespmem:v9+s8+$0x0], $0xffff  }
0x1f9: {  	v11 =	vimm.f32 $0.0e+00;
	v13 =	vand.u32 $0x7F, v13;
	s22 =	simm.s32 $0x0;
	v9 =	vadd.s32 s18, v0;
	v18 =	vld.idx.msk [tilespmem:v8+s7+$0x0], $0xffff  }
0x1fa: {  	v23 =	vor.u32 v4, v13;
	v25 =	vadd.s32 s22, v0;
	v9 =	vand.u32 $0x7F, v9;
	v19 =	vld.idx.msk [tilespmem:v8+s8+$0x0], $0xffff  }
0x1fb: {  	v13 =	vimm.f32 $0.0e+00;
	v6 =	vimm.f32 $0.0e+00;
	v24 =	vor.u32 v4, v9;
	v20 =	vld.idx.msk [tilespmem:v14+s7+$0x0], $0xffff  }
0x1fc: {  	s18 =	simm.s32 $0xF;
	v8 =	vimm.f32 $0.0e+00;
	v9 =	vimm.f32 $0.0e+00;
	v21 =	vld.idx.msk [tilespmem:v14+s8+$0x0], $0xffff;
	v14 =	vimm.f32 $0.0e+00  }
.LBB2_19:
0x1fd: {  	p1 =	sne.s32 s18, $0x7F;
	v25 =	vand.u32 $0x7F, v25;
	v26 =	vld.idx.msk [tilespmem:v22+s7+$0x0], $0xffff  }
0x1fe: {  	v27 =	vadd.s32 s18, v0;
	v25 =	vor.u32 v4, v25;
	v28 =	vld.idx.msk [tilespmem:v22+s8+$0x0], $0xffff  }
0x1ff: {  	s2 =	sadd.s32 $0xFFFFFFFF, s18;
	v22 =	vand.u32 $0x7F, v27;
	v27 =	vld.idx.msk [tilespmem:v23+s7+$0x0], $0xffff  }
0x200: {  	v29 =	vadd.s32 s2, v0;
	v22 =	vor.u32 v4, v22;
	v30 =	vld.idx.msk [tilespmem:v23+s8+$0x0], $0xffff  }
0x201: {  	v7 =	vmul.f32 v10, v7;
	s2 =	sadd.s32 $0xFFFFFFFE, s18;
	v23 =	vand.u32 $0x7F, v29;
	v29 =	vld.idx.msk [tilespmem:v24+s7+$0x0], $0xffff  }
0x202: {  	v10 =	vadd.s32 s2, v0;
	v23 =	vor.u32 v4, v23;
	v24 =	vld.idx.msk [tilespmem:v24+s8+$0x0], $0xffff  }
0x203: {  	v12 =	vmul.f32 v15, v12;
	s2 =	sadd.s32 $0xFFFFFFFD, s18;
	v6 =	vadd.f32 v7, v6;
	v10 =	vand.u32 $0x7F, v10;
	v31 =	vld.idx.msk [tilespmem:v25+s7+$0x0], $0xffff  }
0x204: {  	v15 =	vmul.f32 v19, v18;
	v7 =	vadd.s32 s2, v0;
	v32 =	vor.u32 v4, v10;
	v25 =	vld.idx.msk [tilespmem:v25+s8+$0x0], $0xffff  }
0x205: {  	v8 =	vadd.f32 v12, v8;
	s2 =	sadd.s32 $0xFFFFFFFC, s18;
	v10 =	vand.u32 $0x7F, v7;
	v18 =	vmul.f32 v21, v20;
	v7 =	vld.idx.msk [tilespmem:v22+s7+$0x0], $0xffff  }
0x206: {  	s22 =	sadd.s32 $0xFFFFFFFB, s18;
	v12 =	vadd.s32 s2, v0;
	v9 =	vadd.f32 v15, v9;
	v21 =	vor.u32 v4, v10;
	v10 =	vld.idx.msk [tilespmem:v22+s8+$0x0], $0xffff  }
0x207: {  	v15 =	vadd.s32 s22, v0;
	v19 =	vand.u32 $0x7F, v12;
	v11 =	vadd.f32 v18, v11;
	v12 =	vld.idx.msk [tilespmem:v23+s7+$0x0], $0xffff  }
.Ltmp8:
0x208: {  	s2 =	sadd.s32 $0xFFFFFFFA, s18;
	v18 =	vand.u32 $0x7F, v15;
	v26 =	vmul.f32 v28, v26;
	v22 =	vor.u32 v4, v19;
	v15 =	vld.idx.msk [tilespmem:v23+s8+$0x0], $0xffff;
	(pc) =	sbr.rel @p1 .LBB2_19-.Ltmp8, $4  }
0x209: {  	v27 =	vmul.f32 v30, v27;
	v19 =	vadd.s32 s2, v0;
	v23 =	vor.u32 v4, v18;
	v18 =	vld.idx.msk [tilespmem:v32+s7+$0x0], $0xffff  }
0x20a: {  	v20 =	vand.u32 $0x7F, v19;
	v29 =	vmul.f32 v24, v29;
	v28 =	vmul.f32 v25, v31;
	v19 =	vld.idx.msk [tilespmem:v32+s8+$0x0], $0xffff  }
0x20b: {  	v14 =	vadd.f32 v26, v14;
	s2 =	sadd.s32 $0xFFFFFFF9, s18;
	v13 =	vadd.f32 v27, v13;
	v24 =	vor.u32 v4, v20;
	v20 =	vld.idx.msk [tilespmem:v21+s7+$0x0], $0xffff  }
0x20c: {  	s18 =	sadd.s32 $0x8, s18;
	v25 =	vadd.s32 s2, v0;
	v17 =	vadd.f32 v29, v17;
	v16 =	vadd.f32 v28, v16;
	v21 =	vld.idx.msk [tilespmem:v21+s8+$0x0], $0xffff  }
0x20d: {  	v25 =	vand.u32 $0x7F, v25  }
0x20e: {  	v25 =	vor.u32 v4, v25;
	_ =	sdelay $0x2  }
0x20f: {  	v26 =	vld.idx.msk [tilespmem:v24+s7+$0x0], $0xffff  }
0x210: {  	v24 =	vld.idx.msk [tilespmem:v24+s8+$0x0], $0xffff  }
0x211: {  	v27 =	vld.idx.msk [tilespmem:v25+s7+$0x0], $0xffff  }
0x212: {  	v25 =	vld.idx.msk [tilespmem:v25+s8+$0x0], $0xffff  }
0x213: {  	v28 =	vld.idx.msk [tilespmem:v23+s7+$0x0], $0xffff  }
0x214: {  	v23 =	vld.idx.msk [tilespmem:v23+s8+$0x0], $0xffff  }
0x215: {  	v29 =	vld.idx.msk [tilespmem:v22+s7+$0x0], $0xffff  }
0x216: {  	v22 =	vld.idx.msk [tilespmem:v22+s8+$0x0], $0xffff  }
0x217: {  	v24 =	vmul.f32 v24, v26;
	v25 =	vmul.f32 v25, v27;
	_ =	sdelay $0x1  }
0x218: {  	v23 =	vmul.f32 v23, v28;
	v17 =	vadd.f32 v24, v17;
	v16 =	vadd.f32 v25, v16;
	_ =	sdelay $0x1  }
0x219: {  	v22 =	vmul.f32 v22, v29;
	v13 =	vadd.f32 v23, v13;
	v16 =	vadd.f32 v17, v16;
	_ =	sdelay $0x1  }
0x21a: {  	v14 =	vadd.f32 v22, v14;
	v17 =	vmul.f32 v21, v20;
	v13 =	vadd.f32 v13, v16;
	_ =	sdelay $0x1  }
0x21b: {  	v16 =	vmul.f32 v19, v18;
	v11 =	vadd.f32 v17, v11;
	v13 =	vadd.f32 v14, v13;
	_ =	sdelay $0x1  }
0x21c: {  	v12 =	vmul.f32 v15, v12;
	v9 =	vadd.f32 v16, v9;
	v11 =	vadd.f32 v11, v13  }
0x21d: {  	v7 =	vmul.f32 v10, v7;
	s2 =	simm.s32 $0x7  }
0x21e: {  	v10 =	vadd.s32 s2, v0;
	v8 =	vadd.f32 v12, v8;
	v9 =	vadd.f32 v9, v11  }
0x21f: {  	s18 =	simm.s32 $0x6;
	v6 =	vadd.f32 v7, v6;
	v7 =	vand.u32 $0x7F, v10  }
0x220: {  	v10 =	vor.u32 v5, v7;
	v8 =	vadd.f32 v8, v9;
	v9 =	vadd.s32 s18, v0  }
0x221: {  	s22 =	simm.s32 $0x5;
	v7 =	vand.u32 $0x7F, v9  }
0x222: {  	v6 =	vadd.f32 v6, v8;
	v8 =	vadd.s32 s22, v0;
	v9 =	vor.u32 v5, v7  }
0x223: {  	s1 =	simm.s32 $0x4;
	v7 =	vand.u32 $0x7F, v8  }
0x224: {  	[tilespmem:s25+$0x1DAB0] =	vst v6;
	v6 =	vadd.s32 s1, v0;
	v8 =	vor.u32 v5, v7  }
0x225: {  	s14 =	simm.s32 $0x3;
	v6 =	vand.u32 $0x7F, v6;
	v7 =	vld.idx.msk [tilespmem:v10+s7+$0x0], $0xffff  }
0x226: {  	v11 =	vadd.s32 s14, v0;
	v10 =	vld.idx.msk [tilespmem:v10+s8+$0x0], $0xffff;
	v14 =	vor.u32 v5, v6  }
0x227: {  	v17 =	vimm.f32 $0.0e+00;
	v11 =	vand.u32 $0x7F, v11;
	s18 =	simm.s32 $0x2;
	v12 =	vld.idx.msk [tilespmem:v9+s7+$0x0], $0xffff  }
0x228: {  	v16 =	vimm.f32 $0.0e+00;
	v22 =	vor.u32 v5, v11;
	v13 =	vadd.s32 s18, v0;
	s18 =	simm.s32 $0x1;
	v15 =	vld.idx.msk [tilespmem:v9+s8+$0x0], $0xffff  }
0x229: {  	v11 =	vimm.f32 $0.0e+00;
	v13 =	vand.u32 $0x7F, v13;
	s22 =	simm.s32 $0x0;
	v9 =	vadd.s32 s18, v0;
	v18 =	vld.idx.msk [tilespmem:v8+s7+$0x0], $0xffff  }
0x22a: {  	v23 =	vor.u32 v5, v13;
	v25 =	vadd.s32 s22, v0;
	v9 =	vand.u32 $0x7F, v9;
	v19 =	vld.idx.msk [tilespmem:v8+s8+$0x0], $0xffff  }
0x22b: {  	v13 =	vimm.f32 $0.0e+00;
	v6 =	vimm.f32 $0.0e+00;
	v24 =	vor.u32 v5, v9;
	v20 =	vld.idx.msk [tilespmem:v14+s7+$0x0], $0xffff  }
0x22c: {  	s18 =	simm.s32 $0xF;
	v8 =	vimm.f32 $0.0e+00;
	v9 =	vimm.f32 $0.0e+00;
	v21 =	vld.idx.msk [tilespmem:v14+s8+$0x0], $0xffff;
	v14 =	vimm.f32 $0.0e+00  }
.LBB2_21:
0x22d: {  	p1 =	sne.s32 s18, $0x7F;
	v25 =	vand.u32 $0x7F, v25;
	v26 =	vld.idx.msk [tilespmem:v22+s7+$0x0], $0xffff  }
0x22e: {  	v27 =	vadd.s32 s18, v0;
	v25 =	vor.u32 v5, v25;
	v28 =	vld.idx.msk [tilespmem:v22+s8+$0x0], $0xffff  }
0x22f: {  	s2 =	sadd.s32 $0xFFFFFFFF, s18;
	v22 =	vand.u32 $0x7F, v27;
	v27 =	vld.idx.msk [tilespmem:v23+s7+$0x0], $0xffff  }
0x230: {  	v29 =	vadd.s32 s2, v0;
	v22 =	vor.u32 v5, v22;
	v30 =	vld.idx.msk [tilespmem:v23+s8+$0x0], $0xffff  }
0x231: {  	v7 =	vmul.f32 v10, v7;
	s2 =	sadd.s32 $0xFFFFFFFE, s18;
	v23 =	vand.u32 $0x7F, v29;
	v29 =	vld.idx.msk [tilespmem:v24+s7+$0x0], $0xffff  }
0x232: {  	v10 =	vadd.s32 s2, v0;
	v23 =	vor.u32 v5, v23;
	v24 =	vld.idx.msk [tilespmem:v24+s8+$0x0], $0xffff  }
0x233: {  	v12 =	vmul.f32 v15, v12;
	s2 =	sadd.s32 $0xFFFFFFFD, s18;
	v6 =	vadd.f32 v7, v6;
	v10 =	vand.u32 $0x7F, v10;
	v31 =	vld.idx.msk [tilespmem:v25+s7+$0x0], $0xffff  }
0x234: {  	v15 =	vmul.f32 v19, v18;
	v7 =	vadd.s32 s2, v0;
	v32 =	vor.u32 v5, v10;
	v25 =	vld.idx.msk [tilespmem:v25+s8+$0x0], $0xffff  }
0x235: {  	v8 =	vadd.f32 v12, v8;
	s2 =	sadd.s32 $0xFFFFFFFC, s18;
	v10 =	vand.u32 $0x7F, v7;
	v18 =	vmul.f32 v21, v20;
	v7 =	vld.idx.msk [tilespmem:v22+s7+$0x0], $0xffff  }
0x236: {  	s22 =	sadd.s32 $0xFFFFFFFB, s18;
	v12 =	vadd.s32 s2, v0;
	v9 =	vadd.f32 v15, v9;
	v21 =	vor.u32 v5, v10;
	v10 =	vld.idx.msk [tilespmem:v22+s8+$0x0], $0xffff  }
0x237: {  	v15 =	vadd.s32 s22, v0;
	v19 =	vand.u32 $0x7F, v12;
	v11 =	vadd.f32 v18, v11;
	v12 =	vld.idx.msk [tilespmem:v23+s7+$0x0], $0xffff  }
.Ltmp9:
0x238: {  	s2 =	sadd.s32 $0xFFFFFFFA, s18;
	v18 =	vand.u32 $0x7F, v15;
	v26 =	vmul.f32 v28, v26;
	v22 =	vor.u32 v5, v19;
	v15 =	vld.idx.msk [tilespmem:v23+s8+$0x0], $0xffff;
	(pc) =	sbr.rel @p1 .LBB2_21-.Ltmp9, $4  }
0x239: {  	v27 =	vmul.f32 v30, v27;
	v19 =	vadd.s32 s2, v0;
	v23 =	vor.u32 v5, v18;
	v18 =	vld.idx.msk [tilespmem:v32+s7+$0x0], $0xffff  }
0x23a: {  	v20 =	vand.u32 $0x7F, v19;
	v29 =	vmul.f32 v24, v29;
	v28 =	vmul.f32 v25, v31;
	v19 =	vld.idx.msk [tilespmem:v32+s8+$0x0], $0xffff  }
0x23b: {  	v14 =	vadd.f32 v26, v14;
	s2 =	sadd.s32 $0xFFFFFFF9, s18;
	v13 =	vadd.f32 v27, v13;
	v24 =	vor.u32 v5, v20;
	v20 =	vld.idx.msk [tilespmem:v21+s7+$0x0], $0xffff  }
0x23c: {  	s18 =	sadd.s32 $0x8, s18;
	v25 =	vadd.s32 s2, v0;
	v17 =	vadd.f32 v29, v17;
	v16 =	vadd.f32 v28, v16;
	v21 =	vld.idx.msk [tilespmem:v21+s8+$0x0], $0xffff  }
0x23d: {  	v25 =	vand.u32 $0x7F, v25  }
0x23e: {  	v25 =	vor.u32 v5, v25;
	_ =	sdelay $0x2  }
0x23f: {  	v26 =	vld.idx.msk [tilespmem:v24+s7+$0x0], $0xffff  }
0x240: {  	v59 =	vld.idx.msk [tilespmem:v24+s8+$0x0], $0xffff  }
0x241: {  	v27 =	vld.idx.msk [tilespmem:v25+s7+$0x0], $0xffff  }
0x242: {  	v25 =	vld.idx.msk [tilespmem:v25+s8+$0x0], $0xffff  }
0x243: {  	v28 =	vld.idx.msk [tilespmem:v23+s7+$0x0], $0xffff  }
0x244: {  	v60 =	vld.idx.msk [tilespmem:v23+s8+$0x0], $0xffff  }
0x245: {  	v29 =	vld.idx.msk [tilespmem:v22+s7+$0x0], $0xffff  }
0x246: {  	v61 =	vld.idx.msk [tilespmem:v22+s8+$0x0], $0xffff  }
0x247: {  	v24 =	vmul.f32 v59, v26;
	v25 =	vmul.f32 v25, v27;
	_ =	sdelay $0x1  }
0x248: {  	v23 =	vmul.f32 v60, v28;
	v17 =	vadd.f32 v24, v17;
	v16 =	vadd.f32 v25, v16;
	_ =	sdelay $0x1  }
0x249: {  	v22 =	vmul.f32 v61, v29;
	v13 =	vadd.f32 v23, v13;
	v16 =	vadd.f32 v17, v16;
	_ =	sdelay $0x1  }
0x24a: {  	v62 =	vmul.f32 v21, v20;
	v14 =	vadd.f32 v22, v14;
	v13 =	vadd.f32 v13, v16;
	_ =	sdelay $0x1  }
0x24b: {  	v63 =	vmul.f32 v19, v18;
	v11 =	vadd.f32 v62, v11;
	v13 =	vadd.f32 v14, v13;
	_ =	sdelay $0x1  }
0x24c: {  	v12 =	vmul.f32 v15, v12;
	v9 =	vadd.f32 v63, v9;
	v11 =	vadd.f32 v11, v13;
	_ =	sdelay $0x1  }
0x24d: {  	v7 =	vmul.f32 v10, v7;
	v8 =	vadd.f32 v12, v8;
	v9 =	vadd.f32 v9, v11;
	_ =	sdelay $0x1  }
0x24e: {  	v6 =	vadd.f32 v7, v6;
	v7 =	vadd.f32 v8, v9  }
0x24f: {  	p1 =	sne.s32 s12, $0x18  }
0x250: {  	s2 =	sadd.s32 @!p1 s24, s17;
	v6 =	vadd.f32 v6, v7  }
0x251: {  	s19 =	sadd.s32 $0x1, s19;
	s12 =	simm.s32 @!p1 $0x0;
	s2 =	sshrl.u32 @!p1 s2, $0x3  }
0x252: {  	s18 =	simm.s32 @!p1 $0x1DA80;
	p2 =	sne.s32 s19, $0x3E;
	s2 =	sadd.s32 @!p1 s26, s2;
	[tilespmem:s25+$0x1DAC0] =	vst v6  }
0x253: {  	[hbm4b:s2+s12] =	stream.linear.scatter @!p1 [tilespmem:s18], [sflag:$0x7], $0x7D0, $0x38;
	[tilespmem:$0x1E280] =	vst v63  }
.Ltmp10:
0x254: {  	_ = 	snop;
	(pc) =	sbr.rel @p2 .LBB2_2-.Ltmp10, $4  }
0x255: {  	s2 =	simm.s32 @!p1 $0x7  }
0x256: {  	_ =	swait.ge @!p1 [sflag:s2], $0x7D0  }
0x257: {  	[sflag:s2] =	ssyncset.done @!p1 $0x0  }
0x258: {  	[sflag:s2] =	ssyncadd.s32 @!p1 $0xFFFFF830  }
0x259: {  	s2 =	simm.s32 $0x7  }
0x25a: {  	v6 =	vadd.s32 s2, v0  }
0x25b: {  	_ =	swait.ge [sflag:s9], $0x2800;
	s14 =	simm.s32 $0x6;
	v6 =	vand.u32 $0x7F, v6  }
0x25c: {  	[sflag:s9] =	ssyncset.done $0x0;
	v7 =	vadd.s32 s14, v0;
	v6 =	vor.u32 v1, v6  }
0x25d: {  	s18 =	simm.s32 $0x5;
	[sflag:s9] =	ssyncadd.s32 $0xFFFFD800;
	v7 =	vand.u32 $0x7F, v7  }
0x25e: {  	v8 =	vadd.s32 s18, v0;
	_ =	swait.ge [sflag:s10], $0x2800;
	v9 =	vor.u32 v1, v7  }
0x25f: {  	s19 =	simm.s32 $0x4;
	v7 =	vand.u32 $0x7F, v8;
	[sflag:s10] =	ssyncset.done $0x0  }
0x260: {  	v8 =	vadd.s32 s19, v0;
	v11 =	vor.u32 v1, v7;
	[sflag:s10] =	ssyncadd.s32 $0xFFFFD800  }
0x261: {  	s22 =	simm.s32 $0x3;
	v8 =	vand.u32 $0x7F, v8;
	v7 =	vld.idx.msk [tilespmem:v6+s30+$0x0], $0xffff  }
0x262: {  	s12 =	simm.s32 $0x2;
	v14 =	vor.u32 v1, v8;
	v8 =	vadd.s32 s22, v0;
	v10 =	vld.idx.msk [tilespmem:v6+s31+$0x0], $0xffff  }
0x263: {  	v13 =	vadd.s32 s12, v0;
	v8 =	vand.u32 $0x7F, v8;
	v12 =	vld.idx.msk [tilespmem:v9+s30+$0x0], $0xffff  }
0x264: {  	s25 =	simm.s32 $0x0;
	v16 =	vimm.f32 $0.0e+00;
	v13 =	vand.u32 $0x7F, v13;
	v22 =	vor.u32 v1, v8;
	v15 =	vld.idx.msk [tilespmem:v9+s31+$0x0], $0xffff  }
0x265: {  	s24 =	simm.s32 $0x1;
	v17 =	vimm.f32 $0.0e+00;
	v25 =	vadd.s32 s25, v0;
	v23 =	vor.u32 v1, v13;
	v18 =	vld.idx.msk [tilespmem:v11+s30+$0x0], $0xffff  }
0x266: {  	v13 =	vimm.f32 $0.0e+00;
	v6 =	vimm.f32 $0.0e+00;
	v9 =	vadd.s32 s24, v0;
	v19 =	vld.idx.msk [tilespmem:v11+s31+$0x0], $0xffff  }
0x267: {  	v8 =	vand.u32 $0x7F, v9;
	v9 =	vimm.f32 $0.0e+00;
	v11 =	vimm.f32 $0.0e+00;
	v20 =	vld.idx.msk [tilespmem:v14+s30+$0x0], $0xffff  }
0x268: {  	s12 =	simm.s32 $0xF;
	v24 =	vor.u32 v1, v8;
	v8 =	vimm.f32 $0.0e+00;
	v21 =	vld.idx.msk [tilespmem:v14+s31+$0x0], $0xffff;
	v14 =	vimm.f32 $0.0e+00  }
.LBB2_24:
0x269: {  	p1 =	sne.s32 s12, $0x7F;
	v25 =	vand.u32 $0x7F, v25;
	v26 =	vld.idx.msk [tilespmem:v22+s30+$0x0], $0xffff  }
0x26a: {  	v27 =	vadd.s32 s12, v0;
	v25 =	vor.u32 v1, v25;
	v28 =	vld.idx.msk [tilespmem:v22+s31+$0x0], $0xffff  }
0x26b: {  	s2 =	sadd.s32 $0xFFFFFFFF, s12;
	v22 =	vand.u32 $0x7F, v27;
	v27 =	vld.idx.msk [tilespmem:v23+s30+$0x0], $0xffff  }
0x26c: {  	v29 =	vadd.s32 s2, v0;
	v22 =	vor.u32 v1, v22;
	v30 =	vld.idx.msk [tilespmem:v23+s31+$0x0], $0xffff  }
0x26d: {  	v7 =	vmul.f32 v10, v7;
	s2 =	sadd.s32 $0xFFFFFFFE, s12;
	v23 =	vand.u32 $0x7F, v29;
	v29 =	vld.idx.msk [tilespmem:v24+s30+$0x0], $0xffff  }
0x26e: {  	v10 =	vadd.s32 s2, v0;
	v23 =	vor.u32 v1, v23;
	v24 =	vld.idx.msk [tilespmem:v24+s31+$0x0], $0xffff  }
0x26f: {  	v12 =	vmul.f32 v15, v12;
	s2 =	sadd.s32 $0xFFFFFFFD, s12;
	v6 =	vadd.f32 v7, v6;
	v10 =	vand.u32 $0x7F, v10;
	v31 =	vld.idx.msk [tilespmem:v25+s30+$0x0], $0xffff  }
0x270: {  	v15 =	vmul.f32 v19, v18;
	v7 =	vadd.s32 s2, v0;
	v32 =	vor.u32 v1, v10;
	v25 =	vld.idx.msk [tilespmem:v25+s31+$0x0], $0xffff  }
0x271: {  	v8 =	vadd.f32 v12, v8;
	s2 =	sadd.s32 $0xFFFFFFFC, s12;
	v10 =	vand.u32 $0x7F, v7;
	v18 =	vmul.f32 v21, v20;
	v7 =	vld.idx.msk [tilespmem:v22+s30+$0x0], $0xffff  }
0x272: {  	s18 =	sadd.s32 $0xFFFFFFFB, s12;
	v12 =	vadd.s32 s2, v0;
	v9 =	vadd.f32 v15, v9;
	v21 =	vor.u32 v1, v10;
	v10 =	vld.idx.msk [tilespmem:v22+s31+$0x0], $0xffff  }
0x273: {  	v15 =	vadd.s32 s18, v0;
	v19 =	vand.u32 $0x7F, v12;
	v11 =	vadd.f32 v18, v11;
	v12 =	vld.idx.msk [tilespmem:v23+s30+$0x0], $0xffff  }
.Ltmp11:
0x274: {  	s2 =	sadd.s32 $0xFFFFFFFA, s12;
	v18 =	vand.u32 $0x7F, v15;
	v26 =	vmul.f32 v28, v26;
	v22 =	vor.u32 v1, v19;
	v15 =	vld.idx.msk [tilespmem:v23+s31+$0x0], $0xffff;
	(pc) =	sbr.rel @p1 .LBB2_24-.Ltmp11, $4  }
0x275: {  	v27 =	vmul.f32 v30, v27;
	v19 =	vadd.s32 s2, v0;
	v23 =	vor.u32 v1, v18;
	v18 =	vld.idx.msk [tilespmem:v32+s30+$0x0], $0xffff  }
0x276: {  	v20 =	vand.u32 $0x7F, v19;
	v29 =	vmul.f32 v24, v29;
	v28 =	vmul.f32 v25, v31;
	v19 =	vld.idx.msk [tilespmem:v32+s31+$0x0], $0xffff  }
0x277: {  	v14 =	vadd.f32 v26, v14;
	s2 =	sadd.s32 $0xFFFFFFF9, s12;
	v13 =	vadd.f32 v27, v13;
	v24 =	vor.u32 v1, v20;
	v20 =	vld.idx.msk [tilespmem:v21+s30+$0x0], $0xffff  }
0x278: {  	s12 =	sadd.s32 $0x8, s12;
	v25 =	vadd.s32 s2, v0;
	v17 =	vadd.f32 v29, v17;
	v16 =	vadd.f32 v28, v16;
	v21 =	vld.idx.msk [tilespmem:v21+s31+$0x0], $0xffff  }
0x279: {  	v25 =	vand.u32 $0x7F, v25  }
0x27a: {  	v25 =	vor.u32 v1, v25;
	_ =	sdelay $0x2  }
0x27b: {  	v26 =	vld.idx.msk [tilespmem:v24+s30+$0x0], $0xffff  }
0x27c: {  	v24 =	vld.idx.msk [tilespmem:v24+s31+$0x0], $0xffff  }
0x27d: {  	v27 =	vld.idx.msk [tilespmem:v25+s30+$0x0], $0xffff  }
0x27e: {  	v25 =	vld.idx.msk [tilespmem:v25+s31+$0x0], $0xffff  }
0x27f: {  	v28 =	vld.idx.msk [tilespmem:v23+s30+$0x0], $0xffff  }
0x280: {  	v23 =	vld.idx.msk [tilespmem:v23+s31+$0x0], $0xffff  }
0x281: {  	v29 =	vld.idx.msk [tilespmem:v22+s30+$0x0], $0xffff  }
0x282: {  	v22 =	vld.idx.msk [tilespmem:v22+s31+$0x0], $0xffff  }
0x283: {  	v24 =	vmul.f32 v24, v26;
	v25 =	vmul.f32 v25, v27;
	_ =	sdelay $0x1  }
0x284: {  	v23 =	vmul.f32 v23, v28;
	v17 =	vadd.f32 v24, v17;
	v16 =	vadd.f32 v25, v16;
	_ =	sdelay $0x1  }
0x285: {  	v22 =	vmul.f32 v22, v29;
	v13 =	vadd.f32 v23, v13;
	v16 =	vadd.f32 v17, v16;
	_ =	sdelay $0x1  }
0x286: {  	v14 =	vadd.f32 v22, v14;
	v17 =	vmul.f32 v21, v20;
	v13 =	vadd.f32 v13, v16;
	_ =	sdelay $0x1  }
0x287: {  	v16 =	vmul.f32 v19, v18;
	v11 =	vadd.f32 v17, v11;
	v13 =	vadd.f32 v14, v13;
	_ =	sdelay $0x1  }
0x288: {  	v12 =	vmul.f32 v15, v12;
	v9 =	vadd.f32 v16, v9;
	v11 =	vadd.f32 v11, v13  }
0x289: {  	v7 =	vmul.f32 v10, v7;
	s2 =	simm.s32 $0x7  }
0x28a: {  	v10 =	vadd.s32 s2, v0;
	v8 =	vadd.f32 v12, v8;
	v9 =	vadd.f32 v9, v11  }
0x28b: {  	s14 =	simm.s32 $0x6;
	v6 =	vadd.f32 v7, v6;
	v7 =	vand.u32 $0x7F, v10  }
0x28c: {  	v10 =	vor.u32 v2, v7;
	v8 =	vadd.f32 v8, v9;
	v9 =	vadd.s32 s14, v0  }
0x28d: {  	s18 =	simm.s32 $0x5;
	v7 =	vand.u32 $0x7F, v9  }
0x28e: {  	v6 =	vadd.f32 v6, v8;
	v8 =	vadd.s32 s18, v0;
	v9 =	vor.u32 v2, v7  }
0x28f: {  	s19 =	simm.s32 $0x4;
	v7 =	vand.u32 $0x7F, v8  }
0x290: {  	[tilespmem:$0x1E200] =	vst v6;
	v6 =	vadd.s32 s19, v0;
	v8 =	vor.u32 v2, v7  }
0x291: {  	s22 =	simm.s32 $0x3;
	v6 =	vand.u32 $0x7F, v6;
	v7 =	vld.idx.msk [tilespmem:v10+s30+$0x0], $0xffff  }
0x292: {  	s25 =	simm.s32 $0x0;
	v11 =	vadd.s32 s22, v0;
	v10 =	vld.idx.msk [tilespmem:v10+s31+$0x0], $0xffff;
	v14 =	vor.u32 v2, v6  }
0x293: {  	s12 =	simm.s32 $0x2;
	v25 =	vadd.s32 s25, v0;
	v11 =	vand.u32 $0x7F, v11;
	v12 =	vld.idx.msk [tilespmem:v9+s30+$0x0], $0xffff  }
0x294: {  	s24 =	simm.s32 $0x1;
	v17 =	vimm.f32 $0.0e+00;
	v13 =	vadd.s32 s12, v0;
	v22 =	vor.u32 v2, v11;
	v15 =	vld.idx.msk [tilespmem:v9+s31+$0x0], $0xffff  }
0x295: {  	v16 =	vimm.f32 $0.0e+00;
	v13 =	vand.u32 $0x7F, v13;
	v9 =	vadd.s32 s24, v0;
	v18 =	vld.idx.msk [tilespmem:v8+s30+$0x0], $0xffff  }
0x296: {  	v23 =	vor.u32 v2, v13;
	v13 =	vimm.f32 $0.0e+00;
	v9 =	vand.u32 $0x7F, v9;
	v19 =	vld.idx.msk [tilespmem:v8+s31+$0x0], $0xffff  }
0x297: {  	v11 =	vimm.f32 $0.0e+00;
	v6 =	vimm.f32 $0.0e+00;
	v24 =	vor.u32 v2, v9;
	v20 =	vld.idx.msk [tilespmem:v14+s30+$0x0], $0xffff  }
0x298: {  	s12 =	simm.s32 $0xF;
	v8 =	vimm.f32 $0.0e+00;
	v9 =	vimm.f32 $0.0e+00;
	v21 =	vld.idx.msk [tilespmem:v14+s31+$0x0], $0xffff;
	v14 =	vimm.f32 $0.0e+00  }
.LBB2_26:
0x299: {  	p1 =	sne.s32 s12, $0x7F;
	v25 =	vand.u32 $0x7F, v25;
	v26 =	vld.idx.msk [tilespmem:v22+s30+$0x0], $0xffff  }
0x29a: {  	v27 =	vadd.s32 s12, v0;
	v25 =	vor.u32 v2, v25;
	v28 =	vld.idx.msk [tilespmem:v22+s31+$0x0], $0xffff  }
0x29b: {  	s2 =	sadd.s32 $0xFFFFFFFF, s12;
	v22 =	vand.u32 $0x7F, v27;
	v27 =	vld.idx.msk [tilespmem:v23+s30+$0x0], $0xffff  }
0x29c: {  	v29 =	vadd.s32 s2, v0;
	v22 =	vor.u32 v2, v22;
	v30 =	vld.idx.msk [tilespmem:v23+s31+$0x0], $0xffff  }
0x29d: {  	v7 =	vmul.f32 v10, v7;
	s2 =	sadd.s32 $0xFFFFFFFE, s12;
	v23 =	vand.u32 $0x7F, v29;
	v29 =	vld.idx.msk [tilespmem:v24+s30+$0x0], $0xffff  }
0x29e: {  	v10 =	vadd.s32 s2, v0;
	v23 =	vor.u32 v2, v23;
	v24 =	vld.idx.msk [tilespmem:v24+s31+$0x0], $0xffff  }
0x29f: {  	v12 =	vmul.f32 v15, v12;
	s2 =	sadd.s32 $0xFFFFFFFD, s12;
	v6 =	vadd.f32 v7, v6;
	v10 =	vand.u32 $0x7F, v10;
	v31 =	vld.idx.msk [tilespmem:v25+s30+$0x0], $0xffff  }
0x2a0: {  	v15 =	vmul.f32 v19, v18;
	v7 =	vadd.s32 s2, v0;
	v32 =	vor.u32 v2, v10;
	v25 =	vld.idx.msk [tilespmem:v25+s31+$0x0], $0xffff  }
0x2a1: {  	v8 =	vadd.f32 v12, v8;
	s2 =	sadd.s32 $0xFFFFFFFC, s12;
	v10 =	vand.u32 $0x7F, v7;
	v18 =	vmul.f32 v21, v20;
	v7 =	vld.idx.msk [tilespmem:v22+s30+$0x0], $0xffff  }
0x2a2: {  	s18 =	sadd.s32 $0xFFFFFFFB, s12;
	v12 =	vadd.s32 s2, v0;
	v9 =	vadd.f32 v15, v9;
	v21 =	vor.u32 v2, v10;
	v10 =	vld.idx.msk [tilespmem:v22+s31+$0x0], $0xffff  }
0x2a3: {  	v15 =	vadd.s32 s18, v0;
	v19 =	vand.u32 $0x7F, v12;
	v11 =	vadd.f32 v18, v11;
	v12 =	vld.idx.msk [tilespmem:v23+s30+$0x0], $0xffff  }
.Ltmp12:
0x2a4: {  	s2 =	sadd.s32 $0xFFFFFFFA, s12;
	v18 =	vand.u32 $0x7F, v15;
	v26 =	vmul.f32 v28, v26;
	v22 =	vor.u32 v2, v19;
	v15 =	vld.idx.msk [tilespmem:v23+s31+$0x0], $0xffff;
	(pc) =	sbr.rel @p1 .LBB2_26-.Ltmp12, $4  }
0x2a5: {  	v27 =	vmul.f32 v30, v27;
	v19 =	vadd.s32 s2, v0;
	v23 =	vor.u32 v2, v18;
	v18 =	vld.idx.msk [tilespmem:v32+s30+$0x0], $0xffff  }
0x2a6: {  	v20 =	vand.u32 $0x7F, v19;
	v29 =	vmul.f32 v24, v29;
	v28 =	vmul.f32 v25, v31;
	v19 =	vld.idx.msk [tilespmem:v32+s31+$0x0], $0xffff  }
0x2a7: {  	v14 =	vadd.f32 v26, v14;
	s2 =	sadd.s32 $0xFFFFFFF9, s12;
	v13 =	vadd.f32 v27, v13;
	v24 =	vor.u32 v2, v20;
	v20 =	vld.idx.msk [tilespmem:v21+s30+$0x0], $0xffff  }
0x2a8: {  	s12 =	sadd.s32 $0x8, s12;
	v25 =	vadd.s32 s2, v0;
	v17 =	vadd.f32 v29, v17;
	v16 =	vadd.f32 v28, v16;
	v21 =	vld.idx.msk [tilespmem:v21+s31+$0x0], $0xffff  }
0x2a9: {  	v25 =	vand.u32 $0x7F, v25  }
0x2aa: {  	v25 =	vor.u32 v2, v25;
	_ =	sdelay $0x2  }
0x2ab: {  	v26 =	vld.idx.msk [tilespmem:v24+s30+$0x0], $0xffff  }
0x2ac: {  	v24 =	vld.idx.msk [tilespmem:v24+s31+$0x0], $0xffff  }
0x2ad: {  	v27 =	vld.idx.msk [tilespmem:v25+s30+$0x0], $0xffff  }
0x2ae: {  	v25 =	vld.idx.msk [tilespmem:v25+s31+$0x0], $0xffff  }
0x2af: {  	v28 =	vld.idx.msk [tilespmem:v23+s30+$0x0], $0xffff  }
0x2b0: {  	v23 =	vld.idx.msk [tilespmem:v23+s31+$0x0], $0xffff  }
0x2b1: {  	v29 =	vld.idx.msk [tilespmem:v22+s30+$0x0], $0xffff  }
0x2b2: {  	v22 =	vld.idx.msk [tilespmem:v22+s31+$0x0], $0xffff  }
0x2b3: {  	v24 =	vmul.f32 v24, v26;
	v25 =	vmul.f32 v25, v27;
	_ =	sdelay $0x1  }
0x2b4: {  	v23 =	vmul.f32 v23, v28;
	v17 =	vadd.f32 v24, v17;
	v16 =	vadd.f32 v25, v16;
	_ =	sdelay $0x1  }
0x2b5: {  	v22 =	vmul.f32 v22, v29;
	v13 =	vadd.f32 v23, v13;
	v16 =	vadd.f32 v17, v16;
	_ =	sdelay $0x1  }
0x2b6: {  	v14 =	vadd.f32 v22, v14;
	v17 =	vmul.f32 v21, v20;
	v13 =	vadd.f32 v13, v16;
	_ =	sdelay $0x1  }
0x2b7: {  	v16 =	vmul.f32 v19, v18;
	v11 =	vadd.f32 v17, v11;
	v13 =	vadd.f32 v14, v13;
	_ =	sdelay $0x1  }
0x2b8: {  	v12 =	vmul.f32 v15, v12;
	v9 =	vadd.f32 v16, v9;
	v11 =	vadd.f32 v11, v13  }
0x2b9: {  	v7 =	vmul.f32 v10, v7;
	s2 =	simm.s32 $0x7  }
0x2ba: {  	v10 =	vadd.s32 s2, v0;
	v8 =	vadd.f32 v12, v8;
	v9 =	vadd.f32 v9, v11  }
0x2bb: {  	s14 =	simm.s32 $0x6;
	v6 =	vadd.f32 v7, v6;
	v7 =	vand.u32 $0x7F, v10  }
0x2bc: {  	v10 =	vor.u32 v3, v7;
	v8 =	vadd.f32 v8, v9;
	v9 =	vadd.s32 s14, v0  }
0x2bd: {  	s18 =	simm.s32 $0x5;
	v7 =	vand.u32 $0x7F, v9  }
0x2be: {  	v6 =	vadd.f32 v6, v8;
	v8 =	vadd.s32 s18, v0;
	v9 =	vor.u32 v3, v7  }
0x2bf: {  	s19 =	simm.s32 $0x4;
	v7 =	vand.u32 $0x7F, v8  }
0x2c0: {  	[tilespmem:$0x1E210] =	vst v6;
	v6 =	vadd.s32 s19, v0;
	v8 =	vor.u32 v3, v7  }
0x2c1: {  	s22 =	simm.s32 $0x3;
	v6 =	vand.u32 $0x7F, v6;
	v7 =	vld.idx.msk [tilespmem:v10+s30+$0x0], $0xffff  }
0x2c2: {  	s25 =	simm.s32 $0x0;
	v11 =	vadd.s32 s22, v0;
	v10 =	vld.idx.msk [tilespmem:v10+s31+$0x0], $0xffff;
	v14 =	vor.u32 v3, v6  }
0x2c3: {  	s12 =	simm.s32 $0x2;
	v25 =	vadd.s32 s25, v0;
	v11 =	vand.u32 $0x7F, v11;
	v12 =	vld.idx.msk [tilespmem:v9+s30+$0x0], $0xffff  }
0x2c4: {  	s24 =	simm.s32 $0x1;
	v17 =	vimm.f32 $0.0e+00;
	v13 =	vadd.s32 s12, v0;
	v22 =	vor.u32 v3, v11;
	v15 =	vld.idx.msk [tilespmem:v9+s31+$0x0], $0xffff  }
0x2c5: {  	v16 =	vimm.f32 $0.0e+00;
	v13 =	vand.u32 $0x7F, v13;
	v9 =	vadd.s32 s24, v0;
	v18 =	vld.idx.msk [tilespmem:v8+s30+$0x0], $0xffff  }
0x2c6: {  	v23 =	vor.u32 v3, v13;
	v13 =	vimm.f32 $0.0e+00;
	v9 =	vand.u32 $0x7F, v9;
	v19 =	vld.idx.msk [tilespmem:v8+s31+$0x0], $0xffff  }
0x2c7: {  	v11 =	vimm.f32 $0.0e+00;
	v6 =	vimm.f32 $0.0e+00;
	v24 =	vor.u32 v3, v9;
	v20 =	vld.idx.msk [tilespmem:v14+s30+$0x0], $0xffff  }
0x2c8: {  	s12 =	simm.s32 $0xF;
	v8 =	vimm.f32 $0.0e+00;
	v9 =	vimm.f32 $0.0e+00;
	v21 =	vld.idx.msk [tilespmem:v14+s31+$0x0], $0xffff;
	v14 =	vimm.f32 $0.0e+00  }
.LBB2_28:
0x2c9: {  	p1 =	sne.s32 s12, $0x7F;
	v25 =	vand.u32 $0x7F, v25;
	v26 =	vld.idx.msk [tilespmem:v22+s30+$0x0], $0xffff  }
0x2ca: {  	v27 =	vadd.s32 s12, v0;
	v25 =	vor.u32 v3, v25;
	v28 =	vld.idx.msk [tilespmem:v22+s31+$0x0], $0xffff  }
0x2cb: {  	s2 =	sadd.s32 $0xFFFFFFFF, s12;
	v22 =	vand.u32 $0x7F, v27;
	v27 =	vld.idx.msk [tilespmem:v23+s30+$0x0], $0xffff  }
0x2cc: {  	v29 =	vadd.s32 s2, v0;
	v22 =	vor.u32 v3, v22;
	v30 =	vld.idx.msk [tilespmem:v23+s31+$0x0], $0xffff  }
0x2cd: {  	v7 =	vmul.f32 v10, v7;
	s2 =	sadd.s32 $0xFFFFFFFE, s12;
	v23 =	vand.u32 $0x7F, v29;
	v29 =	vld.idx.msk [tilespmem:v24+s30+$0x0], $0xffff  }
0x2ce: {  	v10 =	vadd.s32 s2, v0;
	v23 =	vor.u32 v3, v23;
	v24 =	vld.idx.msk [tilespmem:v24+s31+$0x0], $0xffff  }
0x2cf: {  	v12 =	vmul.f32 v15, v12;
	s2 =	sadd.s32 $0xFFFFFFFD, s12;
	v6 =	vadd.f32 v7, v6;
	v10 =	vand.u32 $0x7F, v10;
	v31 =	vld.idx.msk [tilespmem:v25+s30+$0x0], $0xffff  }
0x2d0: {  	v15 =	vmul.f32 v19, v18;
	v7 =	vadd.s32 s2, v0;
	v32 =	vor.u32 v3, v10;
	v25 =	vld.idx.msk [tilespmem:v25+s31+$0x0], $0xffff  }
0x2d1: {  	v8 =	vadd.f32 v12, v8;
	s2 =	sadd.s32 $0xFFFFFFFC, s12;
	v10 =	vand.u32 $0x7F, v7;
	v18 =	vmul.f32 v21, v20;
	v7 =	vld.idx.msk [tilespmem:v22+s30+$0x0], $0xffff  }
0x2d2: {  	s18 =	sadd.s32 $0xFFFFFFFB, s12;
	v12 =	vadd.s32 s2, v0;
	v9 =	vadd.f32 v15, v9;
	v21 =	vor.u32 v3, v10;
	v10 =	vld.idx.msk [tilespmem:v22+s31+$0x0], $0xffff  }
0x2d3: {  	v15 =	vadd.s32 s18, v0;
	v19 =	vand.u32 $0x7F, v12;
	v11 =	vadd.f32 v18, v11;
	v12 =	vld.idx.msk [tilespmem:v23+s30+$0x0], $0xffff  }
.Ltmp13:
0x2d4: {  	s2 =	sadd.s32 $0xFFFFFFFA, s12;
	v18 =	vand.u32 $0x7F, v15;
	v26 =	vmul.f32 v28, v26;
	v22 =	vor.u32 v3, v19;
	v15 =	vld.idx.msk [tilespmem:v23+s31+$0x0], $0xffff;
	(pc) =	sbr.rel @p1 .LBB2_28-.Ltmp13, $4  }
0x2d5: {  	v27 =	vmul.f32 v30, v27;
	v19 =	vadd.s32 s2, v0;
	v23 =	vor.u32 v3, v18;
	v18 =	vld.idx.msk [tilespmem:v32+s30+$0x0], $0xffff  }
0x2d6: {  	v20 =	vand.u32 $0x7F, v19;
	v29 =	vmul.f32 v24, v29;
	v28 =	vmul.f32 v25, v31;
	v19 =	vld.idx.msk [tilespmem:v32+s31+$0x0], $0xffff  }
0x2d7: {  	v14 =	vadd.f32 v26, v14;
	s2 =	sadd.s32 $0xFFFFFFF9, s12;
	v13 =	vadd.f32 v27, v13;
	v24 =	vor.u32 v3, v20;
	v20 =	vld.idx.msk [tilespmem:v21+s30+$0x0], $0xffff  }
0x2d8: {  	s12 =	sadd.s32 $0x8, s12;
	v25 =	vadd.s32 s2, v0;
	v17 =	vadd.f32 v29, v17;
	v16 =	vadd.f32 v28, v16;
	v21 =	vld.idx.msk [tilespmem:v21+s31+$0x0], $0xffff  }
0x2d9: {  	v25 =	vand.u32 $0x7F, v25  }
0x2da: {  	v25 =	vor.u32 v3, v25;
	_ =	sdelay $0x2  }
0x2db: {  	v26 =	vld.idx.msk [tilespmem:v24+s30+$0x0], $0xffff  }
0x2dc: {  	v24 =	vld.idx.msk [tilespmem:v24+s31+$0x0], $0xffff  }
0x2dd: {  	v27 =	vld.idx.msk [tilespmem:v25+s30+$0x0], $0xffff  }
0x2de: {  	v25 =	vld.idx.msk [tilespmem:v25+s31+$0x0], $0xffff  }
0x2df: {  	v28 =	vld.idx.msk [tilespmem:v23+s30+$0x0], $0xffff  }
0x2e0: {  	v23 =	vld.idx.msk [tilespmem:v23+s31+$0x0], $0xffff  }
0x2e1: {  	v29 =	vld.idx.msk [tilespmem:v22+s30+$0x0], $0xffff  }
0x2e2: {  	v22 =	vld.idx.msk [tilespmem:v22+s31+$0x0], $0xffff  }
0x2e3: {  	v24 =	vmul.f32 v24, v26;
	v25 =	vmul.f32 v25, v27;
	_ =	sdelay $0x1  }
0x2e4: {  	v23 =	vmul.f32 v23, v28;
	v17 =	vadd.f32 v24, v17;
	v16 =	vadd.f32 v25, v16;
	_ =	sdelay $0x1  }
0x2e5: {  	v22 =	vmul.f32 v22, v29;
	v13 =	vadd.f32 v23, v13;
	v16 =	vadd.f32 v17, v16;
	_ =	sdelay $0x1  }
0x2e6: {  	v14 =	vadd.f32 v22, v14;
	v17 =	vmul.f32 v21, v20;
	v13 =	vadd.f32 v13, v16;
	_ =	sdelay $0x1  }
0x2e7: {  	v16 =	vmul.f32 v19, v18;
	v11 =	vadd.f32 v17, v11;
	v13 =	vadd.f32 v14, v13;
	_ =	sdelay $0x1  }
0x2e8: {  	v12 =	vmul.f32 v15, v12;
	v9 =	vadd.f32 v16, v9;
	v11 =	vadd.f32 v11, v13  }
0x2e9: {  	v7 =	vmul.f32 v10, v7;
	s2 =	simm.s32 $0x7  }
0x2ea: {  	v10 =	vadd.s32 s2, v0;
	v8 =	vadd.f32 v12, v8;
	v9 =	vadd.f32 v9, v11  }
0x2eb: {  	s14 =	simm.s32 $0x6;
	v6 =	vadd.f32 v7, v6;
	v7 =	vand.u32 $0x7F, v10  }
0x2ec: {  	v10 =	vor.u32 v4, v7;
	v8 =	vadd.f32 v8, v9;
	v9 =	vadd.s32 s14, v0  }
0x2ed: {  	s18 =	simm.s32 $0x5;
	v7 =	vand.u32 $0x7F, v9  }
0x2ee: {  	v6 =	vadd.f32 v6, v8;
	v8 =	vadd.s32 s18, v0;
	v9 =	vor.u32 v4, v7  }
0x2ef: {  	s19 =	simm.s32 $0x4;
	v7 =	vand.u32 $0x7F, v8  }
0x2f0: {  	[tilespmem:$0x1E220] =	vst v6;
	v6 =	vadd.s32 s19, v0;
	v8 =	vor.u32 v4, v7  }
0x2f1: {  	s22 =	simm.s32 $0x3;
	v6 =	vand.u32 $0x7F, v6;
	v7 =	vld.idx.msk [tilespmem:v10+s30+$0x0], $0xffff  }
0x2f2: {  	s25 =	simm.s32 $0x0;
	v11 =	vadd.s32 s22, v0;
	v10 =	vld.idx.msk [tilespmem:v10+s31+$0x0], $0xffff;
	v14 =	vor.u32 v4, v6  }
0x2f3: {  	s12 =	simm.s32 $0x2;
	v25 =	vadd.s32 s25, v0;
	v11 =	vand.u32 $0x7F, v11;
	v12 =	vld.idx.msk [tilespmem:v9+s30+$0x0], $0xffff  }
0x2f4: {  	s24 =	simm.s32 $0x1;
	v17 =	vimm.f32 $0.0e+00;
	v13 =	vadd.s32 s12, v0;
	v22 =	vor.u32 v4, v11;
	v15 =	vld.idx.msk [tilespmem:v9+s31+$0x0], $0xffff  }
0x2f5: {  	v16 =	vimm.f32 $0.0e+00;
	v13 =	vand.u32 $0x7F, v13;
	v9 =	vadd.s32 s24, v0;
	v18 =	vld.idx.msk [tilespmem:v8+s30+$0x0], $0xffff  }
0x2f6: {  	v23 =	vor.u32 v4, v13;
	v13 =	vimm.f32 $0.0e+00;
	v9 =	vand.u32 $0x7F, v9;
	v19 =	vld.idx.msk [tilespmem:v8+s31+$0x0], $0xffff  }
0x2f7: {  	v11 =	vimm.f32 $0.0e+00;
	v6 =	vimm.f32 $0.0e+00;
	v24 =	vor.u32 v4, v9;
	v20 =	vld.idx.msk [tilespmem:v14+s30+$0x0], $0xffff  }
0x2f8: {  	s12 =	simm.s32 $0xF;
	v8 =	vimm.f32 $0.0e+00;
	v9 =	vimm.f32 $0.0e+00;
	v21 =	vld.idx.msk [tilespmem:v14+s31+$0x0], $0xffff;
	v14 =	vimm.f32 $0.0e+00  }
.LBB2_30:
0x2f9: {  	p1 =	sne.s32 s12, $0x7F;
	v25 =	vand.u32 $0x7F, v25;
	v26 =	vld.idx.msk [tilespmem:v22+s30+$0x0], $0xffff  }
0x2fa: {  	v27 =	vadd.s32 s12, v0;
	v25 =	vor.u32 v4, v25;
	v28 =	vld.idx.msk [tilespmem:v22+s31+$0x0], $0xffff  }
0x2fb: {  	s2 =	sadd.s32 $0xFFFFFFFF, s12;
	v22 =	vand.u32 $0x7F, v27;
	v27 =	vld.idx.msk [tilespmem:v23+s30+$0x0], $0xffff  }
0x2fc: {  	v29 =	vadd.s32 s2, v0;
	v22 =	vor.u32 v4, v22;
	v30 =	vld.idx.msk [tilespmem:v23+s31+$0x0], $0xffff  }
0x2fd: {  	v7 =	vmul.f32 v10, v7;
	s2 =	sadd.s32 $0xFFFFFFFE, s12;
	v23 =	vand.u32 $0x7F, v29;
	v29 =	vld.idx.msk [tilespmem:v24+s30+$0x0], $0xffff  }
0x2fe: {  	v10 =	vadd.s32 s2, v0;
	v23 =	vor.u32 v4, v23;
	v24 =	vld.idx.msk [tilespmem:v24+s31+$0x0], $0xffff  }
0x2ff: {  	v12 =	vmul.f32 v15, v12;
	s2 =	sadd.s32 $0xFFFFFFFD, s12;
	v6 =	vadd.f32 v7, v6;
	v10 =	vand.u32 $0x7F, v10;
	v31 =	vld.idx.msk [tilespmem:v25+s30+$0x0], $0xffff  }
0x300: {  	v15 =	vmul.f32 v19, v18;
	v7 =	vadd.s32 s2, v0;
	v32 =	vor.u32 v4, v10;
	v25 =	vld.idx.msk [tilespmem:v25+s31+$0x0], $0xffff  }
0x301: {  	v8 =	vadd.f32 v12, v8;
	s2 =	sadd.s32 $0xFFFFFFFC, s12;
	v10 =	vand.u32 $0x7F, v7;
	v18 =	vmul.f32 v21, v20;
	v7 =	vld.idx.msk [tilespmem:v22+s30+$0x0], $0xffff  }
0x302: {  	s18 =	sadd.s32 $0xFFFFFFFB, s12;
	v12 =	vadd.s32 s2, v0;
	v9 =	vadd.f32 v15, v9;
	v21 =	vor.u32 v4, v10;
	v10 =	vld.idx.msk [tilespmem:v22+s31+$0x0], $0xffff  }
0x303: {  	v15 =	vadd.s32 s18, v0;
	v19 =	vand.u32 $0x7F, v12;
	v11 =	vadd.f32 v18, v11;
	v12 =	vld.idx.msk [tilespmem:v23+s30+$0x0], $0xffff  }
.Ltmp14:
0x304: {  	s2 =	sadd.s32 $0xFFFFFFFA, s12;
	v18 =	vand.u32 $0x7F, v15;
	v26 =	vmul.f32 v28, v26;
	v22 =	vor.u32 v4, v19;
	v15 =	vld.idx.msk [tilespmem:v23+s31+$0x0], $0xffff;
	(pc) =	sbr.rel @p1 .LBB2_30-.Ltmp14, $4  }
0x305: {  	v27 =	vmul.f32 v30, v27;
	v19 =	vadd.s32 s2, v0;
	v23 =	vor.u32 v4, v18;
	v18 =	vld.idx.msk [tilespmem:v32+s30+$0x0], $0xffff  }
0x306: {  	v20 =	vand.u32 $0x7F, v19;
	v29 =	vmul.f32 v24, v29;
	v28 =	vmul.f32 v25, v31;
	v19 =	vld.idx.msk [tilespmem:v32+s31+$0x0], $0xffff  }
0x307: {  	v14 =	vadd.f32 v26, v14;
	s2 =	sadd.s32 $0xFFFFFFF9, s12;
	v13 =	vadd.f32 v27, v13;
	v24 =	vor.u32 v4, v20;
	v20 =	vld.idx.msk [tilespmem:v21+s30+$0x0], $0xffff  }
0x308: {  	s12 =	sadd.s32 $0x8, s12;
	v25 =	vadd.s32 s2, v0;
	v17 =	vadd.f32 v29, v17;
	v16 =	vadd.f32 v28, v16;
	v21 =	vld.idx.msk [tilespmem:v21+s31+$0x0], $0xffff  }
0x309: {  	v25 =	vand.u32 $0x7F, v25  }
0x30a: {  	v25 =	vor.u32 v4, v25;
	_ =	sdelay $0x2  }
0x30b: {  	v26 =	vld.idx.msk [tilespmem:v24+s30+$0x0], $0xffff  }
0x30c: {  	v24 =	vld.idx.msk [tilespmem:v24+s31+$0x0], $0xffff  }
0x30d: {  	v27 =	vld.idx.msk [tilespmem:v25+s30+$0x0], $0xffff  }
0x30e: {  	v25 =	vld.idx.msk [tilespmem:v25+s31+$0x0], $0xffff  }
0x30f: {  	v28 =	vld.idx.msk [tilespmem:v23+s30+$0x0], $0xffff  }
0x310: {  	v23 =	vld.idx.msk [tilespmem:v23+s31+$0x0], $0xffff  }
0x311: {  	v29 =	vld.idx.msk [tilespmem:v22+s30+$0x0], $0xffff  }
0x312: {  	v22 =	vld.idx.msk [tilespmem:v22+s31+$0x0], $0xffff  }
0x313: {  	v24 =	vmul.f32 v24, v26;
	v25 =	vmul.f32 v25, v27;
	_ =	sdelay $0x1  }
0x314: {  	v23 =	vmul.f32 v23, v28;
	v17 =	vadd.f32 v24, v17;
	v16 =	vadd.f32 v25, v16;
	_ =	sdelay $0x1  }
0x315: {  	v22 =	vmul.f32 v22, v29;
	v13 =	vadd.f32 v23, v13;
	v16 =	vadd.f32 v17, v16;
	_ =	sdelay $0x1  }
0x316: {  	v14 =	vadd.f32 v22, v14;
	v17 =	vmul.f32 v21, v20;
	v13 =	vadd.f32 v13, v16;
	_ =	sdelay $0x1  }
0x317: {  	v16 =	vmul.f32 v19, v18;
	v11 =	vadd.f32 v17, v11;
	v13 =	vadd.f32 v14, v13;
	_ =	sdelay $0x1  }
0x318: {  	v12 =	vmul.f32 v15, v12;
	v9 =	vadd.f32 v16, v9;
	v11 =	vadd.f32 v11, v13  }
0x319: {  	v7 =	vmul.f32 v10, v7;
	s2 =	simm.s32 $0x7  }
0x31a: {  	v10 =	vadd.s32 s2, v0;
	v8 =	vadd.f32 v12, v8;
	v9 =	vadd.f32 v9, v11  }
0x31b: {  	s14 =	simm.s32 $0x6;
	v6 =	vadd.f32 v7, v6;
	v7 =	vand.u32 $0x7F, v10  }
0x31c: {  	v10 =	vor.u32 v5, v7;
	v8 =	vadd.f32 v8, v9;
	v9 =	vadd.s32 s14, v0  }
0x31d: {  	s18 =	simm.s32 $0x5;
	v7 =	vand.u32 $0x7F, v9  }
0x31e: {  	v6 =	vadd.f32 v6, v8;
	v8 =	vadd.s32 s18, v0;
	v9 =	vor.u32 v5, v7  }
0x31f: {  	s19 =	simm.s32 $0x4;
	v7 =	vand.u32 $0x7F, v8  }
0x320: {  	[tilespmem:$0x1E230] =	vst v6;
	v6 =	vadd.s32 s19, v0;
	v8 =	vor.u32 v5, v7  }
0x321: {  	s22 =	simm.s32 $0x3;
	v6 =	vand.u32 $0x7F, v6;
	v7 =	vld.idx.msk [tilespmem:v10+s30+$0x0], $0xffff  }
0x322: {  	s25 =	simm.s32 $0x0;
	v11 =	vadd.s32 s22, v0;
	v10 =	vld.idx.msk [tilespmem:v10+s31+$0x0], $0xffff;
	v14 =	vor.u32 v5, v6  }
0x323: {  	s12 =	simm.s32 $0x2;
	v25 =	vadd.s32 s25, v0;
	v11 =	vand.u32 $0x7F, v11;
	v12 =	vld.idx.msk [tilespmem:v9+s30+$0x0], $0xffff  }
0x324: {  	s24 =	simm.s32 $0x1;
	v17 =	vimm.f32 $0.0e+00;
	v13 =	vadd.s32 s12, v0;
	v22 =	vor.u32 v5, v11;
	v15 =	vld.idx.msk [tilespmem:v9+s31+$0x0], $0xffff  }
0x325: {  	v16 =	vimm.f32 $0.0e+00;
	v13 =	vand.u32 $0x7F, v13;
	v9 =	vadd.s32 s24, v0;
	v18 =	vld.idx.msk [tilespmem:v8+s30+$0x0], $0xffff  }
0x326: {  	v23 =	vor.u32 v5, v13;
	v13 =	vimm.f32 $0.0e+00;
	v9 =	vand.u32 $0x7F, v9;
	v19 =	vld.idx.msk [tilespmem:v8+s31+$0x0], $0xffff  }
0x327: {  	v11 =	vimm.f32 $0.0e+00;
	v6 =	vimm.f32 $0.0e+00;
	v24 =	vor.u32 v5, v9;
	v20 =	vld.idx.msk [tilespmem:v14+s30+$0x0], $0xffff  }
0x328: {  	s12 =	simm.s32 $0xF;
	v8 =	vimm.f32 $0.0e+00;
	v9 =	vimm.f32 $0.0e+00;
	v21 =	vld.idx.msk [tilespmem:v14+s31+$0x0], $0xffff;
	v14 =	vimm.f32 $0.0e+00  }
.LBB2_32:
0x329: {  	p1 =	sne.s32 s12, $0x7F;
	v25 =	vand.u32 $0x7F, v25;
	v26 =	vld.idx.msk [tilespmem:v22+s30+$0x0], $0xffff  }
0x32a: {  	v27 =	vadd.s32 s12, v0;
	v25 =	vor.u32 v5, v25;
	v28 =	vld.idx.msk [tilespmem:v22+s31+$0x0], $0xffff  }
0x32b: {  	s2 =	sadd.s32 $0xFFFFFFFF, s12;
	v22 =	vand.u32 $0x7F, v27;
	v27 =	vld.idx.msk [tilespmem:v23+s30+$0x0], $0xffff  }
0x32c: {  	v29 =	vadd.s32 s2, v0;
	v22 =	vor.u32 v5, v22;
	v30 =	vld.idx.msk [tilespmem:v23+s31+$0x0], $0xffff  }
0x32d: {  	v7 =	vmul.f32 v10, v7;
	s2 =	sadd.s32 $0xFFFFFFFE, s12;
	v23 =	vand.u32 $0x7F, v29;
	v29 =	vld.idx.msk [tilespmem:v24+s30+$0x0], $0xffff  }
0x32e: {  	v10 =	vadd.s32 s2, v0;
	v23 =	vor.u32 v5, v23;
	v24 =	vld.idx.msk [tilespmem:v24+s31+$0x0], $0xffff  }
0x32f: {  	v12 =	vmul.f32 v15, v12;
	s2 =	sadd.s32 $0xFFFFFFFD, s12;
	v6 =	vadd.f32 v7, v6;
	v10 =	vand.u32 $0x7F, v10;
	v31 =	vld.idx.msk [tilespmem:v25+s30+$0x0], $0xffff  }
0x330: {  	v15 =	vmul.f32 v19, v18;
	v7 =	vadd.s32 s2, v0;
	v32 =	vor.u32 v5, v10;
	v25 =	vld.idx.msk [tilespmem:v25+s31+$0x0], $0xffff  }
0x331: {  	v8 =	vadd.f32 v12, v8;
	s2 =	sadd.s32 $0xFFFFFFFC, s12;
	v10 =	vand.u32 $0x7F, v7;
	v18 =	vmul.f32 v21, v20;
	v7 =	vld.idx.msk [tilespmem:v22+s30+$0x0], $0xffff  }
0x332: {  	s18 =	sadd.s32 $0xFFFFFFFB, s12;
	v12 =	vadd.s32 s2, v0;
	v9 =	vadd.f32 v15, v9;
	v21 =	vor.u32 v5, v10;
	v10 =	vld.idx.msk [tilespmem:v22+s31+$0x0], $0xffff  }
0x333: {  	v15 =	vadd.s32 s18, v0;
	v19 =	vand.u32 $0x7F, v12;
	v11 =	vadd.f32 v18, v11;
	v12 =	vld.idx.msk [tilespmem:v23+s30+$0x0], $0xffff  }
.Ltmp15:
0x334: {  	s2 =	sadd.s32 $0xFFFFFFFA, s12;
	v18 =	vand.u32 $0x7F, v15;
	v26 =	vmul.f32 v28, v26;
	v22 =	vor.u32 v5, v19;
	v15 =	vld.idx.msk [tilespmem:v23+s31+$0x0], $0xffff;
	(pc) =	sbr.rel @p1 .LBB2_32-.Ltmp15, $4  }
0x335: {  	v27 =	vmul.f32 v30, v27;
	v19 =	vadd.s32 s2, v0;
	v23 =	vor.u32 v5, v18;
	v18 =	vld.idx.msk [tilespmem:v32+s30+$0x0], $0xffff  }
0x336: {  	v20 =	vand.u32 $0x7F, v19;
	v29 =	vmul.f32 v24, v29;
	v28 =	vmul.f32 v25, v31;
	v19 =	vld.idx.msk [tilespmem:v32+s31+$0x0], $0xffff  }
0x337: {  	v14 =	vadd.f32 v26, v14;
	s2 =	sadd.s32 $0xFFFFFFF9, s12;
	v13 =	vadd.f32 v27, v13;
	v24 =	vor.u32 v5, v20;
	v20 =	vld.idx.msk [tilespmem:v21+s30+$0x0], $0xffff  }
0x338: {  	s12 =	sadd.s32 $0x8, s12;
	v25 =	vadd.s32 s2, v0;
	v17 =	vadd.f32 v29, v17;
	v16 =	vadd.f32 v28, v16;
	v21 =	vld.idx.msk [tilespmem:v21+s31+$0x0], $0xffff  }
0x339: {  	v25 =	vand.u32 $0x7F, v25  }
0x33a: {  	v5 =	vor.u32 v5, v25;
	_ =	sdelay $0x2  }
0x33b: {  	v56 =	vld.idx.msk [tilespmem:v24+s30+$0x0], $0xffff  }
0x33c: {  	v57 =	vld.idx.msk [tilespmem:v24+s31+$0x0], $0xffff  }
0x33d: {  	v26 =	vld.idx.msk [tilespmem:v5+s30+$0x0], $0xffff  }
0x33e: {  	v5 =	vld.idx.msk [tilespmem:v5+s31+$0x0], $0xffff  }
0x33f: {  	v27 =	vld.idx.msk [tilespmem:v23+s30+$0x0], $0xffff  }
0x340: {  	v58 =	vld.idx.msk [tilespmem:v23+s31+$0x0], $0xffff  }
0x341: {  	v28 =	vld.idx.msk [tilespmem:v22+s30+$0x0], $0xffff  }
0x342: {  	v59 =	vld.idx.msk [tilespmem:v22+s31+$0x0], $0xffff  }
0x343: {  	v24 =	vmul.f32 v57, v56;
	v5 =	vmul.f32 v5, v26;
	_ =	sdelay $0x1  }
0x344: {  	v23 =	vmul.f32 v58, v27;
	v60 =	vadd.f32 v24, v17;
	v5 =	vadd.f32 v5, v16;
	_ =	sdelay $0x1  }
0x345: {  	v61 =	vmul.f32 v59, v28;
	v13 =	vadd.f32 v23, v13;
	v5 =	vadd.f32 v60, v5;
	_ =	sdelay $0x1  }
0x346: {  	v62 =	vmul.f32 v21, v20;
	v14 =	vadd.f32 v61, v14;
	v5 =	vadd.f32 v13, v5;
	_ =	sdelay $0x1  }
0x347: {  	v63 =	vmul.f32 v19, v18;
	v11 =	vadd.f32 v62, v11;
	v5 =	vadd.f32 v14, v5;
	_ =	sdelay $0x1  }
0x348: {  	v12 =	vmul.f32 v15, v12;
	v9 =	vadd.f32 v63, v9;
	v5 =	vadd.f32 v11, v5;
	_ =	sdelay $0x1  }
0x349: {  	v7 =	vmul.f32 v10, v7;
	v8 =	vadd.f32 v12, v8;
	v5 =	vadd.f32 v9, v5;
	_ =	sdelay $0x1  }
0x34a: {  	v6 =	vadd.f32 v7, v6;
	v5 =	vadd.f32 v8, v5;
	_ =	sdelay $0x1  }
0x34b: {  	v5 =	vadd.f32 v6, v5;
	_ =	sdelay $0x1  }
0x34c: {  	s1 =	rddreg [dreg:$0xd];
	s2 =	simm.s32 $0x1DA80;
	s14 =	simm.s32 $0x7;
	[tilespmem:$0x1E240] =	vst v5  }
0x34d: {  	[hbm4b:s1+s5] =	stream.linear.scatter [tilespmem:s2], [sflag:$0x7], $0x7D0, $0x38;
	[tilespmem:$0x1E280] =	vst v63  }
0x34e: {  	_ =	swait.ge [sflag:s14], $0x7D0  }
0x34f: {  	s24 =	rddreg [dreg:$0x11]  }
0x350: {  	s25 =	rddreg [dreg:$0xe];
	s2 =	sadd.s32 $0x1, s24  }
0x351: {  	p1 =	sne.s32 s2, s25  }
.Ltmp16:
0x352: {  	_ = 	snop;
	(pc) =	sbr.rel @p1 .LBB2_1-.Ltmp16, $3  }
0x353: {  	_ =	sdelay $0x1  }
0x354: {  	[sflag:s14] =	ssyncset.done $0x0  }
0x355: {  	[sflag:s14] =	ssyncadd.s32 $0xFFFFF830  }
0x356: {  	_ =	sfence.sel $0x180000  }
0x357: {  	[bflag:$0x0] =	sbarrier.arrive $0xFFFF  }
0x358: {  	_ =	strace $0x90000047  }
0x359: {  	[bflag:$0x2] =	sbarrier.arrive $0xFFFF  }
0x35a: {  	s0 =	rddreg [dreg:$0x4]  }
0x35b: {  	s0 =	sadd.s32 @!p0 $0x100000, s0  }
0x35c: {  	[sflag:s0] =	ssyncadd.tile.s32 @!p0 $0x1;
	_ =	shalt  }
.Lfunc_end2:
_tile_overlayer_lowered:
.L_overlay_start_2:
0x35d: {  	(tag) =	ssettag $0x2  }
0x35e: {  	s0 =	rddreg [dreg:$0x0];
	s2 =	stileid.u32  }
0x35f: {  	s1 =	rddreg [dreg:$0x1];
	p0 =	sne.s32 s2, $0x0  }
0x360: {  	s3 =	rddreg [dreg:$0x2];
	[bflag:$0x3] =	sbarrier.arrive $0xFFFF;
	s2 =	simm.s32 @!p0 $0x1C07  }
0x361: {  	[timem:s3], [sflag:s2] =	dma.local @!p0 [hbm:s0], s1  }
0x362: {  	s0 =	simm.s32 @!p0 $0x7  }
0x363: {  	_ =	swait.ge @!p0 [sflag:s0], s1  }
0x364: {  	s1 =	ssub.s32 @!p0 $0x0, s1;
	[sflag:s0] =	ssyncset.done @!p0 $0x0  }
0x365: {  	[sflag:s0] =	ssyncadd.s32 @!p0 s1  }
0x366: {  	[bflag:$0x3] =	sbarrier.arrive $0xFFFF  }
0x367: {  	_ =	shalt  }

</sc_bundles>
